<compile_context>
chip_gen: v7x
topology: tpu7x:2x2x1
jax: 0.10.2.dev20260603
libtpu: 0.0.44.dev20260713+nightly
codegen_flags: <defaults>
</compile_context>

<pallas_src>
import jax
import jax.numpy as jnp
from jax import lax
from jax.experimental import pallas as pl
from jax.experimental.pallas import tpu as pltpu
from jax.experimental.pallas import tpu_sc as plsc

_NC = 2
_NS = 16
_L = 16
_NW = _NC * _NS

_ROWS, _COLS = 16384, 2048
_SC_ROWS = 4096
_TC_ROWS = _ROWS - _SC_ROWS
_ROWS_PER_W = _SC_ROWS // _NW
_CHUNK_R = 4
_NBUF = 8
_NCHUNKS = _ROWS_PER_W // _CHUNK_R
_CVECS = _COLS // _L
_UNROLL = 4

_mesh = plsc.VectorSubcoreMesh(core_axis_name="c", subcore_axis_name="s")


def _sc_body(x_hbm, vv_hbm, o_hbm, buf, vvv,
             si0, si1, si2, si3, si4, si5, si6, si7,
             so0, so1, so2, so3, so4, so5, so6, so7):
    wid = lax.axis_index("s") * _NC + lax.axis_index("c")
    base = wid * _ROWS_PER_W
    pltpu.sync_copy(vv_hbm, vvv)
    vval = vvv[...]
    sins = (si0, si1, si2, si3, si4, si5, si6, si7)
    souts = (so0, so1, so2, so3, so4, so5, so6, so7)

    def start_in(c, b):
        pltpu.make_async_copy(
            x_hbm.at[pl.ds(base + c * _CHUNK_R, _CHUNK_R)], buf.at[b], sins[b]
        ).start()

    def wait_in(b):
        pltpu.make_async_copy(
            x_hbm.at[pl.ds(base, _CHUNK_R)], buf.at[b], sins[b]
        ).wait()

    def start_out(c, b):
        pltpu.make_async_copy(
            buf.at[b], o_hbm.at[pl.ds(base + c * _CHUNK_R, _CHUNK_R)], souts[b]
        ).start()

    def wait_out(b):
        pltpu.make_async_copy(
            buf.at[b], o_hbm.at[pl.ds(base, _CHUNK_R)], souts[b]
        ).wait()

    for c in range(_NBUF - 1):
        start_in(c, c)

    n_grp = _NCHUNKS // _NBUF

    def outer(gg, _):
        for b in range(_NBUF):
            c = gg * _NBUF + b
            wait_in(b)

            @plsc.parallel_loop(0, _CVECS, 1, unroll=_UNROLL)
            def _(j):
                sl = pl.ds(j * _L, _L)
                for r in range(_CHUNK_R):
                    v = buf[b, r, sl]
                    buf[b, r, sl] = jnp.where(v > 0.5, vval, v)

            start_out(c, b)

            bf = (b + _NBUF - 1) % _NBUF
            if b == 0:
                @pl.when(gg > 0)
                def _():
                    wait_out(bf)
                start_in(c + _NBUF - 1, bf)
            else:
                @pl.when(gg < n_grp - 1)
                def _():
                    wait_out(bf)
                    start_in(c + _NBUF - 1, bf)
        return 0

    lax.fori_loop(0, n_grp, outer, 0, unroll=False)
    for b in range(_NBUF):
        wait_out(b)


_sc_call = pl.kernel(
    _sc_body,
    out_type=jax.ShapeDtypeStruct((_SC_ROWS, _COLS), jnp.float32),
    mesh=_mesh,
    scratch_types=[
        pltpu.VMEM((_NBUF, _CHUNK_R, _COLS), jnp.float32),
        pltpu.VMEM((_L,), jnp.float32),
    ] + [pltpu.SemaphoreType.DMA] * 16,
    compiler_params=pltpu.CompilerParams(use_tc_tiling_on_sc=True),
)

_TC_BLOCK = 1024
_TC_OFF = _SC_ROWS // _TC_BLOCK


def _tc_body(value_ref, x_ref, o_ref):
    x = x_ref[...]
    o_ref[...] = jnp.where(x > 0.5, value_ref[0], x)


def _tc_call(x, v):
    return pl.pallas_call(
        _tc_body,
        grid=(_TC_ROWS // _TC_BLOCK,),
        in_specs=[
            pl.BlockSpec(memory_space=pltpu.SMEM),
            pl.BlockSpec((_TC_BLOCK, _COLS), lambda i: (i + _TC_OFF, 0)),
        ],
        out_specs=pl.BlockSpec((_TC_BLOCK, _COLS), lambda i: (i, 0)),
        out_shape=jax.ShapeDtypeStruct((_TC_ROWS, _COLS), jnp.float32),
    )(v, x)


def kernel(x, value):
    vv = jnp.broadcast_to(jnp.reshape(value, (1,)), (_L,))
    top = _sc_call(x, vv)
    bot = _tc_call(x, jnp.reshape(value, (1,)))
    return jnp.concatenate([top, bot], axis=0)

# --- scband reference (transcript-rebuilt; emitter-appended) ---
"""Pipeline reference for scband-my-model-61933428415174 (READ-ONLY COPY).

The authoritative reference and input builder live on the scoring server;
editing this copy changes nothing except your own understanding.
"""

import jax, jax.numpy as jnp
import numpy as np

def setup_inputs(seed: int = 0) -> dict:
    key = jax.random.key(seed)
    x = jax.random.normal(key, (16384, 2048), dtype=jnp.float32)
    # registered buffer 'value' from __init__
    value = jnp.asarray(0.5, dtype=jnp.float32)
    return {"x": x, "value": value}

def reference(x, value):
    # torch: x[x > 0.5] = self.value  (masked in-place overwrite)
    # functional jax equivalent: where mask is true, write the buffer value
    return jnp.where(x > 0.5, value, x)

if __name__ == "__main__":
    import jax
    _d = setup_inputs()
    print(jax.jit(kernel)(*tuple(_d.values())))

</pallas_src>

<mosaic_0001>
#map = affine_map<(d0, d1) -> (0, 0)>
#map1 = affine_map<(d0, d1) -> (0)>
module attributes {stable_mosaic.version = 14 : i64} {
  func.func @_sc_body(%arg0: i32, %arg1: i32, %arg2: memref<16384x2048xf32, #tpu.memory_space<hbm>>, %arg3: memref<16xf32, #tpu.memory_space<hbm>>, %arg4: memref<4096x2048xf32, #tpu.memory_space<hbm>>, %arg5: memref<8x4x2048xf32, #tpu.memory_space<vmem>>, %arg6: memref<16xf32, #tpu.memory_space<vmem>>, %arg7: memref<!tpu.dma_semaphore, #tpu.memory_space<semaphore_mem>>, %arg8: memref<!tpu.dma_semaphore, #tpu.memory_space<semaphore_mem>>, %arg9: memref<!tpu.dma_semaphore, #tpu.memory_space<semaphore_mem>>, %arg10: memref<!tpu.dma_semaphore, #tpu.memory_space<semaphore_mem>>, %arg11: memref<!tpu.dma_semaphore, #tpu.memory_space<semaphore_mem>>, %arg12: memref<!tpu.dma_semaphore, #tpu.memory_space<semaphore_mem>>, %arg13: memref<!tpu.dma_semaphore, #tpu.memory_space<semaphore_mem>>, %arg14: memref<!tpu.dma_semaphore, #tpu.memory_space<semaphore_mem>>, %arg15: memref<!tpu.dma_semaphore, #tpu.memory_space<semaphore_mem>>, %arg16: memref<!tpu.dma_semaphore, #tpu.memory_space<semaphore_mem>>, %arg17: memref<!tpu.dma_semaphore, #tpu.memory_space<semaphore_mem>>, %arg18: memref<!tpu.dma_semaphore, #tpu.memory_space<semaphore_mem>>, %arg19: memref<!tpu.dma_semaphore, #tpu.memory_space<semaphore_mem>>, %arg20: memref<!tpu.dma_semaphore, #tpu.memory_space<semaphore_mem>>, %arg21: memref<!tpu.dma_semaphore, #tpu.memory_space<semaphore_mem>>, %arg22: memref<!tpu.dma_semaphore, #tpu.memory_space<semaphore_mem>>) attributes {dimension_semantics = [#tpu.dimension_semantics<core_parallel>, #tpu.dimension_semantics<subcore_parallel>], iteration_bounds = array<i64: 2, 16>, scalar_prefetch = 0 : i64, scratch_operands = 18 : i64, tpu.core_type = #tpu.core_type<sc_vector_subcore>, window_params = [{transform_indices = #map}, {transform_indices = #map1}, {transform_indices = #map}]} {
    %mul3A = arith.constant 2 : i32
    %mul3A_0 = arith.muli %arg1, %mul3A : i32
    %add3A = arith.addi %mul3A_0, %arg0 : i32
    %mul3A_1 = arith.constant 128 : i32
    %mul3A_2 = arith.muli %add3A, %mul3A_1 : i32
    "tpu.region"() ({
      %run_scoped3A = tpu.sem_alloc : memref<!tpu.dma_semaphore, #tpu.memory_space<semaphore_mem>>
      tpu.enqueue_dma source(%arg3 : memref<16xf32, #tpu.memory_space<hbm>>) target(%arg6 : memref<16xf32, #tpu.memory_space<vmem>>) target_semaphore(%run_scoped3A : memref<!tpu.dma_semaphore, #tpu.memory_space<semaphore_mem>>)
      tpu.wait_dma2 semaphore(%run_scoped3A : memref<!tpu.dma_semaphore, #tpu.memory_space<semaphore_mem>>) src(%arg3 : memref<16xf32, #tpu.memory_space<hbm>>) dst(%arg6 : memref<16xf32, #tpu.memory_space<vmem>>)
      tpu.yield
    }) : () -> ()
    %get3A = arith.constant 0 : index
    %get3A_3 = tpu.vector_load %arg6[%get3A] {strides = array<i32>} : memref<16xf32, #tpu.memory_space<vmem>>, vector<16xf32>,
    %get3A_4 = vector.shape_cast %get3A_3 : vector<16xf32> to vector<16xf32>
    %add3A_5 = arith.constant 0 : i32
    %add3A_6 = arith.addi %mul3A_2, %add3A_5 : i32
    %dma_start3A = arith.constant 0 : i32
    %dma_start3A_7 = arith.constant 0 : i32
    %dma_start3A_8 = arith.constant 0 : i32
    %dma_start3A_9 = tpu.memref_slice %arg5[%dma_start3A, %dma_start3A_7, %dma_start3A_8] : memref<8x4x2048xf32, #tpu.memory_space<vmem>> -> memref<1x4x2048xf32, #tpu.memory_space<vmem>>
    %dma_start3A_10 = tpu.memref_squeeze %dma_start3A_9 : memref<1x4x2048xf32, #tpu.memory_space<vmem>> -> memref<4x2048xf32, #tpu.memory_space<vmem>>
    %dma_start3A_11 = arith.constant 0 : i32
    %dma_start3A_12 = tpu.memref_slice %arg2[%add3A_6, %dma_start3A_11] : memref<16384x2048xf32, #tpu.memory_space<hbm>> -> memref<4x2048xf32, #tpu.memory_space<hbm>>
    %dma_start3A_13 = arith.constant 0 : i32
    %dma_start3A_14 = arith.constant 0 : i32
    %dma_start3A_15 = tpu.memref_slice %arg5[%dma_start3A, %dma_start3A_13, %dma_start3A_14] : memref<8x4x2048xf32, #tpu.memory_space<vmem>> -> memref<1x4x2048xf32, #tpu.memory_space<vmem>>
    %dma_start3A_16 = tpu.memref_squeeze %dma_start3A_15 : memref<1x4x2048xf32, #tpu.memory_space<vmem>> -> memref<4x2048xf32, #tpu.memory_space<vmem>>
    %dma_start3A_17 = arith.constant 0 : i32
    %dma_start3A_18 = tpu.memref_slice %arg2[%add3A_6, %dma_start3A_17] : memref<16384x2048xf32, #tpu.memory_space<hbm>> -> memref<4x2048xf32, #tpu.memory_space<hbm>>
    tpu.enqueue_dma source(%dma_start3A_18 : memref<4x2048xf32, #tpu.memory_space<hbm>>) target(%dma_start3A_16 : memref<4x2048xf32, #tpu.memory_space<vmem>>) target_semaphore(%arg7 : memref<!tpu.dma_semaphore, #tpu.memory_space<semaphore_mem>>)
    %add3A_19 = arith.constant 4 : i32
    %add3A_20 = arith.addi %mul3A_2, %add3A_19 : i32
    %dma_start3A_21 = arith.constant 1 : i32
    %dma_start3A_22 = arith.constant 0 : i32
    %dma_start3A_23 = arith.constant 0 : i32
    %dma_start3A_24 = tpu.memref_slice %arg5[%dma_start3A_21, %dma_start3A_22, %dma_start3A_23] : memref<8x4x2048xf32, #tpu.memory_space<vmem>> -> memref<1x4x2048xf32, #tpu.memory_space<vmem>>
    %dma_start3A_25 = tpu.memref_squeeze %dma_start3A_24 : memref<1x4x2048xf32, #tpu.memory_space<vmem>> -> memref<4x2048xf32, #tpu.memory_space<vmem>>
    %dma_start3A_26 = arith.constant 0 : i32
    %dma_start3A_27 = tpu.memref_slice %arg2[%add3A_20, %dma_start3A_26] : memref<16384x2048xf32, #tpu.memory_space<hbm>> -> memref<4x2048xf32, #tpu.memory_space<hbm>>
    %dma_start3A_28 = arith.constant 0 : i32
    %dma_start3A_29 = arith.constant 0 : i32
    %dma_start3A_30 = tpu.memref_slice %arg5[%dma_start3A_21, %dma_start3A_28, %dma_start3A_29] : memref<8x4x2048xf32, #tpu.memory_space<vmem>> -> memref<1x4x2048xf32, #tpu.memory_space<vmem>>
    %dma_start3A_31 = tpu.memref_squeeze %dma_start3A_30 : memref<1x4x2048xf32, #tpu.memory_space<vmem>> -> memref<4x2048xf32, #tpu.memory_space<vmem>>
    %dma_start3A_32 = arith.constant 0 : i32
    %dma_start3A_33 = tpu.memref_slice %arg2[%add3A_20, %dma_start3A_32] : memref<16384x2048xf32, #tpu.memory_space<hbm>> -> memref<4x2048xf32, #tpu.memory_space<hbm>>
    tpu.enqueue_dma source(%dma_start3A_33 : memref<4x2048xf32, #tpu.memory_space<hbm>>) target(%dma_start3A_31 : memref<4x2048xf32, #tpu.memory_space<vmem>>) target_semaphore(%arg8 : memref<!tpu.dma_semaphore, #tpu.memory_space<semaphore_mem>>)
    %add3A_34 = arith.constant 8 : i32
    %add3A_35 = arith.addi %mul3A_2, %add3A_34 : i32
    %dma_start3A_36 = arith.constant 2 : i32
    %dma_start3A_37 = arith.constant 0 : i32
    %dma_start3A_38 = arith.constant 0 : i32
    %dma_start3A_39 = tpu.memref_slice %arg5[%dma_start3A_36, %dma_start3A_37, %dma_start3A_38] : memref<8x4x2048xf32, #tpu.memory_space<vmem>> -> memref<1x4x2048xf32, #tpu.memory_space<vmem>>
    %dma_start3A_40 = tpu.memref_squeeze %dma_start3A_39 : memref<1x4x2048xf32, #tpu.memory_space<vmem>> -> memref<4x2048xf32, #tpu.memory_space<vmem>>
    %dma_start3A_41 = arith.constant 0 : i32
    %dma_start3A_42 = tpu.memref_slice %arg2[%add3A_35, %dma_start3A_41] : memref<16384x2048xf32, #tpu.memory_space<hbm>> -> memref<4x2048xf32, #tpu.memory_space<hbm>>
    %dma_start3A_43 = arith.constant 0 : i32
    %dma_start3A_44 = arith.constant 0 : i32
    %dma_start3A_45 = tpu.memref_slice %arg5[%dma_start3A_36, %dma_start3A_43, %dma_start3A_44] : memref<8x4x2048xf32, #tpu.memory_space<vmem>> -> memref<1x4x2048xf32, #tpu.memory_space<vmem>>
    %dma_start3A_46 = tpu.memref_squeeze %dma_start3A_45 : memref<1x4x2048xf32, #tpu.memory_space<vmem>> -> memref<4x2048xf32, #tpu.memory_space<vmem>>
    %dma_start3A_47 = arith.constant 0 : i32
    %dma_start3A_48 = tpu.memref_slice %arg2[%add3A_35, %dma_start3A_47] : memref<16384x2048xf32, #tpu.memory_space<hbm>> -> memref<4x2048xf32, #tpu.memory_space<hbm>>
    tpu.enqueue_dma source(%dma_start3A_48 : memref<4x2048xf32, #tpu.memory_space<hbm>>) target(%dma_start3A_46 : memref<4x2048xf32, #tpu.memory_space<vmem>>) target_semaphore(%arg9 : memref<!tpu.dma_semaphore, #tpu.memory_space<semaphore_mem>>)
    %add3A_49 = arith.constant 12 : i32
    %add3A_50 = arith.addi %mul3A_2, %add3A_49 : i32
    %dma_start3A_51 = arith.constant 3 : i32
    %dma_start3A_52 = arith.constant 0 : i32
    %dma_start3A_53 = arith.constant 0 : i32
    %dma_start3A_54 = tpu.memref_slice %arg5[%dma_start3A_51, %dma_start3A_52, %dma_start3A_53] : memref<8x4x2048xf32, #tpu.memory_space<vmem>> -> memref<1x4x2048xf32, #tpu.memory_space<vmem>>
    %dma_start3A_55 = tpu.memref_squeeze %dma_start3A_54 : memref<1x4x2048xf32, #tpu.memory_space<vmem>> -> memref<4x2048xf32, #tpu.memory_space<vmem>>
    %dma_start3A_56 = arith.constant 0 : i32
    %dma_start3A_57 = tpu.memref_slice %arg2[%add3A_50, %dma_start3A_56] : memref<16384x2048xf32, #tpu.memory_space<hbm>> -> memref<4x2048xf32, #tpu.memory_space<hbm>>
    %dma_start3A_58 = arith.constant 0 : i32
    %dma_start3A_59 = arith.constant 0 : i32
    %dma_start3A_60 = tpu.memref_slice %arg5[%dma_start3A_51, %dma_start3A_58, %dma_start3A_59] : memref<8x4x2048xf32, #tpu.memory_space<vmem>> -> memref<1x4x2048xf32, #tpu.memory_space<vmem>>
    %dma_start3A_61 = tpu.memref_squeeze %dma_start3A_60 : memref<1x4x2048xf32, #tpu.memory_space<vmem>> -> memref<4x2048xf32, #tpu.memory_space<vmem>>
    %dma_start3A_62 = arith.constant 0 : i32
    %dma_start3A_63 = tpu.memref_slice %arg2[%add3A_50, %dma_start3A_62] : memref<16384x2048xf32, #tpu.memory_space<hbm>> -> memref<4x2048xf32, #tpu.memory_space<hbm>>
    tpu.enqueue_dma source(%dma_start3A_63 : memref<4x2048xf32, #tpu.memory_space<hbm>>) target(%dma_start3A_61 : memref<4x2048xf32, #tpu.memory_space<vmem>>) target_semaphore(%arg10 : memref<!tpu.dma_semaphore, #tpu.memory_space<semaphore_mem>>)
    %add3A_64 = arith.constant 16 : i32
    %add3A_65 = arith.addi %mul3A_2, %add3A_64 : i32
    %dma_start3A_66 = arith.constant 4 : i32
    %dma_start3A_67 = arith.constant 0 : i32
    %dma_start3A_68 = arith.constant 0 : i32
    %dma_start3A_69 = tpu.memref_slice %arg5[%dma_start3A_66, %dma_start3A_67, %dma_start3A_68] : memref<8x4x2048xf32, #tpu.memory_space<vmem>> -> memref<1x4x2048xf32, #tpu.memory_space<vmem>>
    %dma_start3A_70 = tpu.memref_squeeze %dma_start3A_69 : memref<1x4x2048xf32, #tpu.memory_space<vmem>> -> memref<4x2048xf32, #tpu.memory_space<vmem>>
    %dma_start3A_71 = arith.constant 0 : i32
    %dma_start3A_72 = tpu.memref_slice %arg2[%add3A_65, %dma_start3A_71] : memref<16384x2048xf32, #tpu.memory_space<hbm>> -> memref<4x2048xf32, #tpu.memory_space<hbm>>
    %dma_start3A_73 = arith.constant 0 : i32
    %dma_start3A_74 = arith.constant 0 : i32
    %dma_start3A_75 = tpu.memref_slice %arg5[%dma_start3A_66, %dma_start3A_73, %dma_start3A_74] : memref<8x4x2048xf32, #tpu.memory_space<vmem>> -> memref<1x4x2048xf32, #tpu.memory_space<vmem>>
    %dma_start3A_76 = tpu.memref_squeeze %dma_start3A_75 : memref<1x4x2048xf32, #tpu.memory_space<vmem>> -> memref<4x2048xf32, #tpu.memory_space<vmem>>
    %dma_start3A_77 = arith.constant 0 : i32
    %dma_start3A_78 = tpu.memref_slice %arg2[%add3A_65, %dma_start3A_77] : memref<16384x2048xf32, #tpu.memory_space<hbm>> -> memref<4x2048xf32, #tpu.memory_space<hbm>>
    tpu.enqueue_dma source(%dma_start3A_78 : memref<4x2048xf32, #tpu.memory_space<hbm>>) target(%dma_start3A_76 : memref<4x2048xf32, #tpu.memory_space<vmem>>) target_semaphore(%arg11 : memref<!tpu.dma_semaphore, #tpu.memory_space<semaphore_mem>>)
    %add3A_79 = arith.constant 20 : i32
    %add3A_80 = arith.addi %mul3A_2, %add3A_79 : i32
    %dma_start3A_81 = arith.constant 5 : i32
    %dma_start3A_82 = arith.constant 0 : i32
    %dma_start3A_83 = arith.constant 0 : i32
    %dma_start3A_84 = tpu.memref_slice %arg5[%dma_start3A_81, %dma_start3A_82, %dma_start3A_83] : memref<8x4x2048xf32, #tpu.memory_space<vmem>> -> memref<1x4x2048xf32, #tpu.memory_space<vmem>>
    %dma_start3A_85 = tpu.memref_squeeze %dma_start3A_84 : memref<1x4x2048xf32, #tpu.memory_space<vmem>> -> memref<4x2048xf32, #tpu.memory_space<vmem>>
    %dma_start3A_86 = arith.constant 0 : i32
    %dma_start3A_87 = tpu.memref_slice %arg2[%add3A_80, %dma_start3A_86] : memref<16384x2048xf32, #tpu.memory_space<hbm>> -> memref<4x2048xf32, #tpu.memory_space<hbm>>
    %dma_start3A_88 = arith.constant 0 : i32
    %dma_start3A_89 = arith.constant 0 : i32
    %dma_start3A_90 = tpu.memref_slice %arg5[%dma_start3A_81, %dma_start3A_88, %dma_start3A_89] : memref<8x4x2048xf32, #tpu.memory_space<vmem>> -> memref<1x4x2048xf32, #tpu.memory_space<vmem>>
    %dma_start3A_91 = tpu.memref_squeeze %dma_start3A_90 : memref<1x4x2048xf32, #tpu.memory_space<vmem>> -> memref<4x2048xf32, #tpu.memory_space<vmem>>
    %dma_start3A_92 = arith.constant 0 : i32
    %dma_start3A_93 = tpu.memref_slice %arg2[%add3A_80, %dma_start3A_92] : memref<16384x2048xf32, #tpu.memory_space<hbm>> -> memref<4x2048xf32, #tpu.memory_space<hbm>>
    tpu.enqueue_dma source(%dma_start3A_93 : memref<4x2048xf32, #tpu.memory_space<hbm>>) target(%dma_start3A_91 : memref<4x2048xf32, #tpu.memory_space<vmem>>) target_semaphore(%arg12 : memref<!tpu.dma_semaphore, #tpu.memory_space<semaphore_mem>>)
    %add3A_94 = arith.constant 24 : i32
    %add3A_95 = arith.addi %mul3A_2, %add3A_94 : i32
    %dma_start3A_96 = arith.constant 6 : i32
    %dma_start3A_97 = arith.constant 0 : i32
    %dma_start3A_98 = arith.constant 0 : i32
    %dma_start3A_99 = tpu.memref_slice %arg5[%dma_start3A_96, %dma_start3A_97, %dma_start3A_98] : memref<8x4x2048xf32, #tpu.memory_space<vmem>> -> memref<1x4x2048xf32, #tpu.memory_space<vmem>>
    %dma_start3A_100 = tpu.memref_squeeze %dma_start3A_99 : memref<1x4x2048xf32, #tpu.memory_space<vmem>> -> memref<4x2048xf32, #tpu.memory_space<vmem>>
    %dma_start3A_101 = arith.constant 0 : i32
    %dma_start3A_102 = tpu.memref_slice %arg2[%add3A_95, %dma_start3A_101] : memref<16384x2048xf32, #tpu.memory_space<hbm>> -> memref<4x2048xf32, #tpu.memory_space<hbm>>
    %dma_start3A_103 = arith.constant 0 : i32
    %dma_start3A_104 = arith.constant 0 : i32
    %dma_start3A_105 = tpu.memref_slice %arg5[%dma_start3A_96, %dma_start3A_103, %dma_start3A_104] : memref<8x4x2048xf32, #tpu.memory_space<vmem>> -> memref<1x4x2048xf32, #tpu.memory_space<vmem>>
    %dma_start3A_106 = tpu.memref_squeeze %dma_start3A_105 : memref<1x4x2048xf32, #tpu.memory_space<vmem>> -> memref<4x2048xf32, #tpu.memory_space<vmem>>
    %dma_start3A_107 = arith.constant 0 : i32
    %dma_start3A_108 = tpu.memref_slice %arg2[%add3A_95, %dma_start3A_107] : memref<16384x2048xf32, #tpu.memory_space<hbm>> -> memref<4x2048xf32, #tpu.memory_space<hbm>>
    tpu.enqueue_dma source(%dma_start3A_108 : memref<4x2048xf32, #tpu.memory_space<hbm>>) target(%dma_start3A_106 : memref<4x2048xf32, #tpu.memory_space<vmem>>) target_semaphore(%arg13 : memref<!tpu.dma_semaphore, #tpu.memory_space<semaphore_mem>>)
    %scan3A = arith.constant 0 : i32
    %scan3A_109 = arith.constant 0 : i32
    %scan3A_110 = arith.constant 4 : i32
    %scan3A_111 = arith.addi %scan3A_109, %scan3A_110 : i32
    %scan3A_112 = arith.constant 1 : i32
    %scan3A_113 = scf.for %scan3A_218 = %scan3A_109 to %scan3A_111 step %scan3A_112 iter_args(%scan3A_219 = %scan3A) -> (i32)  : i32 {
      %mul3A_220 = arith.constant 8 : i32
      %mul3A_221 = arith.muli %scan3A_218, %mul3A_220 : i32
      %add3A_222 = arith.constant 0 : i32
      %add3A_223 = arith.addi %mul3A_221, %add3A_222 : i32
      %dma_wait3A_224 = arith.constant 0 : i32
      %dma_wait3A_225 = arith.constant 0 : i32
      %dma_wait3A_226 = arith.constant 0 : i32
      %dma_wait3A_227 = tpu.memref_slice %arg5[%dma_wait3A_224, %dma_wait3A_225, %dma_wait3A_226] : memref<8x4x2048xf32, #tpu.memory_space<vmem>> -> memref<1x4x2048xf32, #tpu.memory_space<vmem>>
      %dma_wait3A_228 = tpu.memref_squeeze %dma_wait3A_227 : memref<1x4x2048xf32, #tpu.memory_space<vmem>> -> memref<4x2048xf32, #tpu.memory_space<vmem>>
      %dma_wait3A_229 = arith.constant 0 : i32
      %dma_wait3A_230 = tpu.memref_slice %arg2[%mul3A_2, %dma_wait3A_229] : memref<16384x2048xf32, #tpu.memory_space<hbm>> -> memref<4x2048xf32, #tpu.memory_space<hbm>>
      %dma_wait3A_231 = arith.constant 0 : i32
      %dma_wait3A_232 = arith.constant 0 : i32
      %dma_wait3A_233 = tpu.memref_slice %arg5[%dma_wait3A_224, %dma_wait3A_231, %dma_wait3A_232] : memref<8x4x2048xf32, #tpu.memory_space<vmem>> -> memref<1x4x2048xf32, #tpu.memory_space<vmem>>
      %dma_wait3A_234 = tpu.memref_squeeze %dma_wait3A_233 : memref<1x4x2048xf32, #tpu.memory_space<vmem>> -> memref<4x2048xf32, #tpu.memory_space<vmem>>
      %dma_wait3A_235 = arith.constant 0 : i32
      %dma_wait3A_236 = tpu.memref_slice %arg2[%mul3A_2, %dma_wait3A_235] : memref<16384x2048xf32, #tpu.memory_space<hbm>> -> memref<4x2048xf32, #tpu.memory_space<hbm>>
      tpu.wait_dma2 semaphore(%arg7 : memref<!tpu.dma_semaphore, #tpu.memory_space<semaphore_mem>>) src(%dma_wait3A_236 : memref<4x2048xf32, #tpu.memory_space<hbm>>) dst(%dma_wait3A_234 : memref<4x2048xf32, #tpu.memory_space<vmem>>)
      %parallel_loop3A = arith.constant 0 : i32
      %parallel_loop3A_237 = arith.constant 128 : i32
      %parallel_loop3A_238 = arith.constant 1 : i32
      scf.for %parallel_loop3A_563 = %parallel_loop3A to %parallel_loop3A_237 step %parallel_loop3A_238  : i32 {
        %parallel_loop3A_564 = arith.constant 16 : i32
        %parallel_loop3A_565 = arith.muli %parallel_loop3A_563, %parallel_loop3A_564 : i32
        %parallel_loop3A_566 = arith.constant 0 : i32
        %parallel_loop3A_567 = arith.constant 0 : i32
        %parallel_loop3A_568 = arith.index_cast %parallel_loop3A_566 : i32 to index
        %parallel_loop3A_569 = arith.index_cast %parallel_loop3A_567 : i32 to index
        %parallel_loop3A_570 = arith.index_cast %parallel_loop3A_565 : i32 to index
        %parallel_loop3A_571 = tpu.vector_load %arg5[%parallel_loop3A_568, %parallel_loop3A_569, %parallel_loop3A_570] {strides = array<i32>} : memref<8x4x2048xf32, #tpu.memory_space<vmem>>, vector<1x1x16xf32>,
        %parallel_loop3A_572 = vector.shape_cast %parallel_loop3A_571 : vector<1x1x16xf32> to vector<16xf32>
        %parallel_loop3A_573 = arith.constant 5.000000e-01 : f32
        %parallel_loop3A_574 = vector.broadcast %parallel_loop3A_573 : f32 to vector<16xf32>
        %parallel_loop3A_575 = arith.cmpf ogt, %parallel_loop3A_572, %parallel_loop3A_574 : vector<16xf32>
        %parallel_loop3A_576 = arith.select %parallel_loop3A_575, %get3A_4, %parallel_loop3A_572 : vector<16xi1>, vector<16xf32>
        %parallel_loop3A_577 = arith.constant 0 : i32
        %parallel_loop3A_578 = arith.constant 0 : i32
        %parallel_loop3A_579 = arith.index_cast %parallel_loop3A_577 : i32 to index
        %parallel_loop3A_580 = arith.index_cast %parallel_loop3A_578 : i32 to index
        %parallel_loop3A_581 = arith.index_cast %parallel_loop3A_565 : i32 to index
        %parallel_loop3A_582 = tpu.vector_load %arg5[%parallel_loop3A_579, %parallel_loop3A_580, %parallel_loop3A_581] {strides = array<i32>} : memref<8x4x2048xf32, #tpu.memory_space<vmem>>, vector<1x1x16xf32>,
        %parallel_loop3A_583 = vector.shape_cast %parallel_loop3A_582 : vector<1x1x16xf32> to vector<16xf32>
        %parallel_loop3A_584 = vector.shape_cast %parallel_loop3A_576 : vector<16xf32> to vector<1x1x16xf32>
        tpu.vector_store %arg5[%parallel_loop3A_579, %parallel_loop3A_580, %parallel_loop3A_581], %parallel_loop3A_584 {strides = array<i32>} : memref<8x4x2048xf32, #tpu.memory_space<vmem>>, vector<1x1x16xf32>,
        %parallel_loop3A_585 = arith.constant 0 : i32
        %parallel_loop3A_586 = arith.constant 1 : i32
        %parallel_loop3A_587 = arith.index_cast %parallel_loop3A_585 : i32 to index
        %parallel_loop3A_588 = arith.index_cast %parallel_loop3A_586 : i32 to index
        %parallel_loop3A_589 = arith.index_cast %parallel_loop3A_565 : i32 to index
        %parallel_loop3A_590 = tpu.vector_load %arg5[%parallel_loop3A_587, %parallel_loop3A_588, %parallel_loop3A_589] {strides = array<i32>} : memref<8x4x2048xf32, #tpu.memory_space<vmem>>, vector<1x1x16xf32>,
        %parallel_loop3A_591 = vector.shape_cast %parallel_loop3A_590 : vector<1x1x16xf32> to vector<16xf32>
        %parallel_loop3A_592 = arith.constant 5.000000e-01 : f32
        %parallel_loop3A_593 = vector.broadcast %parallel_loop3A_592 : f32 to vector<16xf32>
        %parallel_loop3A_594 = arith.cmpf ogt, %parallel_loop3A_591, %parallel_loop3A_593 : vector<16xf32>
        %parallel_loop3A_595 = arith.select %parallel_loop3A_594, %get3A_4, %parallel_loop3A_591 : vector<16xi1>, vector<16xf32>
        %parallel_loop3A_596 = arith.constant 0 : i32
        %parallel_loop3A_597 = arith.constant 1 : i32
        %parallel_loop3A_598 = arith.index_cast %parallel_loop3A_596 : i32 to index
        %parallel_loop3A_599 = arith.index_cast %parallel_loop3A_597 : i32 to index
        %parallel_loop3A_600 = arith.index_cast %parallel_loop3A_565 : i32 to index
        %parallel_loop3A_601 = tpu.vector_load %arg5[%parallel_loop3A_598, %parallel_loop3A_599, %parallel_loop3A_600] {strides = array<i32>} : memref<8x4x2048xf32, #tpu.memory_space<vmem>>, vector<1x1x16xf32>,
        %parallel_loop3A_602 = vector.shape_cast %parallel_loop3A_601 : vector<1x1x16xf32> to vector<16xf32>
        %parallel_loop3A_603 = vector.shape_cast %parallel_loop3A_595 : vector<16xf32> to vector<1x1x16xf32>
        tpu.vector_store %arg5[%parallel_loop3A_598, %parallel_loop3A_599, %parallel_loop3A_600], %parallel_loop3A_603 {strides = array<i32>} : memref<8x4x2048xf32, #tpu.memory_space<vmem>>, vector<1x1x16xf32>,
        %parallel_loop3A_604 = arith.constant 0 : i32
        %parallel_loop3A_605 = arith.constant 2 : i32
        %parallel_loop3A_606 = arith.index_cast %parallel_loop3A_604 : i32 to index
        %parallel_loop3A_607 = arith.index_cast %parallel_loop3A_605 : i32 to index
        %parallel_loop3A_608 = arith.index_cast %parallel_loop3A_565 : i32 to index
        %parallel_loop3A_609 = tpu.vector_load %arg5[%parallel_loop3A_606, %parallel_loop3A_607, %parallel_loop3A_608] {strides = array<i32>} : memref<8x4x2048xf32, #tpu.memory_space<vmem>>, vector<1x1x16xf32>,
        %parallel_loop3A_610 = vector.shape_cast %parallel_loop3A_609 : vector<1x1x16xf32> to vector<16xf32>
        %parallel_loop3A_611 = arith.constant 5.000000e-01 : f32
        %parallel_loop3A_612 = vector.broadcast %parallel_loop3A_611 : f32 to vector<16xf32>
        %parallel_loop3A_613 = arith.cmpf ogt, %parallel_loop3A_610, %parallel_loop3A_612 : vector<16xf32>
        %parallel_loop3A_614 = arith.select %parallel_loop3A_613, %get3A_4, %parallel_loop3A_610 : vector<16xi1>, vector<16xf32>
        %parallel_loop3A_615 = arith.constant 0 : i32
        %parallel_loop3A_616 = arith.constant 2 : i32
        %parallel_loop3A_617 = arith.index_cast %parallel_loop3A_615 : i32 to index
        %parallel_loop3A_618 = arith.index_cast %parallel_loop3A_616 : i32 to index
        %parallel_loop3A_619 = arith.index_cast %parallel_loop3A_565 : i32 to index
        %parallel_loop3A_620 = tpu.vector_load %arg5[%parallel_loop3A_617, %parallel_loop3A_618, %parallel_loop3A_619] {strides = array<i32>} : memref<8x4x2048xf32, #tpu.memory_space<vmem>>, vector<1x1x16xf32>,
        %parallel_loop3A_621 = vector.shape_cast %parallel_loop3A_620 : vector<1x1x16xf32> to vector<16xf32>
        %parallel_loop3A_622 = vector.shape_cast %parallel_loop3A_614 : vector<16xf32> to vector<1x1x16xf32>
        tpu.vector_store %arg5[%parallel_loop3A_617, %parallel_loop3A_618, %parallel_loop3A_619], %parallel_loop3A_622 {strides = array<i32>} : memref<8x4x2048xf32, #tpu.memory_space<vmem>>, vector<1x1x16xf32>,
        %parallel_loop3A_623 = arith.constant 0 : i32
        %parallel_loop3A_624 = arith.constant 3 : i32
        %parallel_loop3A_625 = arith.index_cast %parallel_loop3A_623 : i32 to index
        %parallel_loop3A_626 = arith.index_cast %parallel_loop3A_624 : i32 to index
        %parallel_loop3A_627 = arith.index_cast %parallel_loop3A_565 : i32 to index
        %parallel_loop3A_628 = tpu.vector_load %arg5[%parallel_loop3A_625, %parallel_loop3A_626, %parallel_loop3A_627] {strides = array<i32>} : memref<8x4x2048xf32, #tpu.memory_space<vmem>>, vector<1x1x16xf32>,
        %parallel_loop3A_629 = vector.shape_cast %parallel_loop3A_628 : vector<1x1x16xf32> to vector<16xf32>
        %parallel_loop3A_630 = arith.constant 5.000000e-01 : f32
        %parallel_loop3A_631 = vector.broadcast %parallel_loop3A_630 : f32 to vector<16xf32>
        %parallel_loop3A_632 = arith.cmpf ogt, %parallel_loop3A_629, %parallel_loop3A_631 : vector<16xf32>
        %parallel_loop3A_633 = arith.select %parallel_loop3A_632, %get3A_4, %parallel_loop3A_629 : vector<16xi1>, vector<16xf32>
        %parallel_loop3A_634 = arith.constant 0 : i32
        %parallel_loop3A_635 = arith.constant 3 : i32
        %parallel_loop3A_636 = arith.index_cast %parallel_loop3A_634 : i32 to index
        %parallel_loop3A_637 = arith.index_cast %parallel_loop3A_635 : i32 to index
        %parallel_loop3A_638 = arith.index_cast %parallel_loop3A_565 : i32 to index
        %parallel_loop3A_639 = tpu.vector_load %arg5[%parallel_loop3A_636, %parallel_loop3A_637, %parallel_loop3A_638] {strides = array<i32>} : memref<8x4x2048xf32, #tpu.memory_space<vmem>>, vector<1x1x16xf32>,
        %parallel_loop3A_640 = vector.shape_cast %parallel_loop3A_639 : vector<1x1x16xf32> to vector<16xf32>
        %parallel_loop3A_641 = vector.shape_cast %parallel_loop3A_633 : vector<16xf32> to vector<1x1x16xf32>
        tpu.vector_store %arg5[%parallel_loop3A_636, %parallel_loop3A_637, %parallel_loop3A_638], %parallel_loop3A_641 {strides = array<i32>} : memref<8x4x2048xf32, #tpu.memory_space<vmem>>, vector<1x1x16xf32>,
      } {sc.loop_unroll_factor = 4 : i64, sc.parallel_access}
      %mul3A_239 = arith.constant 4 : i32
      %mul3A_240 = arith.muli %add3A_223, %mul3A_239 : i32
      %add3A_241 = arith.addi %mul3A_2, %mul3A_240 : i32
      %dma_start3A_242 = arith.constant 0 : i32
      %dma_start3A_243 = arith.constant 0 : i32
      %dma_start3A_244 = arith.constant 0 : i32
      %dma_start3A_245 = tpu.memref_slice %arg5[%dma_start3A_242, %dma_start3A_243, %dma_start3A_244] : memref<8x4x2048xf32, #tpu.memory_space<vmem>> -> memref<1x4x2048xf32, #tpu.memory_space<vmem>>
      %dma_start3A_246 = tpu.memref_squeeze %dma_start3A_245 : memref<1x4x2048xf32, #tpu.memory_space<vmem>> -> memref<4x2048xf32, #tpu.memory_space<vmem>>
      %dma_start3A_247 = arith.constant 0 : i32
      %dma_start3A_248 = tpu.memref_slice %arg4[%add3A_241, %dma_start3A_247] : memref<4096x2048xf32, #tpu.memory_space<hbm>> -> memref<4x2048xf32, #tpu.memory_space<hbm>>
      %dma_start3A_249 = arith.constant 0 : i32
      %dma_start3A_250 = tpu.memref_slice %arg4[%add3A_241, %dma_start3A_249] : memref<4096x2048xf32, #tpu.memory_space<hbm>> -> memref<4x2048xf32, #tpu.memory_space<hbm>>
      %dma_start3A_251 = arith.constant 0 : i32
      %dma_start3A_252 = arith.constant 0 : i32
      %dma_start3A_253 = tpu.memref_slice %arg5[%dma_start3A_242, %dma_start3A_251, %dma_start3A_252] : memref<8x4x2048xf32, #tpu.memory_space<vmem>> -> memref<1x4x2048xf32, #tpu.memory_space<vmem>>
      %dma_start3A_254 = tpu.memref_squeeze %dma_start3A_253 : memref<1x4x2048xf32, #tpu.memory_space<vmem>> -> memref<4x2048xf32, #tpu.memory_space<vmem>>
      tpu.enqueue_dma source(%dma_start3A_254 : memref<4x2048xf32, #tpu.memory_space<vmem>>) target(%dma_start3A_250 : memref<4x2048xf32, #tpu.memory_space<hbm>>) target_semaphore(%arg15 : memref<!tpu.dma_semaphore, #tpu.memory_space<semaphore_mem>>)
      %gt3A = arith.constant 0 : i32
      %gt3A_255 = arith.cmpi sgt, %scan3A_218, %gt3A : i32
      %convert_element_type3A = arith.extui %gt3A_255 : i1 to i32
      %cond3A = arith.constant 0 : i32
      %cond3A_256 = arith.cmpi ne, %convert_element_type3A, %cond3A : i32
      scf.if %cond3A_256 {
        %dma_wait3A_563 = arith.constant 7 : i32
        %dma_wait3A_564 = arith.constant 0 : i32
        %dma_wait3A_565 = arith.constant 0 : i32
        %dma_wait3A_566 = tpu.memref_slice %arg5[%dma_wait3A_563, %dma_wait3A_564, %dma_wait3A_565] : memref<8x4x2048xf32, #tpu.memory_space<vmem>> -> memref<1x4x2048xf32, #tpu.memory_space<vmem>>
        %dma_wait3A_567 = tpu.memref_squeeze %dma_wait3A_566 : memref<1x4x2048xf32, #tpu.memory_space<vmem>> -> memref<4x2048xf32, #tpu.memory_space<vmem>>
        %dma_wait3A_568 = arith.constant 0 : i32
        %dma_wait3A_569 = tpu.memref_slice %arg4[%mul3A_2, %dma_wait3A_568] : memref<4096x2048xf32, #tpu.memory_space<hbm>> -> memref<4x2048xf32, #tpu.memory_space<hbm>>
        %dma_wait3A_570 = arith.constant 0 : i32
        %dma_wait3A_571 = tpu.memref_slice %arg4[%mul3A_2, %dma_wait3A_570] : memref<4096x2048xf32, #tpu.memory_space<hbm>> -> memref<4x2048xf32, #tpu.memory_space<hbm>>
        %dma_wait3A_572 = arith.constant 0 : i32
        %dma_wait3A_573 = arith.constant 0 : i32
        %dma_wait3A_574 = tpu.memref_slice %arg5[%dma_wait3A_563, %dma_wait3A_572, %dma_wait3A_573] : memref<8x4x2048xf32, #tpu.memory_space<vmem>> -> memref<1x4x2048xf32, #tpu.memory_space<vmem>>
        %dma_wait3A_575 = tpu.memref_squeeze %dma_wait3A_574 : memref<1x4x2048xf32, #tpu.memory_space<vmem>> -> memref<4x2048xf32, #tpu.memory_space<vmem>>
        tpu.wait_dma2 semaphore(%arg22 : memref<!tpu.dma_semaphore, #tpu.memory_space<semaphore_mem>>) src(%dma_wait3A_575 : memref<4x2048xf32, #tpu.memory_space<vmem>>) dst(%dma_wait3A_571 : memref<4x2048xf32, #tpu.memory_space<hbm>>)
      } else {
      }
      %add3A_257 = arith.constant 8 : i32
      %add3A_258 = arith.addi %add3A_223, %add3A_257 : i32
      %sub3A = arith.constant 1 : i32
      %sub3A_259 = arith.subi %add3A_258, %sub3A : i32
      %mul3A_260 = arith.constant 4 : i32
      %mul3A_261 = arith.muli %sub3A_259, %mul3A_260 : i32
      %add3A_262 = arith.addi %mul3A_2, %mul3A_261 : i32
      %dma_start3A_263 = arith.constant 7 : i32
      %dma_start3A_264 = arith.constant 0 : i32
      %dma_start3A_265 = arith.constant 0 : i32
      %dma_start3A_266 = tpu.memref_slice %arg5[%dma_start3A_263, %dma_start3A_264, %dma_start3A_265] : memref<8x4x2048xf32, #tpu.memory_space<vmem>> -> memref<1x4x2048xf32, #tpu.memory_space<vmem>>
      %dma_start3A_267 = tpu.memref_squeeze %dma_start3A_266 : memref<1x4x2048xf32, #tpu.memory_space<vmem>> -> memref<4x2048xf32, #tpu.memory_space<vmem>>
      %dma_start3A_268 = arith.constant 0 : i32
      %dma_start3A_269 = tpu.memref_slice %arg2[%add3A_262, %dma_start3A_268] : memref<16384x2048xf32, #tpu.memory_space<hbm>> -> memref<4x2048xf32, #tpu.memory_space<hbm>>
      %dma_start3A_270 = arith.constant 0 : i32
      %dma_start3A_271 = arith.constant 0 : i32
      %dma_start3A_272 = tpu.memref_slice %arg5[%dma_start3A_263, %dma_start3A_270, %dma_start3A_271] : memref<8x4x2048xf32, #tpu.memory_space<vmem>> -> memref<1x4x2048xf32, #tpu.memory_space<vmem>>
      %dma_start3A_273 = tpu.memref_squeeze %dma_start3A_272 : memref<1x4x2048xf32, #tpu.memory_space<vmem>> -> memref<4x2048xf32, #tpu.memory_space<vmem>>
      %dma_start3A_274 = arith.constant 0 : i32
      %dma_start3A_275 = tpu.memref_slice %arg2[%add3A_262, %dma_start3A_274] : memref<16384x2048xf32, #tpu.memory_space<hbm>> -> memref<4x2048xf32, #tpu.memory_space<hbm>>
      tpu.enqueue_dma source(%dma_start3A_275 : memref<4x2048xf32, #tpu.memory_space<hbm>>) target(%dma_start3A_273 : memref<4x2048xf32, #tpu.memory_space<vmem>>) target_semaphore(%arg14 : memref<!tpu.dma_semaphore, #tpu.memory_space<semaphore_mem>>)
      %mul3A_276 = arith.constant 8 : i32
      %mul3A_277 = arith.muli %scan3A_218, %mul3A_276 : i32
      %add3A_278 = arith.constant 1 : i32
      %add3A_279 = arith.addi %mul3A_277, %add3A_278 : i32
      %dma_wait3A_280 = arith.constant 1 : i32
      %dma_wait3A_281 = arith.constant 0 : i32
      %dma_wait3A_282 = arith.constant 0 : i32
      %dma_wait3A_283 = tpu.memref_slice %arg5[%dma_wait3A_280, %dma_wait3A_281, %dma_wait3A_282] : memref<8x4x2048xf32, #tpu.memory_space<vmem>> -> memref<1x4x2048xf32, #tpu.memory_space<vmem>>
      %dma_wait3A_284 = tpu.memref_squeeze %dma_wait3A_283 : memref<1x4x2048xf32, #tpu.memory_space<vmem>> -> memref<4x2048xf32, #tpu.memory_space<vmem>>
      %dma_wait3A_285 = arith.constant 0 : i32
      %dma_wait3A_286 = tpu.memref_slice %arg2[%mul3A_2, %dma_wait3A_285] : memref<16384x2048xf32, #tpu.memory_space<hbm>> -> memref<4x2048xf32, #tpu.memory_space<hbm>>
      %dma_wait3A_287 = arith.constant 0 : i32
      %dma_wait3A_288 = arith.constant 0 : i32
      %dma_wait3A_289 = tpu.memref_slice %arg5[%dma_wait3A_280, %dma_wait3A_287, %dma_wait3A_288] : memref<8x4x2048xf32, #tpu.memory_space<vmem>> -> memref<1x4x2048xf32, #tpu.memory_space<vmem>>
      %dma_wait3A_290 = tpu.memref_squeeze %dma_wait3A_289 : memref<1x4x2048xf32, #tpu.memory_space<vmem>> -> memref<4x2048xf32, #tpu.memory_space<vmem>>
      %dma_wait3A_291 = arith.constant 0 : i32
      %dma_wait3A_292 = tpu.memref_slice %arg2[%mul3A_2, %dma_wait3A_291] : memref<16384x2048xf32, #tpu.memory_space<hbm>> -> memref<4x2048xf32, #tpu.memory_space<hbm>>
      tpu.wait_dma2 semaphore(%arg8 : memref<!tpu.dma_semaphore, #tpu.memory_space<semaphore_mem>>) src(%dma_wait3A_292 : memref<4x2048xf32, #tpu.memory_space<hbm>>) dst(%dma_wait3A_290 : memref<4x2048xf32, #tpu.memory_space<vmem>>)
      %parallel_loop3A_293 = arith.constant 0 : i32
      %parallel_loop3A_294 = arith.constant 128 : i32
      %parallel_loop3A_295 = arith.constant 1 : i32
      scf.for %parallel_loop3A_563 = %parallel_loop3A_293 to %parallel_loop3A_294 step %parallel_loop3A_295  : i32 {
        %parallel_loop3A_564 = arith.constant 16 : i32
        %parallel_loop3A_565 = arith.muli %parallel_loop3A_563, %parallel_loop3A_564 : i32
        %parallel_loop3A_566 = arith.constant 1 : i32
        %parallel_loop3A_567 = arith.constant 0 : i32
        %parallel_loop3A_568 = arith.index_cast %parallel_loop3A_566 : i32 to index
        %parallel_loop3A_569 = arith.index_cast %parallel_loop3A_567 : i32 to index
        %parallel_loop3A_570 = arith.index_cast %parallel_loop3A_565 : i32 to index
        %parallel_loop3A_571 = tpu.vector_load %arg5[%parallel_loop3A_568, %parallel_loop3A_569, %parallel_loop3A_570] {strides = array<i32>} : memref<8x4x2048xf32, #tpu.memory_space<vmem>>, vector<1x1x16xf32>,
        %parallel_loop3A_572 = vector.shape_cast %parallel_loop3A_571 : vector<1x1x16xf32> to vector<16xf32>
        %parallel_loop3A_573 = arith.constant 5.000000e-01 : f32
        %parallel_loop3A_574 = vector.broadcast %parallel_loop3A_573 : f32 to vector<16xf32>
        %parallel_loop3A_575 = arith.cmpf ogt, %parallel_loop3A_572, %parallel_loop3A_574 : vector<16xf32>
        %parallel_loop3A_576 = arith.select %parallel_loop3A_575, %get3A_4, %parallel_loop3A_572 : vector<16xi1>, vector<16xf32>
        %parallel_loop3A_577 = arith.constant 1 : i32
        %parallel_loop3A_578 = arith.constant 0 : i32
        %parallel_loop3A_579 = arith.index_cast %parallel_loop3A_577 : i32 to index
        %parallel_loop3A_580 = arith.index_cast %parallel_loop3A_578 : i32 to index
        %parallel_loop3A_581 = arith.index_cast %parallel_loop3A_565 : i32 to index
        %parallel_loop3A_582 = tpu.vector_load %arg5[%parallel_loop3A_579, %parallel_loop3A_580, %parallel_loop3A_581] {strides = array<i32>} : memref<8x4x2048xf32, #tpu.memory_space<vmem>>, vector<1x1x16xf32>,
        %parallel_loop3A_583 = vector.shape_cast %parallel_loop3A_582 : vector<1x1x16xf32> to vector<16xf32>
        %parallel_loop3A_584 = vector.shape_cast %parallel_loop3A_576 : vector<16xf32> to vector<1x1x16xf32>
        tpu.vector_store %arg5[%parallel_loop3A_579, %parallel_loop3A_580, %parallel_loop3A_581], %parallel_loop3A_584 {strides = array<i32>} : memref<8x4x2048xf32, #tpu.memory_space<vmem>>, vector<1x1x16xf32>,
        %parallel_loop3A_585 = arith.constant 1 : i32
        %parallel_loop3A_586 = arith.constant 1 : i32
        %parallel_loop3A_587 = arith.index_cast %parallel_loop3A_585 : i32 to index
        %parallel_loop3A_588 = arith.index_cast %parallel_loop3A_586 : i32 to index
        %parallel_loop3A_589 = arith.index_cast %parallel_loop3A_565 : i32 to index
        %parallel_loop3A_590 = tpu.vector_load %arg5[%parallel_loop3A_587, %parallel_loop3A_588, %parallel_loop3A_589] {strides = array<i32>} : memref<8x4x2048xf32, #tpu.memory_space<vmem>>, vector<1x1x16xf32>,
        %parallel_loop3A_591 = vector.shape_cast %parallel_loop3A_590 : vector<1x1x16xf32> to vector<16xf32>
        %parallel_loop3A_592 = arith.constant 5.000000e-01 : f32
        %parallel_loop3A_593 = vector.broadcast %parallel_loop3A_592 : f32 to vector<16xf32>
        %parallel_loop3A_594 = arith.cmpf ogt, %parallel_loop3A_591, %parallel_loop3A_593 : vector<16xf32>
        %parallel_loop3A_595 = arith.select %parallel_loop3A_594, %get3A_4, %parallel_loop3A_591 : vector<16xi1>, vector<16xf32>
        %parallel_loop3A_596 = arith.constant 1 : i32
        %parallel_loop3A_597 = arith.constant 1 : i32
        %parallel_loop3A_598 = arith.index_cast %parallel_loop3A_596 : i32 to index
        %parallel_loop3A_599 = arith.index_cast %parallel_loop3A_597 : i32 to index
        %parallel_loop3A_600 = arith.index_cast %parallel_loop3A_565 : i32 to index
        %parallel_loop3A_601 = tpu.vector_load %arg5[%parallel_loop3A_598, %parallel_loop3A_599, %parallel_loop3A_600] {strides = array<i32>} : memref<8x4x2048xf32, #tpu.memory_space<vmem>>, vector<1x1x16xf32>,
        %parallel_loop3A_602 = vector.shape_cast %parallel_loop3A_601 : vector<1x1x16xf32> to vector<16xf32>
        %parallel_loop3A_603 = vector.shape_cast %parallel_loop3A_595 : vector<16xf32> to vector<1x1x16xf32>
        tpu.vector_store %arg5[%parallel_loop3A_598, %parallel_loop3A_599, %parallel_loop3A_600], %parallel_loop3A_603 {strides = array<i32>} : memref<8x4x2048xf32, #tpu.memory_space<vmem>>, vector<1x1x16xf32>,
        %parallel_loop3A_604 = arith.constant 1 : i32
        %parallel_loop3A_605 = arith.constant 2 : i32
        %parallel_loop3A_606 = arith.index_cast %parallel_loop3A_604 : i32 to index
        %parallel_loop3A_607 = arith.index_cast %parallel_loop3A_605 : i32 to index
        %parallel_loop3A_608 = arith.index_cast %parallel_loop3A_565 : i32 to index
        %parallel_loop3A_609 = tpu.vector_load %arg5[%parallel_loop3A_606, %parallel_loop3A_607, %parallel_loop3A_608] {strides = array<i32>} : memref<8x4x2048xf32, #tpu.memory_space<vmem>>, vector<1x1x16xf32>,
        %parallel_loop3A_610 = vector.shape_cast %parallel_loop3A_609 : vector<1x1x16xf32> to vector<16xf32>
        %parallel_loop3A_611 = arith.constant 5.000000e-01 : f32
        %parallel_loop3A_612 = vector.broadcast %parallel_loop3A_611 : f32 to vector<16xf32>
        %parallel_loop3A_613 = arith.cmpf ogt, %parallel_loop3A_610, %parallel_loop3A_612 : vector<16xf32>
        %parallel_loop3A_614 = arith.select %parallel_loop3A_613, %get3A_4, %parallel_loop3A_610 : vector<16xi1>, vector<16xf32>
        %parallel_loop3A_615 = arith.constant 1 : i32
        %parallel_loop3A_616 = arith.constant 2 : i32
        %parallel_loop3A_617 = arith.index_cast %parallel_loop3A_615 : i32 to index
        %parallel_loop3A_618 = arith.index_cast %parallel_loop3A_616 : i32 to index
        %parallel_loop3A_619 = arith.index_cast %parallel_loop3A_565 : i32 to index
        %parallel_loop3A_620 = tpu.vector_load %arg5[%parallel_loop3A_617, %parallel_loop3A_618, %parallel_loop3A_619] {strides = array<i32>} : memref<8x4x2048xf32, #tpu.memory_space<vmem>>, vector<1x1x16xf32>,
        %parallel_loop3A_621 = vector.shape_cast %parallel_loop3A_620 : vector<1x1x16xf32> to vector<16xf32>
        %parallel_loop3A_622 = vector.shape_cast %parallel_loop3A_614 : vector<16xf32> to vector<1x1x16xf32>
        tpu.vector_store %arg5[%parallel_loop3A_617, %parallel_loop3A_618, %parallel_loop3A_619], %parallel_loop3A_622 {strides = array<i32>} : memref<8x4x2048xf32, #tpu.memory_space<vmem>>, vector<1x1x16xf32>,
        %parallel_loop3A_623 = arith.constant 1 : i32
        %parallel_loop3A_624 = arith.constant 3 : i32
        %parallel_loop3A_625 = arith.index_cast %parallel_loop3A_623 : i32 to index
        %parallel_loop3A_626 = arith.index_cast %parallel_loop3A_624 : i32 to index
        %parallel_loop3A_627 = arith.index_cast %parallel_loop3A_565 : i32 to index
        %parallel_loop3A_628 = tpu.vector_load %arg5[%parallel_loop3A_625, %parallel_loop3A_626, %parallel_loop3A_627] {strides = array<i32>} : memref<8x4x2048xf32, #tpu.memory_space<vmem>>, vector<1x1x16xf32>,
        %parallel_loop3A_629 = vector.shape_cast %parallel_loop3A_628 : vector<1x1x16xf32> to vector<16xf32>
        %parallel_loop3A_630 = arith.constant 5.000000e-01 : f32
        %parallel_loop3A_631 = vector.broadcast %parallel_loop3A_630 : f32 to vector<16xf32>
        %parallel_loop3A_632 = arith.cmpf ogt, %parallel_loop3A_629, %parallel_loop3A_631 : vector<16xf32>
        %parallel_loop3A_633 = arith.select %parallel_loop3A_632, %get3A_4, %parallel_loop3A_629 : vector<16xi1>, vector<16xf32>
        %parallel_loop3A_634 = arith.constant 1 : i32
        %parallel_loop3A_635 = arith.constant 3 : i32
        %parallel_loop3A_636 = arith.index_cast %parallel_loop3A_634 : i32 to index
        %parallel_loop3A_637 = arith.index_cast %parallel_loop3A_635 : i32 to index
        %parallel_loop3A_638 = arith.index_cast %parallel_loop3A_565 : i32 to index
        %parallel_loop3A_639 = tpu.vector_load %arg5[%parallel_loop3A_636, %parallel_loop3A_637, %parallel_loop3A_638] {strides = array<i32>} : memref<8x4x2048xf32, #tpu.memory_space<vmem>>, vector<1x1x16xf32>,
        %parallel_loop3A_640 = vector.shape_cast %parallel_loop3A_639 : vector<1x1x16xf32> to vector<16xf32>
        %parallel_loop3A_641 = vector.shape_cast %parallel_loop3A_633 : vector<16xf32> to vector<1x1x16xf32>
        tpu.vector_store %arg5[%parallel_loop3A_636, %parallel_loop3A_637, %parallel_loop3A_638], %parallel_loop3A_641 {strides = array<i32>} : memref<8x4x2048xf32, #tpu.memory_space<vmem>>, vector<1x1x16xf32>,
      } {sc.loop_unroll_factor = 4 : i64, sc.parallel_access}
      %mul3A_296 = arith.constant 4 : i32
      %mul3A_297 = arith.muli %add3A_279, %mul3A_296 : i32
      %add3A_298 = arith.addi %mul3A_2, %mul3A_297 : i32
      %dma_start3A_299 = arith.constant 1 : i32
      %dma_start3A_300 = arith.constant 0 : i32
      %dma_start3A_301 = arith.constant 0 : i32
      %dma_start3A_302 = tpu.memref_slice %arg5[%dma_start3A_299, %dma_start3A_300, %dma_start3A_301] : memref<8x4x2048xf32, #tpu.memory_space<vmem>> -> memref<1x4x2048xf32, #tpu.memory_space<vmem>>
      %dma_start3A_303 = tpu.memref_squeeze %dma_start3A_302 : memref<1x4x2048xf32, #tpu.memory_space<vmem>> -> memref<4x2048xf32, #tpu.memory_space<vmem>>
      %dma_start3A_304 = arith.constant 0 : i32
      %dma_start3A_305 = tpu.memref_slice %arg4[%add3A_298, %dma_start3A_304] : memref<4096x2048xf32, #tpu.memory_space<hbm>> -> memref<4x2048xf32, #tpu.memory_space<hbm>>
      %dma_start3A_306 = arith.constant 0 : i32
      %dma_start3A_307 = tpu.memref_slice %arg4[%add3A_298, %dma_start3A_306] : memref<4096x2048xf32, #tpu.memory_space<hbm>> -> memref<4x2048xf32, #tpu.memory_space<hbm>>
      %dma_start3A_308 = arith.constant 0 : i32
      %dma_start3A_309 = arith.constant 0 : i32
      %dma_start3A_310 = tpu.memref_slice %arg5[%dma_start3A_299, %dma_start3A_308, %dma_start3A_309] : memref<8x4x2048xf32, #tpu.memory_space<vmem>> -> memref<1x4x2048xf32, #tpu.memory_space<vmem>>
      %dma_start3A_311 = tpu.memref_squeeze %dma_start3A_310 : memref<1x4x2048xf32, #tpu.memory_space<vmem>> -> memref<4x2048xf32, #tpu.memory_space<vmem>>
      tpu.enqueue_dma source(%dma_start3A_311 : memref<4x2048xf32, #tpu.memory_space<vmem>>) target(%dma_start3A_307 : memref<4x2048xf32, #tpu.memory_space<hbm>>) target_semaphore(%arg16 : memref<!tpu.dma_semaphore, #tpu.memory_space<semaphore_mem>>)
      %lt3A = arith.constant 3 : i32
      %lt3A_312 = arith.cmpi slt, %scan3A_218, %lt3A : i32
      %convert_element_type3A_313 = arith.extui %lt3A_312 : i1 to i32
      %cond3A_314 = arith.constant 0 : i32
      %cond3A_315 = arith.cmpi ne, %convert_element_type3A_313, %cond3A_314 : i32
      scf.if %cond3A_315 {
        %dma_wait3A_563 = arith.constant 0 : i32
        %dma_wait3A_564 = arith.constant 0 : i32
        %dma_wait3A_565 = arith.constant 0 : i32
        %dma_wait3A_566 = tpu.memref_slice %arg5[%dma_wait3A_563, %dma_wait3A_564, %dma_wait3A_565] : memref<8x4x2048xf32, #tpu.memory_space<vmem>> -> memref<1x4x2048xf32, #tpu.memory_space<vmem>>
        %dma_wait3A_567 = tpu.memref_squeeze %dma_wait3A_566 : memref<1x4x2048xf32, #tpu.memory_space<vmem>> -> memref<4x2048xf32, #tpu.memory_space<vmem>>
        %dma_wait3A_568 = arith.constant 0 : i32
        %dma_wait3A_569 = tpu.memref_slice %arg4[%mul3A_2, %dma_wait3A_568] : memref<4096x2048xf32, #tpu.memory_space<hbm>> -> memref<4x2048xf32, #tpu.memory_space<hbm>>
        %dma_wait3A_570 = arith.constant 0 : i32
        %dma_wait3A_571 = tpu.memref_slice %arg4[%mul3A_2, %dma_wait3A_570] : memref<4096x2048xf32, #tpu.memory_space<hbm>> -> memref<4x2048xf32, #tpu.memory_space<hbm>>
        %dma_wait3A_572 = arith.constant 0 : i32
        %dma_wait3A_573 = arith.constant 0 : i32
        %dma_wait3A_574 = tpu.memref_slice %arg5[%dma_wait3A_563, %dma_wait3A_572, %dma_wait3A_573] : memref<8x4x2048xf32, #tpu.memory_space<vmem>> -> memref<1x4x2048xf32, #tpu.memory_space<vmem>>
        %dma_wait3A_575 = tpu.memref_squeeze %dma_wait3A_574 : memref<1x4x2048xf32, #tpu.memory_space<vmem>> -> memref<4x2048xf32, #tpu.memory_space<vmem>>
        tpu.wait_dma2 semaphore(%arg15 : memref<!tpu.dma_semaphore, #tpu.memory_space<semaphore_mem>>) src(%dma_wait3A_575 : memref<4x2048xf32, #tpu.memory_space<vmem>>) dst(%dma_wait3A_571 : memref<4x2048xf32, #tpu.memory_space<hbm>>)
        %add3A_576 = arith.constant 8 : i32
        %add3A_577 = arith.addi %add3A_279, %add3A_576 : i32
        %sub3A_578 = arith.constant 1 : i32
        %sub3A_579 = arith.subi %add3A_577, %sub3A_578 : i32
        %mul3A_580 = arith.constant 4 : i32
        %mul3A_581 = arith.muli %sub3A_579, %mul3A_580 : i32
        %add3A_582 = arith.addi %mul3A_2, %mul3A_581 : i32
        %dma_start3A_583 = arith.constant 0 : i32
        %dma_start3A_584 = arith.constant 0 : i32
        %dma_start3A_585 = arith.constant 0 : i32
        %dma_start3A_586 = tpu.memref_slice %arg5[%dma_start3A_583, %dma_start3A_584, %dma_start3A_585] : memref<8x4x2048xf32, #tpu.memory_space<vmem>> -> memref<1x4x2048xf32, #tpu.memory_space<vmem>>
        %dma_start3A_587 = tpu.memref_squeeze %dma_start3A_586 : memref<1x4x2048xf32, #tpu.memory_space<vmem>> -> memref<4x2048xf32, #tpu.memory_space<vmem>>
        %dma_start3A_588 = arith.constant 0 : i32
        %dma_start3A_589 = tpu.memref_slice %arg2[%add3A_582, %dma_start3A_588] : memref<16384x2048xf32, #tpu.memory_space<hbm>> -> memref<4x2048xf32, #tpu.memory_space<hbm>>
        %dma_start3A_590 = arith.constant 0 : i32
        %dma_start3A_591 = arith.constant 0 : i32
        %dma_start3A_592 = tpu.memref_slice %arg5[%dma_start3A_583, %dma_start3A_590, %dma_start3A_591] : memref<8x4x2048xf32, #tpu.memory_space<vmem>> -> memref<1x4x2048xf32, #tpu.memory_space<vmem>>
        %dma_start3A_593 = tpu.memref_squeeze %dma_start3A_592 : memref<1x4x2048xf32, #tpu.memory_space<vmem>> -> memref<4x2048xf32, #tpu.memory_space<vmem>>
        %dma_start3A_594 = arith.constant 0 : i32
        %dma_start3A_595 = tpu.memref_slice %arg2[%add3A_582, %dma_start3A_594] : memref<16384x2048xf32, #tpu.memory_space<hbm>> -> memref<4x2048xf32, #tpu.memory_space<hbm>>
        tpu.enqueue_dma source(%dma_start3A_595 : memref<4x2048xf32, #tpu.memory_space<hbm>>) target(%dma_start3A_593 : memref<4x2048xf32, #tpu.memory_space<vmem>>) target_semaphore(%arg7 : memref<!tpu.dma_semaphore, #tpu.memory_space<semaphore_mem>>)
      } else {
      }
      %mul3A_316 = arith.constant 8 : i32
      %mul3A_317 = arith.muli %scan3A_218, %mul3A_316 : i32
      %add3A_318 = arith.constant 2 : i32
      %add3A_319 = arith.addi %mul3A_317, %add3A_318 : i32
      %dma_wait3A_320 = arith.constant 2 : i32
      %dma_wait3A_321 = arith.constant 0 : i32
      %dma_wait3A_322 = arith.constant 0 : i32
      %dma_wait3A_323 = tpu.memref_slice %arg5[%dma_wait3A_320, %dma_wait3A_321, %dma_wait3A_322] : memref<8x4x2048xf32, #tpu.memory_space<vmem>> -> memref<1x4x2048xf32, #tpu.memory_space<vmem>>
      %dma_wait3A_324 = tpu.memref_squeeze %dma_wait3A_323 : memref<1x4x2048xf32, #tpu.memory_space<vmem>> -> memref<4x2048xf32, #tpu.memory_space<vmem>>
      %dma_wait3A_325 = arith.constant 0 : i32
      %dma_wait3A_326 = tpu.memref_slice %arg2[%mul3A_2, %dma_wait3A_325] : memref<16384x2048xf32, #tpu.memory_space<hbm>> -> memref<4x2048xf32, #tpu.memory_space<hbm>>
      %dma_wait3A_327 = arith.constant 0 : i32
      %dma_wait3A_328 = arith.constant 0 : i32
      %dma_wait3A_329 = tpu.memref_slice %arg5[%dma_wait3A_320, %dma_wait3A_327, %dma_wait3A_328] : memref<8x4x2048xf32, #tpu.memory_space<vmem>> -> memref<1x4x2048xf32, #tpu.memory_space<vmem>>
      %dma_wait3A_330 = tpu.memref_squeeze %dma_wait3A_329 : memref<1x4x2048xf32, #tpu.memory_space<vmem>> -> memref<4x2048xf32, #tpu.memory_space<vmem>>
      %dma_wait3A_331 = arith.constant 0 : i32
      %dma_wait3A_332 = tpu.memref_slice %arg2[%mul3A_2, %dma_wait3A_331] : memref<16384x2048xf32, #tpu.memory_space<hbm>> -> memref<4x2048xf32, #tpu.memory_space<hbm>>
      tpu.wait_dma2 semaphore(%arg9 : memref<!tpu.dma_semaphore, #tpu.memory_space<semaphore_mem>>) src(%dma_wait3A_332 : memref<4x2048xf32, #tpu.memory_space<hbm>>) dst(%dma_wait3A_330 : memref<4x2048xf32, #tpu.memory_space<vmem>>)
      %parallel_loop3A_333 = arith.constant 0 : i32
      %parallel_loop3A_334 = arith.constant 128 : i32
      %parallel_loop3A_335 = arith.constant 1 : i32
      scf.for %parallel_loop3A_563 = %parallel_loop3A_333 to %parallel_loop3A_334 step %parallel_loop3A_335  : i32 {
        %parallel_loop3A_564 = arith.constant 16 : i32
        %parallel_loop3A_565 = arith.muli %parallel_loop3A_563, %parallel_loop3A_564 : i32
        %parallel_loop3A_566 = arith.constant 2 : i32
        %parallel_loop3A_567 = arith.constant 0 : i32
        %parallel_loop3A_568 = arith.index_cast %parallel_loop3A_566 : i32 to index
        %parallel_loop3A_569 = arith.index_cast %parallel_loop3A_567 : i32 to index
        %parallel_loop3A_570 = arith.index_cast %parallel_loop3A_565 : i32 to index
        %parallel_loop3A_571 = tpu.vector_load %arg5[%parallel_loop3A_568, %parallel_loop3A_569, %parallel_loop3A_570] {strides = array<i32>} : memref<8x4x2048xf32, #tpu.memory_space<vmem>>, vector<1x1x16xf32>,
        %parallel_loop3A_572 = vector.shape_cast %parallel_loop3A_571 : vector<1x1x16xf32> to vector<16xf32>
        %parallel_loop3A_573 = arith.constant 5.000000e-01 : f32
        %parallel_loop3A_574 = vector.broadcast %parallel_loop3A_573 : f32 to vector<16xf32>
        %parallel_loop3A_575 = arith.cmpf ogt, %parallel_loop3A_572, %parallel_loop3A_574 : vector<16xf32>
        %parallel_loop3A_576 = arith.select %parallel_loop3A_575, %get3A_4, %parallel_loop3A_572 : vector<16xi1>, vector<16xf32>
        %parallel_loop3A_577 = arith.constant 2 : i32
        %parallel_loop3A_578 = arith.constant 0 : i32
        %parallel_loop3A_579 = arith.index_cast %parallel_loop3A_577 : i32 to index
        %parallel_loop3A_580 = arith.index_cast %parallel_loop3A_578 : i32 to index
        %parallel_loop3A_581 = arith.index_cast %parallel_loop3A_565 : i32 to index
        %parallel_loop3A_582 = tpu.vector_load %arg5[%parallel_loop3A_579, %parallel_loop3A_580, %parallel_loop3A_581] {strides = array<i32>} : memref<8x4x2048xf32, #tpu.memory_space<vmem>>, vector<1x1x16xf32>,
        %parallel_loop3A_583 = vector.shape_cast %parallel_loop3A_582 : vector<1x1x16xf32> to vector<16xf32>
        %parallel_loop3A_584 = vector.shape_cast %parallel_loop3A_576 : vector<16xf32> to vector<1x1x16xf32>
        tpu.vector_store %arg5[%parallel_loop3A_579, %parallel_loop3A_580, %parallel_loop3A_581], %parallel_loop3A_584 {strides = array<i32>} : memref<8x4x2048xf32, #tpu.memory_space<vmem>>, vector<1x1x16xf32>,
        %parallel_loop3A_585 = arith.constant 2 : i32
        %parallel_loop3A_586 = arith.constant 1 : i32
        %parallel_loop3A_587 = arith.index_cast %parallel_loop3A_585 : i32 to index
        %parallel_loop3A_588 = arith.index_cast %parallel_loop3A_586 : i32 to index
        %parallel_loop3A_589 = arith.index_cast %parallel_loop3A_565 : i32 to index
        %parallel_loop3A_590 = tpu.vector_load %arg5[%parallel_loop3A_587, %parallel_loop3A_588, %parallel_loop3A_589] {strides = array<i32>} : memref<8x4x2048xf32, #tpu.memory_space<vmem>>, vector<1x1x16xf32>,
        %parallel_loop3A_591 = vector.shape_cast %parallel_loop3A_590 : vector<1x1x16xf32> to vector<16xf32>
        %parallel_loop3A_592 = arith.constant 5.000000e-01 : f32
        %parallel_loop3A_593 = vector.broadcast %parallel_loop3A_592 : f32 to vector<16xf32>
        %parallel_loop3A_594 = arith.cmpf ogt, %parallel_loop3A_591, %parallel_loop3A_593 : vector<16xf32>
        %parallel_loop3A_595 = arith.select %parallel_loop3A_594, %get3A_4, %parallel_loop3A_591 : vector<16xi1>, vector<16xf32>
        %parallel_loop3A_596 = arith.constant 2 : i32
        %parallel_loop3A_597 = arith.constant 1 : i32
        %parallel_loop3A_598 = arith.index_cast %parallel_loop3A_596 : i32 to index
        %parallel_loop3A_599 = arith.index_cast %parallel_loop3A_597 : i32 to index
        %parallel_loop3A_600 = arith.index_cast %parallel_loop3A_565 : i32 to index
        %parallel_loop3A_601 = tpu.vector_load %arg5[%parallel_loop3A_598, %parallel_loop3A_599, %parallel_loop3A_600] {strides = array<i32>} : memref<8x4x2048xf32, #tpu.memory_space<vmem>>, vector<1x1x16xf32>,
        %parallel_loop3A_602 = vector.shape_cast %parallel_loop3A_601 : vector<1x1x16xf32> to vector<16xf32>
        %parallel_loop3A_603 = vector.shape_cast %parallel_loop3A_595 : vector<16xf32> to vector<1x1x16xf32>
        tpu.vector_store %arg5[%parallel_loop3A_598, %parallel_loop3A_599, %parallel_loop3A_600], %parallel_loop3A_603 {strides = array<i32>} : memref<8x4x2048xf32, #tpu.memory_space<vmem>>, vector<1x1x16xf32>,
        %parallel_loop3A_604 = arith.constant 2 : i32
        %parallel_loop3A_605 = arith.constant 2 : i32
        %parallel_loop3A_606 = arith.index_cast %parallel_loop3A_604 : i32 to index
        %parallel_loop3A_607 = arith.index_cast %parallel_loop3A_605 : i32 to index
        %parallel_loop3A_608 = arith.index_cast %parallel_loop3A_565 : i32 to index
        %parallel_loop3A_609 = tpu.vector_load %arg5[%parallel_loop3A_606, %parallel_loop3A_607, %parallel_loop3A_608] {strides = array<i32>} : memref<8x4x2048xf32, #tpu.memory_space<vmem>>, vector<1x1x16xf32>,
        %parallel_loop3A_610 = vector.shape_cast %parallel_loop3A_609 : vector<1x1x16xf32> to vector<16xf32>
        %parallel_loop3A_611 = arith.constant 5.000000e-01 : f32
        %parallel_loop3A_612 = vector.broadcast %parallel_loop3A_611 : f32 to vector<16xf32>
        %parallel_loop3A_613 = arith.cmpf ogt, %parallel_loop3A_610, %parallel_loop3A_612 : vector<16xf32>
        %parallel_loop3A_614 = arith.select %parallel_loop3A_613, %get3A_4, %parallel_loop3A_610 : vector<16xi1>, vector<16xf32>
        %parallel_loop3A_615 = arith.constant 2 : i32
        %parallel_loop3A_616 = arith.constant 2 : i32
        %parallel_loop3A_617 = arith.index_cast %parallel_loop3A_615 : i32 to index
        %parallel_loop3A_618 = arith.index_cast %parallel_loop3A_616 : i32 to index
        %parallel_loop3A_619 = arith.index_cast %parallel_loop3A_565 : i32 to index
        %parallel_loop3A_620 = tpu.vector_load %arg5[%parallel_loop3A_617, %parallel_loop3A_618, %parallel_loop3A_619] {strides = array<i32>} : memref<8x4x2048xf32, #tpu.memory_space<vmem>>, vector<1x1x16xf32>,
        %parallel_loop3A_621 = vector.shape_cast %parallel_loop3A_620 : vector<1x1x16xf32> to vector<16xf32>
        %parallel_loop3A_622 = vector.shape_cast %parallel_loop3A_614 : vector<16xf32> to vector<1x1x16xf32>
        tpu.vector_store %arg5[%parallel_loop3A_617, %parallel_loop3A_618, %parallel_loop3A_619], %parallel_loop3A_622 {strides = array<i32>} : memref<8x4x2048xf32, #tpu.memory_space<vmem>>, vector<1x1x16xf32>,
        %parallel_loop3A_623 = arith.constant 2 : i32
        %parallel_loop3A_624 = arith.constant 3 : i32
        %parallel_loop3A_625 = arith.index_cast %parallel_loop3A_623 : i32 to index
        %parallel_loop3A_626 = arith.index_cast %parallel_loop3A_624 : i32 to index
        %parallel_loop3A_627 = arith.index_cast %parallel_loop3A_565 : i32 to index
        %parallel_loop3A_628 = tpu.vector_load %arg5[%parallel_loop3A_625, %parallel_loop3A_626, %parallel_loop3A_627] {strides = array<i32>} : memref<8x4x2048xf32, #tpu.memory_space<vmem>>, vector<1x1x16xf32>,
        %parallel_loop3A_629 = vector.shape_cast %parallel_loop3A_628 : vector<1x1x16xf32> to vector<16xf32>
        %parallel_loop3A_630 = arith.constant 5.000000e-01 : f32
        %parallel_loop3A_631 = vector.broadcast %parallel_loop3A_630 : f32 to vector<16xf32>
        %parallel_loop3A_632 = arith.cmpf ogt, %parallel_loop3A_629, %parallel_loop3A_631 : vector<16xf32>
        %parallel_loop3A_633 = arith.select %parallel_loop3A_632, %get3A_4, %parallel_loop3A_629 : vector<16xi1>, vector<16xf32>
        %parallel_loop3A_634 = arith.constant 2 : i32
        %parallel_loop3A_635 = arith.constant 3 : i32
        %parallel_loop3A_636 = arith.index_cast %parallel_loop3A_634 : i32 to index
        %parallel_loop3A_637 = arith.index_cast %parallel_loop3A_635 : i32 to index
        %parallel_loop3A_638 = arith.index_cast %parallel_loop3A_565 : i32 to index
        %parallel_loop3A_639 = tpu.vector_load %arg5[%parallel_loop3A_636, %parallel_loop3A_637, %parallel_loop3A_638] {strides = array<i32>} : memref<8x4x2048xf32, #tpu.memory_space<vmem>>, vector<1x1x16xf32>,
        %parallel_loop3A_640 = vector.shape_cast %parallel_loop3A_639 : vector<1x1x16xf32> to vector<16xf32>
        %parallel_loop3A_641 = vector.shape_cast %parallel_loop3A_633 : vector<16xf32> to vector<1x1x16xf32>
        tpu.vector_store %arg5[%parallel_loop3A_636, %parallel_loop3A_637, %parallel_loop3A_638], %parallel_loop3A_641 {strides = array<i32>} : memref<8x4x2048xf32, #tpu.memory_space<vmem>>, vector<1x1x16xf32>,
      } {sc.loop_unroll_factor = 4 : i64, sc.parallel_access}
      %mul3A_336 = arith.constant 4 : i32
      %mul3A_337 = arith.muli %add3A_319, %mul3A_336 : i32
      %add3A_338 = arith.addi %mul3A_2, %mul3A_337 : i32
      %dma_start3A_339 = arith.constant 2 : i32
      %dma_start3A_340 = arith.constant 0 : i32
      %dma_start3A_341 = arith.constant 0 : i32
      %dma_start3A_342 = tpu.memref_slice %arg5[%dma_start3A_339, %dma_start3A_340, %dma_start3A_341] : memref<8x4x2048xf32, #tpu.memory_space<vmem>> -> memref<1x4x2048xf32, #tpu.memory_space<vmem>>
      %dma_start3A_343 = tpu.memref_squeeze %dma_start3A_342 : memref<1x4x2048xf32, #tpu.memory_space<vmem>> -> memref<4x2048xf32, #tpu.memory_space<vmem>>
      %dma_start3A_344 = arith.constant 0 : i32
      %dma_start3A_345 = tpu.memref_slice %arg4[%add3A_338, %dma_start3A_344] : memref<4096x2048xf32, #tpu.memory_space<hbm>> -> memref<4x2048xf32, #tpu.memory_space<hbm>>
      %dma_start3A_346 = arith.constant 0 : i32
      %dma_start3A_347 = tpu.memref_slice %arg4[%add3A_338, %dma_start3A_346] : memref<4096x2048xf32, #tpu.memory_space<hbm>> -> memref<4x2048xf32, #tpu.memory_space<hbm>>
      %dma_start3A_348 = arith.constant 0 : i32
      %dma_start3A_349 = arith.constant 0 : i32
      %dma_start3A_350 = tpu.memref_slice %arg5[%dma_start3A_339, %dma_start3A_348, %dma_start3A_349] : memref<8x4x2048xf32, #tpu.memory_space<vmem>> -> memref<1x4x2048xf32, #tpu.memory_space<vmem>>
      %dma_start3A_351 = tpu.memref_squeeze %dma_start3A_350 : memref<1x4x2048xf32, #tpu.memory_space<vmem>> -> memref<4x2048xf32, #tpu.memory_space<vmem>>
      tpu.enqueue_dma source(%dma_start3A_351 : memref<4x2048xf32, #tpu.memory_space<vmem>>) target(%dma_start3A_347 : memref<4x2048xf32, #tpu.memory_space<hbm>>) target_semaphore(%arg17 : memref<!tpu.dma_semaphore, #tpu.memory_space<semaphore_mem>>)
      %lt3A_352 = arith.constant 3 : i32
      %lt3A_353 = arith.cmpi slt, %scan3A_218, %lt3A_352 : i32
      %convert_element_type3A_354 = arith.extui %lt3A_353 : i1 to i32
      %cond3A_355 = arith.constant 0 : i32
      %cond3A_356 = arith.cmpi ne, %convert_element_type3A_354, %cond3A_355 : i32
      scf.if %cond3A_356 {
        %dma_wait3A_563 = arith.constant 1 : i32
        %dma_wait3A_564 = arith.constant 0 : i32
        %dma_wait3A_565 = arith.constant 0 : i32
        %dma_wait3A_566 = tpu.memref_slice %arg5[%dma_wait3A_563, %dma_wait3A_564, %dma_wait3A_565] : memref<8x4x2048xf32, #tpu.memory_space<vmem>> -> memref<1x4x2048xf32, #tpu.memory_space<vmem>>
        %dma_wait3A_567 = tpu.memref_squeeze %dma_wait3A_566 : memref<1x4x2048xf32, #tpu.memory_space<vmem>> -> memref<4x2048xf32, #tpu.memory_space<vmem>>
        %dma_wait3A_568 = arith.constant 0 : i32
        %dma_wait3A_569 = tpu.memref_slice %arg4[%mul3A_2, %dma_wait3A_568] : memref<4096x2048xf32, #tpu.memory_space<hbm>> -> memref<4x2048xf32, #tpu.memory_space<hbm>>
        %dma_wait3A_570 = arith.constant 0 : i32
        %dma_wait3A_571 = tpu.memref_slice %arg4[%mul3A_2, %dma_wait3A_570] : memref<4096x2048xf32, #tpu.memory_space<hbm>> -> memref<4x2048xf32, #tpu.memory_space<hbm>>
        %dma_wait3A_572 = arith.constant 0 : i32
        %dma_wait3A_573 = arith.constant 0 : i32
        %dma_wait3A_574 = tpu.memref_slice %arg5[%dma_wait3A_563, %dma_wait3A_572, %dma_wait3A_573] : memref<8x4x2048xf32, #tpu.memory_space<vmem>> -> memref<1x4x2048xf32, #tpu.memory_space<vmem>>
        %dma_wait3A_575 = tpu.memref_squeeze %dma_wait3A_574 : memref<1x4x2048xf32, #tpu.memory_space<vmem>> -> memref<4x2048xf32, #tpu.memory_space<vmem>>
        tpu.wait_dma2 semaphore(%arg16 : memref<!tpu.dma_semaphore, #tpu.memory_space<semaphore_mem>>) src(%dma_wait3A_575 : memref<4x2048xf32, #tpu.memory_space<vmem>>) dst(%dma_wait3A_571 : memref<4x2048xf32, #tpu.memory_space<hbm>>)
        %add3A_576 = arith.constant 8 : i32
        %add3A_577 = arith.addi %add3A_319, %add3A_576 : i32
        %sub3A_578 = arith.constant 1 : i32
        %sub3A_579 = arith.subi %add3A_577, %sub3A_578 : i32
        %mul3A_580 = arith.constant 4 : i32
        %mul3A_581 = arith.muli %sub3A_579, %mul3A_580 : i32
        %add3A_582 = arith.addi %mul3A_2, %mul3A_581 : i32
        %dma_start3A_583 = arith.constant 1 : i32
        %dma_start3A_584 = arith.constant 0 : i32
        %dma_start3A_585 = arith.constant 0 : i32
        %dma_start3A_586 = tpu.memref_slice %arg5[%dma_start3A_583, %dma_start3A_584, %dma_start3A_585] : memref<8x4x2048xf32, #tpu.memory_space<vmem>> -> memref<1x4x2048xf32, #tpu.memory_space<vmem>>
        %dma_start3A_587 = tpu.memref_squeeze %dma_start3A_586 : memref<1x4x2048xf32, #tpu.memory_space<vmem>> -> memref<4x2048xf32, #tpu.memory_space<vmem>>
        %dma_start3A_588 = arith.constant 0 : i32
        %dma_start3A_589 = tpu.memref_slice %arg2[%add3A_582, %dma_start3A_588] : memref<16384x2048xf32, #tpu.memory_space<hbm>> -> memref<4x2048xf32, #tpu.memory_space<hbm>>
        %dma_start3A_590 = arith.constant 0 : i32
        %dma_start3A_591 = arith.constant 0 : i32
        %dma_start3A_592 = tpu.memref_slice %arg5[%dma_start3A_583, %dma_start3A_590, %dma_start3A_591] : memref<8x4x2048xf32, #tpu.memory_space<vmem>> -> memref<1x4x2048xf32, #tpu.memory_space<vmem>>
        %dma_start3A_593 = tpu.memref_squeeze %dma_start3A_592 : memref<1x4x2048xf32, #tpu.memory_space<vmem>> -> memref<4x2048xf32, #tpu.memory_space<vmem>>
        %dma_start3A_594 = arith.constant 0 : i32
        %dma_start3A_595 = tpu.memref_slice %arg2[%add3A_582, %dma_start3A_594] : memref<16384x2048xf32, #tpu.memory_space<hbm>> -> memref<4x2048xf32, #tpu.memory_space<hbm>>
        tpu.enqueue_dma source(%dma_start3A_595 : memref<4x2048xf32, #tpu.memory_space<hbm>>) target(%dma_start3A_593 : memref<4x2048xf32, #tpu.memory_space<vmem>>) target_semaphore(%arg8 : memref<!tpu.dma_semaphore, #tpu.memory_space<semaphore_mem>>)
      } else {
      }
      %mul3A_357 = arith.constant 8 : i32
      %mul3A_358 = arith.muli %scan3A_218, %mul3A_357 : i32
      %add3A_359 = arith.constant 3 : i32
      %add3A_360 = arith.addi %mul3A_358, %add3A_359 : i32
      %dma_wait3A_361 = arith.constant 3 : i32
      %dma_wait3A_362 = arith.constant 0 : i32
      %dma_wait3A_363 = arith.constant 0 : i32
      %dma_wait3A_364 = tpu.memref_slice %arg5[%dma_wait3A_361, %dma_wait3A_362, %dma_wait3A_363] : memref<8x4x2048xf32, #tpu.memory_space<vmem>> -> memref<1x4x2048xf32, #tpu.memory_space<vmem>>
      %dma_wait3A_365 = tpu.memref_squeeze %dma_wait3A_364 : memref<1x4x2048xf32, #tpu.memory_space<vmem>> -> memref<4x2048xf32, #tpu.memory_space<vmem>>
      %dma_wait3A_366 = arith.constant 0 : i32
      %dma_wait3A_367 = tpu.memref_slice %arg2[%mul3A_2, %dma_wait3A_366] : memref<16384x2048xf32, #tpu.memory_space<hbm>> -> memref<4x2048xf32, #tpu.memory_space<hbm>>
      %dma_wait3A_368 = arith.constant 0 : i32
      %dma_wait3A_369 = arith.constant 0 : i32
      %dma_wait3A_370 = tpu.memref_slice %arg5[%dma_wait3A_361, %dma_wait3A_368, %dma_wait3A_369] : memref<8x4x2048xf32, #tpu.memory_space<vmem>> -> memref<1x4x2048xf32, #tpu.memory_space<vmem>>
      %dma_wait3A_371 = tpu.memref_squeeze %dma_wait3A_370 : memref<1x4x2048xf32, #tpu.memory_space<vmem>> -> memref<4x2048xf32, #tpu.memory_space<vmem>>
      %dma_wait3A_372 = arith.constant 0 : i32
      %dma_wait3A_373 = tpu.memref_slice %arg2[%mul3A_2, %dma_wait3A_372] : memref<16384x2048xf32, #tpu.memory_space<hbm>> -> memref<4x2048xf32, #tpu.memory_space<hbm>>
      tpu.wait_dma2 semaphore(%arg10 : memref<!tpu.dma_semaphore, #tpu.memory_space<semaphore_mem>>) src(%dma_wait3A_373 : memref<4x2048xf32, #tpu.memory_space<hbm>>) dst(%dma_wait3A_371 : memref<4x2048xf32, #tpu.memory_space<vmem>>)
      %parallel_loop3A_374 = arith.constant 0 : i32
      %parallel_loop3A_375 = arith.constant 128 : i32
      %parallel_loop3A_376 = arith.constant 1 : i32
      scf.for %parallel_loop3A_563 = %parallel_loop3A_374 to %parallel_loop3A_375 step %parallel_loop3A_376  : i32 {
        %parallel_loop3A_564 = arith.constant 16 : i32
        %parallel_loop3A_565 = arith.muli %parallel_loop3A_563, %parallel_loop3A_564 : i32
        %parallel_loop3A_566 = arith.constant 3 : i32
        %parallel_loop3A_567 = arith.constant 0 : i32
        %parallel_loop3A_568 = arith.index_cast %parallel_loop3A_566 : i32 to index
        %parallel_loop3A_569 = arith.index_cast %parallel_loop3A_567 : i32 to index
        %parallel_loop3A_570 = arith.index_cast %parallel_loop3A_565 : i32 to index
        %parallel_loop3A_571 = tpu.vector_load %arg5[%parallel_loop3A_568, %parallel_loop3A_569, %parallel_loop3A_570] {strides = array<i32>} : memref<8x4x2048xf32, #tpu.memory_space<vmem>>, vector<1x1x16xf32>,
        %parallel_loop3A_572 = vector.shape_cast %parallel_loop3A_571 : vector<1x1x16xf32> to vector<16xf32>
        %parallel_loop3A_573 = arith.constant 5.000000e-01 : f32
        %parallel_loop3A_574 = vector.broadcast %parallel_loop3A_573 : f32 to vector<16xf32>
        %parallel_loop3A_575 = arith.cmpf ogt, %parallel_loop3A_572, %parallel_loop3A_574 : vector<16xf32>
        %parallel_loop3A_576 = arith.select %parallel_loop3A_575, %get3A_4, %parallel_loop3A_572 : vector<16xi1>, vector<16xf32>
        %parallel_loop3A_577 = arith.constant 3 : i32
        %parallel_loop3A_578 = arith.constant 0 : i32
        %parallel_loop3A_579 = arith.index_cast %parallel_loop3A_577 : i32 to index
        %parallel_loop3A_580 = arith.index_cast %parallel_loop3A_578 : i32 to index
        %parallel_loop3A_581 = arith.index_cast %parallel_loop3A_565 : i32 to index
        %parallel_loop3A_582 = tpu.vector_load %arg5[%parallel_loop3A_579, %parallel_loop3A_580, %parallel_loop3A_581] {strides = array<i32>} : memref<8x4x2048xf32, #tpu.memory_space<vmem>>, vector<1x1x16xf32>,
        %parallel_loop3A_583 = vector.shape_cast %parallel_loop3A_582 : vector<1x1x16xf32> to vector<16xf32>
        %parallel_loop3A_584 = vector.shape_cast %parallel_loop3A_576 : vector<16xf32> to vector<1x1x16xf32>
        tpu.vector_store %arg5[%parallel_loop3A_579, %parallel_loop3A_580, %parallel_loop3A_581], %parallel_loop3A_584 {strides = array<i32>} : memref<8x4x2048xf32, #tpu.memory_space<vmem>>, vector<1x1x16xf32>,
        %parallel_loop3A_585 = arith.constant 3 : i32
        %parallel_loop3A_586 = arith.constant 1 : i32
        %parallel_loop3A_587 = arith.index_cast %parallel_loop3A_585 : i32 to index
        %parallel_loop3A_588 = arith.index_cast %parallel_loop3A_586 : i32 to index
        %parallel_loop3A_589 = arith.index_cast %parallel_loop3A_565 : i32 to index
        %parallel_loop3A_590 = tpu.vector_load %arg5[%parallel_loop3A_587, %parallel_loop3A_588, %parallel_loop3A_589] {strides = array<i32>} : memref<8x4x2048xf32, #tpu.memory_space<vmem>>, vector<1x1x16xf32>,
        %parallel_loop3A_591 = vector.shape_cast %parallel_loop3A_590 : vector<1x1x16xf32> to vector<16xf32>
        %parallel_loop3A_592 = arith.constant 5.000000e-01 : f32
        %parallel_loop3A_593 = vector.broadcast %parallel_loop3A_592 : f32 to vector<16xf32>
        %parallel_loop3A_594 = arith.cmpf ogt, %parallel_loop3A_591, %parallel_loop3A_593 : vector<16xf32>
        %parallel_loop3A_595 = arith.select %parallel_loop3A_594, %get3A_4, %parallel_loop3A_591 : vector<16xi1>, vector<16xf32>
        %parallel_loop3A_596 = arith.constant 3 : i32
        %parallel_loop3A_597 = arith.constant 1 : i32
        %parallel_loop3A_598 = arith.index_cast %parallel_loop3A_596 : i32 to index
        %parallel_loop3A_599 = arith.index_cast %parallel_loop3A_597 : i32 to index
        %parallel_loop3A_600 = arith.index_cast %parallel_loop3A_565 : i32 to index
        %parallel_loop3A_601 = tpu.vector_load %arg5[%parallel_loop3A_598, %parallel_loop3A_599, %parallel_loop3A_600] {strides = array<i32>} : memref<8x4x2048xf32, #tpu.memory_space<vmem>>, vector<1x1x16xf32>,
        %parallel_loop3A_602 = vector.shape_cast %parallel_loop3A_601 : vector<1x1x16xf32> to vector<16xf32>
        %parallel_loop3A_603 = vector.shape_cast %parallel_loop3A_595 : vector<16xf32> to vector<1x1x16xf32>
        tpu.vector_store %arg5[%parallel_loop3A_598, %parallel_loop3A_599, %parallel_loop3A_600], %parallel_loop3A_603 {strides = array<i32>} : memref<8x4x2048xf32, #tpu.memory_space<vmem>>, vector<1x1x16xf32>,
        %parallel_loop3A_604 = arith.constant 3 : i32
        %parallel_loop3A_605 = arith.constant 2 : i32
        %parallel_loop3A_606 = arith.index_cast %parallel_loop3A_604 : i32 to index
        %parallel_loop3A_607 = arith.index_cast %parallel_loop3A_605 : i32 to index
        %parallel_loop3A_608 = arith.index_cast %parallel_loop3A_565 : i32 to index
        %parallel_loop3A_609 = tpu.vector_load %arg5[%parallel_loop3A_606, %parallel_loop3A_607, %parallel_loop3A_608] {strides = array<i32>} : memref<8x4x2048xf32, #tpu.memory_space<vmem>>, vector<1x1x16xf32>,
        %parallel_loop3A_610 = vector.shape_cast %parallel_loop3A_609 : vector<1x1x16xf32> to vector<16xf32>
        %parallel_loop3A_611 = arith.constant 5.000000e-01 : f32
        %parallel_loop3A_612 = vector.broadcast %parallel_loop3A_611 : f32 to vector<16xf32>
        %parallel_loop3A_613 = arith.cmpf ogt, %parallel_loop3A_610, %parallel_loop3A_612 : vector<16xf32>
        %parallel_loop3A_614 = arith.select %parallel_loop3A_613, %get3A_4, %parallel_loop3A_610 : vector<16xi1>, vector<16xf32>
        %parallel_loop3A_615 = arith.constant 3 : i32
        %parallel_loop3A_616 = arith.constant 2 : i32
        %parallel_loop3A_617 = arith.index_cast %parallel_loop3A_615 : i32 to index
        %parallel_loop3A_618 = arith.index_cast %parallel_loop3A_616 : i32 to index
        %parallel_loop3A_619 = arith.index_cast %parallel_loop3A_565 : i32 to index
        %parallel_loop3A_620 = tpu.vector_load %arg5[%parallel_loop3A_617, %parallel_loop3A_618, %parallel_loop3A_619] {strides = array<i32>} : memref<8x4x2048xf32, #tpu.memory_space<vmem>>, vector<1x1x16xf32>,
        %parallel_loop3A_621 = vector.shape_cast %parallel_loop3A_620 : vector<1x1x16xf32> to vector<16xf32>
        %parallel_loop3A_622 = vector.shape_cast %parallel_loop3A_614 : vector<16xf32> to vector<1x1x16xf32>
        tpu.vector_store %arg5[%parallel_loop3A_617, %parallel_loop3A_618, %parallel_loop3A_619], %parallel_loop3A_622 {strides = array<i32>} : memref<8x4x2048xf32, #tpu.memory_space<vmem>>, vector<1x1x16xf32>,
        %parallel_loop3A_623 = arith.constant 3 : i32
        %parallel_loop3A_624 = arith.constant 3 : i32
        %parallel_loop3A_625 = arith.index_cast %parallel_loop3A_623 : i32 to index
        %parallel_loop3A_626 = arith.index_cast %parallel_loop3A_624 : i32 to index
        %parallel_loop3A_627 = arith.index_cast %parallel_loop3A_565 : i32 to index
        %parallel_loop3A_628 = tpu.vector_load %arg5[%parallel_loop3A_625, %parallel_loop3A_626, %parallel_loop3A_627] {strides = array<i32>} : memref<8x4x2048xf32, #tpu.memory_space<vmem>>, vector<1x1x16xf32>,
        %parallel_loop3A_629 = vector.shape_cast %parallel_loop3A_628 : vector<1x1x16xf32> to vector<16xf32>
        %parallel_loop3A_630 = arith.constant 5.000000e-01 : f32
        %parallel_loop3A_631 = vector.broadcast %parallel_loop3A_630 : f32 to vector<16xf32>
        %parallel_loop3A_632 = arith.cmpf ogt, %parallel_loop3A_629, %parallel_loop3A_631 : vector<16xf32>
        %parallel_loop3A_633 = arith.select %parallel_loop3A_632, %get3A_4, %parallel_loop3A_629 : vector<16xi1>, vector<16xf32>
        %parallel_loop3A_634 = arith.constant 3 : i32
        %parallel_loop3A_635 = arith.constant 3 : i32
        %parallel_loop3A_636 = arith.index_cast %parallel_loop3A_634 : i32 to index
        %parallel_loop3A_637 = arith.index_cast %parallel_loop3A_635 : i32 to index
        %parallel_loop3A_638 = arith.index_cast %parallel_loop3A_565 : i32 to index
        %parallel_loop3A_639 = tpu.vector_load %arg5[%parallel_loop3A_636, %parallel_loop3A_637, %parallel_loop3A_638] {strides = array<i32>} : memref<8x4x2048xf32, #tpu.memory_space<vmem>>, vector<1x1x16xf32>,
        %parallel_loop3A_640 = vector.shape_cast %parallel_loop3A_639 : vector<1x1x16xf32> to vector<16xf32>
        %parallel_loop3A_641 = vector.shape_cast %parallel_loop3A_633 : vector<16xf32> to vector<1x1x16xf32>
        tpu.vector_store %arg5[%parallel_loop3A_636, %parallel_loop3A_637, %parallel_loop3A_638], %parallel_loop3A_641 {strides = array<i32>} : memref<8x4x2048xf32, #tpu.memory_space<vmem>>, vector<1x1x16xf32>,
      } {sc.loop_unroll_factor = 4 : i64, sc.parallel_access}
      %mul3A_377 = arith.constant 4 : i32
      %mul3A_378 = arith.muli %add3A_360, %mul3A_377 : i32
      %add3A_379 = arith.addi %mul3A_2, %mul3A_378 : i32
      %dma_start3A_380 = arith.constant 3 : i32
      %dma_start3A_381 = arith.constant 0 : i32
      %dma_start3A_382 = arith.constant 0 : i32
      %dma_start3A_383 = tpu.memref_slice %arg5[%dma_start3A_380, %dma_start3A_381, %dma_start3A_382] : memref<8x4x2048xf32, #tpu.memory_space<vmem>> -> memref<1x4x2048xf32, #tpu.memory_space<vmem>>
      %dma_start3A_384 = tpu.memref_squeeze %dma_start3A_383 : memref<1x4x2048xf32, #tpu.memory_space<vmem>> -> memref<4x2048xf32, #tpu.memory_space<vmem>>
      %dma_start3A_385 = arith.constant 0 : i32
      %dma_start3A_386 = tpu.memref_slice %arg4[%add3A_379, %dma_start3A_385] : memref<4096x2048xf32, #tpu.memory_space<hbm>> -> memref<4x2048xf32, #tpu.memory_space<hbm>>
      %dma_start3A_387 = arith.constant 0 : i32
      %dma_start3A_388 = tpu.memref_slice %arg4[%add3A_379, %dma_start3A_387] : memref<4096x2048xf32, #tpu.memory_space<hbm>> -> memref<4x2048xf32, #tpu.memory_space<hbm>>
      %dma_start3A_389 = arith.constant 0 : i32
      %dma_start3A_390 = arith.constant 0 : i32
      %dma_start3A_391 = tpu.memref_slice %arg5[%dma_start3A_380, %dma_start3A_389, %dma_start3A_390] : memref<8x4x2048xf32, #tpu.memory_space<vmem>> -> memref<1x4x2048xf32, #tpu.memory_space<vmem>>
      %dma_start3A_392 = tpu.memref_squeeze %dma_start3A_391 : memref<1x4x2048xf32, #tpu.memory_space<vmem>> -> memref<4x2048xf32, #tpu.memory_space<vmem>>
      tpu.enqueue_dma source(%dma_start3A_392 : memref<4x2048xf32, #tpu.memory_space<vmem>>) target(%dma_start3A_388 : memref<4x2048xf32, #tpu.memory_space<hbm>>) target_semaphore(%arg18 : memref<!tpu.dma_semaphore, #tpu.memory_space<semaphore_mem>>)
      %lt3A_393 = arith.constant 3 : i32
      %lt3A_394 = arith.cmpi slt, %scan3A_218, %lt3A_393 : i32
      %convert_element_type3A_395 = arith.extui %lt3A_394 : i1 to i32
      %cond3A_396 = arith.constant 0 : i32
      %cond3A_397 = arith.cmpi ne, %convert_element_type3A_395, %cond3A_396 : i32
      scf.if %cond3A_397 {
        %dma_wait3A_563 = arith.constant 2 : i32
        %dma_wait3A_564 = arith.constant 0 : i32
        %dma_wait3A_565 = arith.constant 0 : i32
        %dma_wait3A_566 = tpu.memref_slice %arg5[%dma_wait3A_563, %dma_wait3A_564, %dma_wait3A_565] : memref<8x4x2048xf32, #tpu.memory_space<vmem>> -> memref<1x4x2048xf32, #tpu.memory_space<vmem>>
        %dma_wait3A_567 = tpu.memref_squeeze %dma_wait3A_566 : memref<1x4x2048xf32, #tpu.memory_space<vmem>> -> memref<4x2048xf32, #tpu.memory_space<vmem>>
        %dma_wait3A_568 = arith.constant 0 : i32
        %dma_wait3A_569 = tpu.memref_slice %arg4[%mul3A_2, %dma_wait3A_568] : memref<4096x2048xf32, #tpu.memory_space<hbm>> -> memref<4x2048xf32, #tpu.memory_space<hbm>>
        %dma_wait3A_570 = arith.constant 0 : i32
        %dma_wait3A_571 = tpu.memref_slice %arg4[%mul3A_2, %dma_wait3A_570] : memref<4096x2048xf32, #tpu.memory_space<hbm>> -> memref<4x2048xf32, #tpu.memory_space<hbm>>
        %dma_wait3A_572 = arith.constant 0 : i32
        %dma_wait3A_573 = arith.constant 0 : i32
        %dma_wait3A_574 = tpu.memref_slice %arg5[%dma_wait3A_563, %dma_wait3A_572, %dma_wait3A_573] : memref<8x4x2048xf32, #tpu.memory_space<vmem>> -> memref<1x4x2048xf32, #tpu.memory_space<vmem>>
        %dma_wait3A_575 = tpu.memref_squeeze %dma_wait3A_574 : memref<1x4x2048xf32, #tpu.memory_space<vmem>> -> memref<4x2048xf32, #tpu.memory_space<vmem>>
        tpu.wait_dma2 semaphore(%arg17 : memref<!tpu.dma_semaphore, #tpu.memory_space<semaphore_mem>>) src(%dma_wait3A_575 : memref<4x2048xf32, #tpu.memory_space<vmem>>) dst(%dma_wait3A_571 : memref<4x2048xf32, #tpu.memory_space<hbm>>)
        %add3A_576 = arith.constant 8 : i32
        %add3A_577 = arith.addi %add3A_360, %add3A_576 : i32
        %sub3A_578 = arith.constant 1 : i32
        %sub3A_579 = arith.subi %add3A_577, %sub3A_578 : i32
        %mul3A_580 = arith.constant 4 : i32
        %mul3A_581 = arith.muli %sub3A_579, %mul3A_580 : i32
        %add3A_582 = arith.addi %mul3A_2, %mul3A_581 : i32
        %dma_start3A_583 = arith.constant 2 : i32
        %dma_start3A_584 = arith.constant 0 : i32
        %dma_start3A_585 = arith.constant 0 : i32
        %dma_start3A_586 = tpu.memref_slice %arg5[%dma_start3A_583, %dma_start3A_584, %dma_start3A_585] : memref<8x4x2048xf32, #tpu.memory_space<vmem>> -> memref<1x4x2048xf32, #tpu.memory_space<vmem>>
        %dma_start3A_587 = tpu.memref_squeeze %dma_start3A_586 : memref<1x4x2048xf32, #tpu.memory_space<vmem>> -> memref<4x2048xf32, #tpu.memory_space<vmem>>
        %dma_start3A_588 = arith.constant 0 : i32
        %dma_start3A_589 = tpu.memref_slice %arg2[%add3A_582, %dma_start3A_588] : memref<16384x2048xf32, #tpu.memory_space<hbm>> -> memref<4x2048xf32, #tpu.memory_space<hbm>>
        %dma_start3A_590 = arith.constant 0 : i32
        %dma_start3A_591 = arith.constant 0 : i32
        %dma_start3A_592 = tpu.memref_slice %arg5[%dma_start3A_583, %dma_start3A_590, %dma_start3A_591] : memref<8x4x2048xf32, #tpu.memory_space<vmem>> -> memref<1x4x2048xf32, #tpu.memory_space<vmem>>
        %dma_start3A_593 = tpu.memref_squeeze %dma_start3A_592 : memref<1x4x2048xf32, #tpu.memory_space<vmem>> -> memref<4x2048xf32, #tpu.memory_space<vmem>>
        %dma_start3A_594 = arith.constant 0 : i32
        %dma_start3A_595 = tpu.memref_slice %arg2[%add3A_582, %dma_start3A_594] : memref<16384x2048xf32, #tpu.memory_space<hbm>> -> memref<4x2048xf32, #tpu.memory_space<hbm>>
        tpu.enqueue_dma source(%dma_start3A_595 : memref<4x2048xf32, #tpu.memory_space<hbm>>) target(%dma_start3A_593 : memref<4x2048xf32, #tpu.memory_space<vmem>>) target_semaphore(%arg9 : memref<!tpu.dma_semaphore, #tpu.memory_space<semaphore_mem>>)
      } else {
      }
      %mul3A_398 = arith.constant 8 : i32
      %mul3A_399 = arith.muli %scan3A_218, %mul3A_398 : i32
      %add3A_400 = arith.constant 4 : i32
      %add3A_401 = arith.addi %mul3A_399, %add3A_400 : i32
      %dma_wait3A_402 = arith.constant 4 : i32
      %dma_wait3A_403 = arith.constant 0 : i32
      %dma_wait3A_404 = arith.constant 0 : i32
      %dma_wait3A_405 = tpu.memref_slice %arg5[%dma_wait3A_402, %dma_wait3A_403, %dma_wait3A_404] : memref<8x4x2048xf32, #tpu.memory_space<vmem>> -> memref<1x4x2048xf32, #tpu.memory_space<vmem>>
      %dma_wait3A_406 = tpu.memref_squeeze %dma_wait3A_405 : memref<1x4x2048xf32, #tpu.memory_space<vmem>> -> memref<4x2048xf32, #tpu.memory_space<vmem>>
      %dma_wait3A_407 = arith.constant 0 : i32
      %dma_wait3A_408 = tpu.memref_slice %arg2[%mul3A_2, %dma_wait3A_407] : memref<16384x2048xf32, #tpu.memory_space<hbm>> -> memref<4x2048xf32, #tpu.memory_space<hbm>>
      %dma_wait3A_409 = arith.constant 0 : i32
      %dma_wait3A_410 = arith.constant 0 : i32
      %dma_wait3A_411 = tpu.memref_slice %arg5[%dma_wait3A_402, %dma_wait3A_409, %dma_wait3A_410] : memref<8x4x2048xf32, #tpu.memory_space<vmem>> -> memref<1x4x2048xf32, #tpu.memory_space<vmem>>
      %dma_wait3A_412 = tpu.memref_squeeze %dma_wait3A_411 : memref<1x4x2048xf32, #tpu.memory_space<vmem>> -> memref<4x2048xf32, #tpu.memory_space<vmem>>
      %dma_wait3A_413 = arith.constant 0 : i32
      %dma_wait3A_414 = tpu.memref_slice %arg2[%mul3A_2, %dma_wait3A_413] : memref<16384x2048xf32, #tpu.memory_space<hbm>> -> memref<4x2048xf32, #tpu.memory_space<hbm>>
      tpu.wait_dma2 semaphore(%arg11 : memref<!tpu.dma_semaphore, #tpu.memory_space<semaphore_mem>>) src(%dma_wait3A_414 : memref<4x2048xf32, #tpu.memory_space<hbm>>) dst(%dma_wait3A_412 : memref<4x2048xf32, #tpu.memory_space<vmem>>)
      %parallel_loop3A_415 = arith.constant 0 : i32
      %parallel_loop3A_416 = arith.constant 128 : i32
      %parallel_loop3A_417 = arith.constant 1 : i32
      scf.for %parallel_loop3A_563 = %parallel_loop3A_415 to %parallel_loop3A_416 step %parallel_loop3A_417  : i32 {
        %parallel_loop3A_564 = arith.constant 16 : i32
        %parallel_loop3A_565 = arith.muli %parallel_loop3A_563, %parallel_loop3A_564 : i32
        %parallel_loop3A_566 = arith.constant 4 : i32
        %parallel_loop3A_567 = arith.constant 0 : i32
        %parallel_loop3A_568 = arith.index_cast %parallel_loop3A_566 : i32 to index
        %parallel_loop3A_569 = arith.index_cast %parallel_loop3A_567 : i32 to index
        %parallel_loop3A_570 = arith.index_cast %parallel_loop3A_565 : i32 to index
        %parallel_loop3A_571 = tpu.vector_load %arg5[%parallel_loop3A_568, %parallel_loop3A_569, %parallel_loop3A_570] {strides = array<i32>} : memref<8x4x2048xf32, #tpu.memory_space<vmem>>, vector<1x1x16xf32>,
        %parallel_loop3A_572 = vector.shape_cast %parallel_loop3A_571 : vector<1x1x16xf32> to vector<16xf32>
        %parallel_loop3A_573 = arith.constant 5.000000e-01 : f32
        %parallel_loop3A_574 = vector.broadcast %parallel_loop3A_573 : f32 to vector<16xf32>
        %parallel_loop3A_575 = arith.cmpf ogt, %parallel_loop3A_572, %parallel_loop3A_574 : vector<16xf32>
        %parallel_loop3A_576 = arith.select %parallel_loop3A_575, %get3A_4, %parallel_loop3A_572 : vector<16xi1>, vector<16xf32>
        %parallel_loop3A_577 = arith.constant 4 : i32
        %parallel_loop3A_578 = arith.constant 0 : i32
        %parallel_loop3A_579 = arith.index_cast %parallel_loop3A_577 : i32 to index
        %parallel_loop3A_580 = arith.index_cast %parallel_loop3A_578 : i32 to index
        %parallel_loop3A_581 = arith.index_cast %parallel_loop3A_565 : i32 to index
        %parallel_loop3A_582 = tpu.vector_load %arg5[%parallel_loop3A_579, %parallel_loop3A_580, %parallel_loop3A_581] {strides = array<i32>} : memref<8x4x2048xf32, #tpu.memory_space<vmem>>, vector<1x1x16xf32>,
        %parallel_loop3A_583 = vector.shape_cast %parallel_loop3A_582 : vector<1x1x16xf32> to vector<16xf32>
        %parallel_loop3A_584 = vector.shape_cast %parallel_loop3A_576 : vector<16xf32> to vector<1x1x16xf32>
        tpu.vector_store %arg5[%parallel_loop3A_579, %parallel_loop3A_580, %parallel_loop3A_581], %parallel_loop3A_584 {strides = array<i32>} : memref<8x4x2048xf32, #tpu.memory_space<vmem>>, vector<1x1x16xf32>,
        %parallel_loop3A_585 = arith.constant 4 : i32
        %parallel_loop3A_586 = arith.constant 1 : i32
        %parallel_loop3A_587 = arith.index_cast %parallel_loop3A_585 : i32 to index
        %parallel_loop3A_588 = arith.index_cast %parallel_loop3A_586 : i32 to index
        %parallel_loop3A_589 = arith.index_cast %parallel_loop3A_565 : i32 to index
        %parallel_loop3A_590 = tpu.vector_load %arg5[%parallel_loop3A_587, %parallel_loop3A_588, %parallel_loop3A_589] {strides = array<i32>} : memref<8x4x2048xf32, #tpu.memory_space<vmem>>, vector<1x1x16xf32>,
        %parallel_loop3A_591 = vector.shape_cast %parallel_loop3A_590 : vector<1x1x16xf32> to vector<16xf32>
        %parallel_loop3A_592 = arith.constant 5.000000e-01 : f32
        %parallel_loop3A_593 = vector.broadcast %parallel_loop3A_592 : f32 to vector<16xf32>
        %parallel_loop3A_594 = arith.cmpf ogt, %parallel_loop3A_591, %parallel_loop3A_593 : vector<16xf32>
        %parallel_loop3A_595 = arith.select %parallel_loop3A_594, %get3A_4, %parallel_loop3A_591 : vector<16xi1>, vector<16xf32>
        %parallel_loop3A_596 = arith.constant 4 : i32
        %parallel_loop3A_597 = arith.constant 1 : i32
        %parallel_loop3A_598 = arith.index_cast %parallel_loop3A_596 : i32 to index
        %parallel_loop3A_599 = arith.index_cast %parallel_loop3A_597 : i32 to index
        %parallel_loop3A_600 = arith.index_cast %parallel_loop3A_565 : i32 to index
        %parallel_loop3A_601 = tpu.vector_load %arg5[%parallel_loop3A_598, %parallel_loop3A_599, %parallel_loop3A_600] {strides = array<i32>} : memref<8x4x2048xf32, #tpu.memory_space<vmem>>, vector<1x1x16xf32>,
        %parallel_loop3A_602 = vector.shape_cast %parallel_loop3A_601 : vector<1x1x16xf32> to vector<16xf32>
        %parallel_loop3A_603 = vector.shape_cast %parallel_loop3A_595 : vector<16xf32> to vector<1x1x16xf32>
        tpu.vector_store %arg5[%parallel_loop3A_598, %parallel_loop3A_599, %parallel_loop3A_600], %parallel_loop3A_603 {strides = array<i32>} : memref<8x4x2048xf32, #tpu.memory_space<vmem>>, vector<1x1x16xf32>,
        %parallel_loop3A_604 = arith.constant 4 : i32
        %parallel_loop3A_605 = arith.constant 2 : i32
        %parallel_loop3A_606 = arith.index_cast %parallel_loop3A_604 : i32 to index
        %parallel_loop3A_607 = arith.index_cast %parallel_loop3A_605 : i32 to index
        %parallel_loop3A_608 = arith.index_cast %parallel_loop3A_565 : i32 to index
        %parallel_loop3A_609 = tpu.vector_load %arg5[%parallel_loop3A_606, %parallel_loop3A_607, %parallel_loop3A_608] {strides = array<i32>} : memref<8x4x2048xf32, #tpu.memory_space<vmem>>, vector<1x1x16xf32>,
        %parallel_loop3A_610 = vector.shape_cast %parallel_loop3A_609 : vector<1x1x16xf32> to vector<16xf32>
        %parallel_loop3A_611 = arith.constant 5.000000e-01 : f32
        %parallel_loop3A_612 = vector.broadcast %parallel_loop3A_611 : f32 to vector<16xf32>
        %parallel_loop3A_613 = arith.cmpf ogt, %parallel_loop3A_610, %parallel_loop3A_612 : vector<16xf32>
        %parallel_loop3A_614 = arith.select %parallel_loop3A_613, %get3A_4, %parallel_loop3A_610 : vector<16xi1>, vector<16xf32>
        %parallel_loop3A_615 = arith.constant 4 : i32
        %parallel_loop3A_616 = arith.constant 2 : i32
        %parallel_loop3A_617 = arith.index_cast %parallel_loop3A_615 : i32 to index
        %parallel_loop3A_618 = arith.index_cast %parallel_loop3A_616 : i32 to index
        %parallel_loop3A_619 = arith.index_cast %parallel_loop3A_565 : i32 to index
        %parallel_loop3A_620 = tpu.vector_load %arg5[%parallel_loop3A_617, %parallel_loop3A_618, %parallel_loop3A_619] {strides = array<i32>} : memref<8x4x2048xf32, #tpu.memory_space<vmem>>, vector<1x1x16xf32>,
        %parallel_loop3A_621 = vector.shape_cast %parallel_loop3A_620 : vector<1x1x16xf32> to vector<16xf32>
        %parallel_loop3A_622 = vector.shape_cast %parallel_loop3A_614 : vector<16xf32> to vector<1x1x16xf32>
        tpu.vector_store %arg5[%parallel_loop3A_617, %parallel_loop3A_618, %parallel_loop3A_619], %parallel_loop3A_622 {strides = array<i32>} : memref<8x4x2048xf32, #tpu.memory_space<vmem>>, vector<1x1x16xf32>,
        %parallel_loop3A_623 = arith.constant 4 : i32
        %parallel_loop3A_624 = arith.constant 3 : i32
        %parallel_loop3A_625 = arith.index_cast %parallel_loop3A_623 : i32 to index
        %parallel_loop3A_626 = arith.index_cast %parallel_loop3A_624 : i32 to index
        %parallel_loop3A_627 = arith.index_cast %parallel_loop3A_565 : i32 to index
        %parallel_loop3A_628 = tpu.vector_load %arg5[%parallel_loop3A_625, %parallel_loop3A_626, %parallel_loop3A_627] {strides = array<i32>} : memref<8x4x2048xf32, #tpu.memory_space<vmem>>, vector<1x1x16xf32>,
        %parallel_loop3A_629 = vector.shape_cast %parallel_loop3A_628 : vector<1x1x16xf32> to vector<16xf32>
        %parallel_loop3A_630 = arith.constant 5.000000e-01 : f32
        %parallel_loop3A_631 = vector.broadcast %parallel_loop3A_630 : f32 to vector<16xf32>
        %parallel_loop3A_632 = arith.cmpf ogt, %parallel_loop3A_629, %parallel_loop3A_631 : vector<16xf32>
        %parallel_loop3A_633 = arith.select %parallel_loop3A_632, %get3A_4, %parallel_loop3A_629 : vector<16xi1>, vector<16xf32>
        %parallel_loop3A_634 = arith.constant 4 : i32
        %parallel_loop3A_635 = arith.constant 3 : i32
        %parallel_loop3A_636 = arith.index_cast %parallel_loop3A_634 : i32 to index
        %parallel_loop3A_637 = arith.index_cast %parallel_loop3A_635 : i32 to index
        %parallel_loop3A_638 = arith.index_cast %parallel_loop3A_565 : i32 to index
        %parallel_loop3A_639 = tpu.vector_load %arg5[%parallel_loop3A_636, %parallel_loop3A_637, %parallel_loop3A_638] {strides = array<i32>} : memref<8x4x2048xf32, #tpu.memory_space<vmem>>, vector<1x1x16xf32>,
        %parallel_loop3A_640 = vector.shape_cast %parallel_loop3A_639 : vector<1x1x16xf32> to vector<16xf32>
        %parallel_loop3A_641 = vector.shape_cast %parallel_loop3A_633 : vector<16xf32> to vector<1x1x16xf32>
        tpu.vector_store %arg5[%parallel_loop3A_636, %parallel_loop3A_637, %parallel_loop3A_638], %parallel_loop3A_641 {strides = array<i32>} : memref<8x4x2048xf32, #tpu.memory_space<vmem>>, vector<1x1x16xf32>,
      } {sc.loop_unroll_factor = 4 : i64, sc.parallel_access}
      %mul3A_418 = arith.constant 4 : i32
      %mul3A_419 = arith.muli %add3A_401, %mul3A_418 : i32
      %add3A_420 = arith.addi %mul3A_2, %mul3A_419 : i32
      %dma_start3A_421 = arith.constant 4 : i32
      %dma_start3A_422 = arith.constant 0 : i32
      %dma_start3A_423 = arith.constant 0 : i32
      %dma_start3A_424 = tpu.memref_slice %arg5[%dma_start3A_421, %dma_start3A_422, %dma_start3A_423] : memref<8x4x2048xf32, #tpu.memory_space<vmem>> -> memref<1x4x2048xf32, #tpu.memory_space<vmem>>
      %dma_start3A_425 = tpu.memref_squeeze %dma_start3A_424 : memref<1x4x2048xf32, #tpu.memory_space<vmem>> -> memref<4x2048xf32, #tpu.memory_space<vmem>>
      %dma_start3A_426 = arith.constant 0 : i32
      %dma_start3A_427 = tpu.memref_slice %arg4[%add3A_420, %dma_start3A_426] : memref<4096x2048xf32, #tpu.memory_space<hbm>> -> memref<4x2048xf32, #tpu.memory_space<hbm>>
      %dma_start3A_428 = arith.constant 0 : i32
      %dma_start3A_429 = tpu.memref_slice %arg4[%add3A_420, %dma_start3A_428] : memref<4096x2048xf32, #tpu.memory_space<hbm>> -> memref<4x2048xf32, #tpu.memory_space<hbm>>
      %dma_start3A_430 = arith.constant 0 : i32
      %dma_start3A_431 = arith.constant 0 : i32
      %dma_start3A_432 = tpu.memref_slice %arg5[%dma_start3A_421, %dma_start3A_430, %dma_start3A_431] : memref<8x4x2048xf32, #tpu.memory_space<vmem>> -> memref<1x4x2048xf32, #tpu.memory_space<vmem>>
      %dma_start3A_433 = tpu.memref_squeeze %dma_start3A_432 : memref<1x4x2048xf32, #tpu.memory_space<vmem>> -> memref<4x2048xf32, #tpu.memory_space<vmem>>
      tpu.enqueue_dma source(%dma_start3A_433 : memref<4x2048xf32, #tpu.memory_space<vmem>>) target(%dma_start3A_429 : memref<4x2048xf32, #tpu.memory_space<hbm>>) target_semaphore(%arg19 : memref<!tpu.dma_semaphore, #tpu.memory_space<semaphore_mem>>)
      %lt3A_434 = arith.constant 3 : i32
      %lt3A_435 = arith.cmpi slt, %scan3A_218, %lt3A_434 : i32
      %convert_element_type3A_436 = arith.extui %lt3A_435 : i1 to i32
      %cond3A_437 = arith.constant 0 : i32
      %cond3A_438 = arith.cmpi ne, %convert_element_type3A_436, %cond3A_437 : i32
      scf.if %cond3A_438 {
        %dma_wait3A_563 = arith.constant 3 : i32
        %dma_wait3A_564 = arith.constant 0 : i32
        %dma_wait3A_565 = arith.constant 0 : i32
        %dma_wait3A_566 = tpu.memref_slice %arg5[%dma_wait3A_563, %dma_wait3A_564, %dma_wait3A_565] : memref<8x4x2048xf32, #tpu.memory_space<vmem>> -> memref<1x4x2048xf32, #tpu.memory_space<vmem>>
        %dma_wait3A_567 = tpu.memref_squeeze %dma_wait3A_566 : memref<1x4x2048xf32, #tpu.memory_space<vmem>> -> memref<4x2048xf32, #tpu.memory_space<vmem>>
        %dma_wait3A_568 = arith.constant 0 : i32
        %dma_wait3A_569 = tpu.memref_slice %arg4[%mul3A_2, %dma_wait3A_568] : memref<4096x2048xf32, #tpu.memory_space<hbm>> -> memref<4x2048xf32, #tpu.memory_space<hbm>>
        %dma_wait3A_570 = arith.constant 0 : i32
        %dma_wait3A_571 = tpu.memref_slice %arg4[%mul3A_2, %dma_wait3A_570] : memref<4096x2048xf32, #tpu.memory_space<hbm>> -> memref<4x2048xf32, #tpu.memory_space<hbm>>
        %dma_wait3A_572 = arith.constant 0 : i32
        %dma_wait3A_573 = arith.constant 0 : i32
        %dma_wait3A_574 = tpu.memref_slice %arg5[%dma_wait3A_563, %dma_wait3A_572, %dma_wait3A_573] : memref<8x4x2048xf32, #tpu.memory_space<vmem>> -> memref<1x4x2048xf32, #tpu.memory_space<vmem>>
        %dma_wait3A_575 = tpu.memref_squeeze %dma_wait3A_574 : memref<1x4x2048xf32, #tpu.memory_space<vmem>> -> memref<4x2048xf32, #tpu.memory_space<vmem>>
        tpu.wait_dma2 semaphore(%arg18 : memref<!tpu.dma_semaphore, #tpu.memory_space<semaphore_mem>>) src(%dma_wait3A_575 : memref<4x2048xf32, #tpu.memory_space<vmem>>) dst(%dma_wait3A_571 : memref<4x2048xf32, #tpu.memory_space<hbm>>)
        %add3A_576 = arith.constant 8 : i32
        %add3A_577 = arith.addi %add3A_401, %add3A_576 : i32
        %sub3A_578 = arith.constant 1 : i32
        %sub3A_579 = arith.subi %add3A_577, %sub3A_578 : i32
        %mul3A_580 = arith.constant 4 : i32
        %mul3A_581 = arith.muli %sub3A_579, %mul3A_580 : i32
        %add3A_582 = arith.addi %mul3A_2, %mul3A_581 : i32
        %dma_start3A_583 = arith.constant 3 : i32
        %dma_start3A_584 = arith.constant 0 : i32
        %dma_start3A_585 = arith.constant 0 : i32
        %dma_start3A_586 = tpu.memref_slice %arg5[%dma_start3A_583, %dma_start3A_584, %dma_start3A_585] : memref<8x4x2048xf32, #tpu.memory_space<vmem>> -> memref<1x4x2048xf32, #tpu.memory_space<vmem>>
        %dma_start3A_587 = tpu.memref_squeeze %dma_start3A_586 : memref<1x4x2048xf32, #tpu.memory_space<vmem>> -> memref<4x2048xf32, #tpu.memory_space<vmem>>
        %dma_start3A_588 = arith.constant 0 : i32
        %dma_start3A_589 = tpu.memref_slice %arg2[%add3A_582, %dma_start3A_588] : memref<16384x2048xf32, #tpu.memory_space<hbm>> -> memref<4x2048xf32, #tpu.memory_space<hbm>>
        %dma_start3A_590 = arith.constant 0 : i32
        %dma_start3A_591 = arith.constant 0 : i32
        %dma_start3A_592 = tpu.memref_slice %arg5[%dma_start3A_583, %dma_start3A_590, %dma_start3A_591] : memref<8x4x2048xf32, #tpu.memory_space<vmem>> -> memref<1x4x2048xf32, #tpu.memory_space<vmem>>
        %dma_start3A_593 = tpu.memref_squeeze %dma_start3A_592 : memref<1x4x2048xf32, #tpu.memory_space<vmem>> -> memref<4x2048xf32, #tpu.memory_space<vmem>>
        %dma_start3A_594 = arith.constant 0 : i32
        %dma_start3A_595 = tpu.memref_slice %arg2[%add3A_582, %dma_start3A_594] : memref<16384x2048xf32, #tpu.memory_space<hbm>> -> memref<4x2048xf32, #tpu.memory_space<hbm>>
        tpu.enqueue_dma source(%dma_start3A_595 : memref<4x2048xf32, #tpu.memory_space<hbm>>) target(%dma_start3A_593 : memref<4x2048xf32, #tpu.memory_space<vmem>>) target_semaphore(%arg10 : memref<!tpu.dma_semaphore, #tpu.memory_space<semaphore_mem>>)
      } else {
      }
      %mul3A_439 = arith.constant 8 : i32
      %mul3A_440 = arith.muli %scan3A_218, %mul3A_439 : i32
      %add3A_441 = arith.constant 5 : i32
      %add3A_442 = arith.addi %mul3A_440, %add3A_441 : i32
      %dma_wait3A_443 = arith.constant 5 : i32
      %dma_wait3A_444 = arith.constant 0 : i32
      %dma_wait3A_445 = arith.constant 0 : i32
      %dma_wait3A_446 = tpu.memref_slice %arg5[%dma_wait3A_443, %dma_wait3A_444, %dma_wait3A_445] : memref<8x4x2048xf32, #tpu.memory_space<vmem>> -> memref<1x4x2048xf32, #tpu.memory_space<vmem>>
      %dma_wait3A_447 = tpu.memref_squeeze %dma_wait3A_446 : memref<1x4x2048xf32, #tpu.memory_space<vmem>> -> memref<4x2048xf32, #tpu.memory_space<vmem>>
      %dma_wait3A_448 = arith.constant 0 : i32
      %dma_wait3A_449 = tpu.memref_slice %arg2[%mul3A_2, %dma_wait3A_448] : memref<16384x2048xf32, #tpu.memory_space<hbm>> -> memref<4x2048xf32, #tpu.memory_space<hbm>>
      %dma_wait3A_450 = arith.constant 0 : i32
      %dma_wait3A_451 = arith.constant 0 : i32
      %dma_wait3A_452 = tpu.memref_slice %arg5[%dma_wait3A_443, %dma_wait3A_450, %dma_wait3A_451] : memref<8x4x2048xf32, #tpu.memory_space<vmem>> -> memref<1x4x2048xf32, #tpu.memory_space<vmem>>
      %dma_wait3A_453 = tpu.memref_squeeze %dma_wait3A_452 : memref<1x4x2048xf32, #tpu.memory_space<vmem>> -> memref<4x2048xf32, #tpu.memory_space<vmem>>
      %dma_wait3A_454 = arith.constant 0 : i32
      %dma_wait3A_455 = tpu.memref_slice %arg2[%mul3A_2, %dma_wait3A_454] : memref<16384x2048xf32, #tpu.memory_space<hbm>> -> memref<4x2048xf32, #tpu.memory_space<hbm>>
      tpu.wait_dma2 semaphore(%arg12 : memref<!tpu.dma_semaphore, #tpu.memory_space<semaphore_mem>>) src(%dma_wait3A_455 : memref<4x2048xf32, #tpu.memory_space<hbm>>) dst(%dma_wait3A_453 : memref<4x2048xf32, #tpu.memory_space<vmem>>)
      %parallel_loop3A_456 = arith.constant 0 : i32
      %parallel_loop3A_457 = arith.constant 128 : i32
      %parallel_loop3A_458 = arith.constant 1 : i32
      scf.for %parallel_loop3A_563 = %parallel_loop3A_456 to %parallel_loop3A_457 step %parallel_loop3A_458  : i32 {
        %parallel_loop3A_564 = arith.constant 16 : i32
        %parallel_loop3A_565 = arith.muli %parallel_loop3A_563, %parallel_loop3A_564 : i32
        %parallel_loop3A_566 = arith.constant 5 : i32
        %parallel_loop3A_567 = arith.constant 0 : i32
        %parallel_loop3A_568 = arith.index_cast %parallel_loop3A_566 : i32 to index
        %parallel_loop3A_569 = arith.index_cast %parallel_loop3A_567 : i32 to index
        %parallel_loop3A_570 = arith.index_cast %parallel_loop3A_565 : i32 to index
        %parallel_loop3A_571 = tpu.vector_load %arg5[%parallel_loop3A_568, %parallel_loop3A_569, %parallel_loop3A_570] {strides = array<i32>} : memref<8x4x2048xf32, #tpu.memory_space<vmem>>, vector<1x1x16xf32>,
        %parallel_loop3A_572 = vector.shape_cast %parallel_loop3A_571 : vector<1x1x16xf32> to vector<16xf32>
        %parallel_loop3A_573 = arith.constant 5.000000e-01 : f32
        %parallel_loop3A_574 = vector.broadcast %parallel_loop3A_573 : f32 to vector<16xf32>
        %parallel_loop3A_575 = arith.cmpf ogt, %parallel_loop3A_572, %parallel_loop3A_574 : vector<16xf32>
        %parallel_loop3A_576 = arith.select %parallel_loop3A_575, %get3A_4, %parallel_loop3A_572 : vector<16xi1>, vector<16xf32>
        %parallel_loop3A_577 = arith.constant 5 : i32
        %parallel_loop3A_578 = arith.constant 0 : i32
        %parallel_loop3A_579 = arith.index_cast %parallel_loop3A_577 : i32 to index
        %parallel_loop3A_580 = arith.index_cast %parallel_loop3A_578 : i32 to index
        %parallel_loop3A_581 = arith.index_cast %parallel_loop3A_565 : i32 to index
        %parallel_loop3A_582 = tpu.vector_load %arg5[%parallel_loop3A_579, %parallel_loop3A_580, %parallel_loop3A_581] {strides = array<i32>} : memref<8x4x2048xf32, #tpu.memory_space<vmem>>, vector<1x1x16xf32>,
        %parallel_loop3A_583 = vector.shape_cast %parallel_loop3A_582 : vector<1x1x16xf32> to vector<16xf32>
        %parallel_loop3A_584 = vector.shape_cast %parallel_loop3A_576 : vector<16xf32> to vector<1x1x16xf32>
        tpu.vector_store %arg5[%parallel_loop3A_579, %parallel_loop3A_580, %parallel_loop3A_581], %parallel_loop3A_584 {strides = array<i32>} : memref<8x4x2048xf32, #tpu.memory_space<vmem>>, vector<1x1x16xf32>,
        %parallel_loop3A_585 = arith.constant 5 : i32
        %parallel_loop3A_586 = arith.constant 1 : i32
        %parallel_loop3A_587 = arith.index_cast %parallel_loop3A_585 : i32 to index
        %parallel_loop3A_588 = arith.index_cast %parallel_loop3A_586 : i32 to index
        %parallel_loop3A_589 = arith.index_cast %parallel_loop3A_565 : i32 to index
        %parallel_loop3A_590 = tpu.vector_load %arg5[%parallel_loop3A_587, %parallel_loop3A_588, %parallel_loop3A_589] {strides = array<i32>} : memref<8x4x2048xf32, #tpu.memory_space<vmem>>, vector<1x1x16xf32>,
        %parallel_loop3A_591 = vector.shape_cast %parallel_loop3A_590 : vector<1x1x16xf32> to vector<16xf32>
        %parallel_loop3A_592 = arith.constant 5.000000e-01 : f32
        %parallel_loop3A_593 = vector.broadcast %parallel_loop3A_592 : f32 to vector<16xf32>
        %parallel_loop3A_594 = arith.cmpf ogt, %parallel_loop3A_591, %parallel_loop3A_593 : vector<16xf32>
        %parallel_loop3A_595 = arith.select %parallel_loop3A_594, %get3A_4, %parallel_loop3A_591 : vector<16xi1>, vector<16xf32>
        %parallel_loop3A_596 = arith.constant 5 : i32
        %parallel_loop3A_597 = arith.constant 1 : i32
        %parallel_loop3A_598 = arith.index_cast %parallel_loop3A_596 : i32 to index
        %parallel_loop3A_599 = arith.index_cast %parallel_loop3A_597 : i32 to index
        %parallel_loop3A_600 = arith.index_cast %parallel_loop3A_565 : i32 to index
        %parallel_loop3A_601 = tpu.vector_load %arg5[%parallel_loop3A_598, %parallel_loop3A_599, %parallel_loop3A_600] {strides = array<i32>} : memref<8x4x2048xf32, #tpu.memory_space<vmem>>, vector<1x1x16xf32>,
        %parallel_loop3A_602 = vector.shape_cast %parallel_loop3A_601 : vector<1x1x16xf32> to vector<16xf32>
        %parallel_loop3A_603 = vector.shape_cast %parallel_loop3A_595 : vector<16xf32> to vector<1x1x16xf32>
        tpu.vector_store %arg5[%parallel_loop3A_598, %parallel_loop3A_599, %parallel_loop3A_600], %parallel_loop3A_603 {strides = array<i32>} : memref<8x4x2048xf32, #tpu.memory_space<vmem>>, vector<1x1x16xf32>,
        %parallel_loop3A_604 = arith.constant 5 : i32
        %parallel_loop3A_605 = arith.constant 2 : i32
        %parallel_loop3A_606 = arith.index_cast %parallel_loop3A_604 : i32 to index
        %parallel_loop3A_607 = arith.index_cast %parallel_loop3A_605 : i32 to index
        %parallel_loop3A_608 = arith.index_cast %parallel_loop3A_565 : i32 to index
        %parallel_loop3A_609 = tpu.vector_load %arg5[%parallel_loop3A_606, %parallel_loop3A_607, %parallel_loop3A_608] {strides = array<i32>} : memref<8x4x2048xf32, #tpu.memory_space<vmem>>, vector<1x1x16xf32>,
        %parallel_loop3A_610 = vector.shape_cast %parallel_loop3A_609 : vector<1x1x16xf32> to vector<16xf32>
        %parallel_loop3A_611 = arith.constant 5.000000e-01 : f32
        %parallel_loop3A_612 = vector.broadcast %parallel_loop3A_611 : f32 to vector<16xf32>
        %parallel_loop3A_613 = arith.cmpf ogt, %parallel_loop3A_610, %parallel_loop3A_612 : vector<16xf32>
        %parallel_loop3A_614 = arith.select %parallel_loop3A_613, %get3A_4, %parallel_loop3A_610 : vector<16xi1>, vector<16xf32>
        %parallel_loop3A_615 = arith.constant 5 : i32
        %parallel_loop3A_616 = arith.constant 2 : i32
        %parallel_loop3A_617 = arith.index_cast %parallel_loop3A_615 : i32 to index
        %parallel_loop3A_618 = arith.index_cast %parallel_loop3A_616 : i32 to index
        %parallel_loop3A_619 = arith.index_cast %parallel_loop3A_565 : i32 to index
        %parallel_loop3A_620 = tpu.vector_load %arg5[%parallel_loop3A_617, %parallel_loop3A_618, %parallel_loop3A_619] {strides = array<i32>} : memref<8x4x2048xf32, #tpu.memory_space<vmem>>, vector<1x1x16xf32>,
        %parallel_loop3A_621 = vector.shape_cast %parallel_loop3A_620 : vector<1x1x16xf32> to vector<16xf32>
        %parallel_loop3A_622 = vector.shape_cast %parallel_loop3A_614 : vector<16xf32> to vector<1x1x16xf32>
        tpu.vector_store %arg5[%parallel_loop3A_617, %parallel_loop3A_618, %parallel_loop3A_619], %parallel_loop3A_622 {strides = array<i32>} : memref<8x4x2048xf32, #tpu.memory_space<vmem>>, vector<1x1x16xf32>,
        %parallel_loop3A_623 = arith.constant 5 : i32
        %parallel_loop3A_624 = arith.constant 3 : i32
        %parallel_loop3A_625 = arith.index_cast %parallel_loop3A_623 : i32 to index
        %parallel_loop3A_626 = arith.index_cast %parallel_loop3A_624 : i32 to index
        %parallel_loop3A_627 = arith.index_cast %parallel_loop3A_565 : i32 to index
        %parallel_loop3A_628 = tpu.vector_load %arg5[%parallel_loop3A_625, %parallel_loop3A_626, %parallel_loop3A_627] {strides = array<i32>} : memref<8x4x2048xf32, #tpu.memory_space<vmem>>, vector<1x1x16xf32>,
        %parallel_loop3A_629 = vector.shape_cast %parallel_loop3A_628 : vector<1x1x16xf32> to vector<16xf32>
        %parallel_loop3A_630 = arith.constant 5.000000e-01 : f32
        %parallel_loop3A_631 = vector.broadcast %parallel_loop3A_630 : f32 to vector<16xf32>
        %parallel_loop3A_632 = arith.cmpf ogt, %parallel_loop3A_629, %parallel_loop3A_631 : vector<16xf32>
        %parallel_loop3A_633 = arith.select %parallel_loop3A_632, %get3A_4, %parallel_loop3A_629 : vector<16xi1>, vector<16xf32>
        %parallel_loop3A_634 = arith.constant 5 : i32
        %parallel_loop3A_635 = arith.constant 3 : i32
        %parallel_loop3A_636 = arith.index_cast %parallel_loop3A_634 : i32 to index
        %parallel_loop3A_637 = arith.index_cast %parallel_loop3A_635 : i32 to index
        %parallel_loop3A_638 = arith.index_cast %parallel_loop3A_565 : i32 to index
        %parallel_loop3A_639 = tpu.vector_load %arg5[%parallel_loop3A_636, %parallel_loop3A_637, %parallel_loop3A_638] {strides = array<i32>} : memref<8x4x2048xf32, #tpu.memory_space<vmem>>, vector<1x1x16xf32>,
        %parallel_loop3A_640 = vector.shape_cast %parallel_loop3A_639 : vector<1x1x16xf32> to vector<16xf32>
        %parallel_loop3A_641 = vector.shape_cast %parallel_loop3A_633 : vector<16xf32> to vector<1x1x16xf32>
        tpu.vector_store %arg5[%parallel_loop3A_636, %parallel_loop3A_637, %parallel_loop3A_638], %parallel_loop3A_641 {strides = array<i32>} : memref<8x4x2048xf32, #tpu.memory_space<vmem>>, vector<1x1x16xf32>,
      } {sc.loop_unroll_factor = 4 : i64, sc.parallel_access}
      %mul3A_459 = arith.constant 4 : i32
      %mul3A_460 = arith.muli %add3A_442, %mul3A_459 : i32
      %add3A_461 = arith.addi %mul3A_2, %mul3A_460 : i32
      %dma_start3A_462 = arith.constant 5 : i32
      %dma_start3A_463 = arith.constant 0 : i32
      %dma_start3A_464 = arith.constant 0 : i32
      %dma_start3A_465 = tpu.memref_slice %arg5[%dma_start3A_462, %dma_start3A_463, %dma_start3A_464] : memref<8x4x2048xf32, #tpu.memory_space<vmem>> -> memref<1x4x2048xf32, #tpu.memory_space<vmem>>
      %dma_start3A_466 = tpu.memref_squeeze %dma_start3A_465 : memref<1x4x2048xf32, #tpu.memory_space<vmem>> -> memref<4x2048xf32, #tpu.memory_space<vmem>>
      %dma_start3A_467 = arith.constant 0 : i32
      %dma_start3A_468 = tpu.memref_slice %arg4[%add3A_461, %dma_start3A_467] : memref<4096x2048xf32, #tpu.memory_space<hbm>> -> memref<4x2048xf32, #tpu.memory_space<hbm>>
      %dma_start3A_469 = arith.constant 0 : i32
      %dma_start3A_470 = tpu.memref_slice %arg4[%add3A_461, %dma_start3A_469] : memref<4096x2048xf32, #tpu.memory_space<hbm>> -> memref<4x2048xf32, #tpu.memory_space<hbm>>
      %dma_start3A_471 = arith.constant 0 : i32
      %dma_start3A_472 = arith.constant 0 : i32
      %dma_start3A_473 = tpu.memref_slice %arg5[%dma_start3A_462, %dma_start3A_471, %dma_start3A_472] : memref<8x4x2048xf32, #tpu.memory_space<vmem>> -> memref<1x4x2048xf32, #tpu.memory_space<vmem>>
      %dma_start3A_474 = tpu.memref_squeeze %dma_start3A_473 : memref<1x4x2048xf32, #tpu.memory_space<vmem>> -> memref<4x2048xf32, #tpu.memory_space<vmem>>
      tpu.enqueue_dma source(%dma_start3A_474 : memref<4x2048xf32, #tpu.memory_space<vmem>>) target(%dma_start3A_470 : memref<4x2048xf32, #tpu.memory_space<hbm>>) target_semaphore(%arg20 : memref<!tpu.dma_semaphore, #tpu.memory_space<semaphore_mem>>)
      %lt3A_475 = arith.constant 3 : i32
      %lt3A_476 = arith.cmpi slt, %scan3A_218, %lt3A_475 : i32
      %convert_element_type3A_477 = arith.extui %lt3A_476 : i1 to i32
      %cond3A_478 = arith.constant 0 : i32
      %cond3A_479 = arith.cmpi ne, %convert_element_type3A_477, %cond3A_478 : i32
      scf.if %cond3A_479 {
        %dma_wait3A_563 = arith.constant 4 : i32
        %dma_wait3A_564 = arith.constant 0 : i32
        %dma_wait3A_565 = arith.constant 0 : i32
        %dma_wait3A_566 = tpu.memref_slice %arg5[%dma_wait3A_563, %dma_wait3A_564, %dma_wait3A_565] : memref<8x4x2048xf32, #tpu.memory_space<vmem>> -> memref<1x4x2048xf32, #tpu.memory_space<vmem>>
        %dma_wait3A_567 = tpu.memref_squeeze %dma_wait3A_566 : memref<1x4x2048xf32, #tpu.memory_space<vmem>> -> memref<4x2048xf32, #tpu.memory_space<vmem>>
        %dma_wait3A_568 = arith.constant 0 : i32
        %dma_wait3A_569 = tpu.memref_slice %arg4[%mul3A_2, %dma_wait3A_568] : memref<4096x2048xf32, #tpu.memory_space<hbm>> -> memref<4x2048xf32, #tpu.memory_space<hbm>>
        %dma_wait3A_570 = arith.constant 0 : i32
        %dma_wait3A_571 = tpu.memref_slice %arg4[%mul3A_2, %dma_wait3A_570] : memref<4096x2048xf32, #tpu.memory_space<hbm>> -> memref<4x2048xf32, #tpu.memory_space<hbm>>
        %dma_wait3A_572 = arith.constant 0 : i32
        %dma_wait3A_573 = arith.constant 0 : i32
        %dma_wait3A_574 = tpu.memref_slice %arg5[%dma_wait3A_563, %dma_wait3A_572, %dma_wait3A_573] : memref<8x4x2048xf32, #tpu.memory_space<vmem>> -> memref<1x4x2048xf32, #tpu.memory_space<vmem>>
        %dma_wait3A_575 = tpu.memref_squeeze %dma_wait3A_574 : memref<1x4x2048xf32, #tpu.memory_space<vmem>> -> memref<4x2048xf32, #tpu.memory_space<vmem>>
        tpu.wait_dma2 semaphore(%arg19 : memref<!tpu.dma_semaphore, #tpu.memory_space<semaphore_mem>>) src(%dma_wait3A_575 : memref<4x2048xf32, #tpu.memory_space<vmem>>) dst(%dma_wait3A_571 : memref<4x2048xf32, #tpu.memory_space<hbm>>)
        %add3A_576 = arith.constant 8 : i32
        %add3A_577 = arith.addi %add3A_442, %add3A_576 : i32
        %sub3A_578 = arith.constant 1 : i32
        %sub3A_579 = arith.subi %add3A_577, %sub3A_578 : i32
        %mul3A_580 = arith.constant 4 : i32
        %mul3A_581 = arith.muli %sub3A_579, %mul3A_580 : i32
        %add3A_582 = arith.addi %mul3A_2, %mul3A_581 : i32
        %dma_start3A_583 = arith.constant 4 : i32
        %dma_start3A_584 = arith.constant 0 : i32
        %dma_start3A_585 = arith.constant 0 : i32
        %dma_start3A_586 = tpu.memref_slice %arg5[%dma_start3A_583, %dma_start3A_584, %dma_start3A_585] : memref<8x4x2048xf32, #tpu.memory_space<vmem>> -> memref<1x4x2048xf32, #tpu.memory_space<vmem>>
        %dma_start3A_587 = tpu.memref_squeeze %dma_start3A_586 : memref<1x4x2048xf32, #tpu.memory_space<vmem>> -> memref<4x2048xf32, #tpu.memory_space<vmem>>
        %dma_start3A_588 = arith.constant 0 : i32
        %dma_start3A_589 = tpu.memref_slice %arg2[%add3A_582, %dma_start3A_588] : memref<16384x2048xf32, #tpu.memory_space<hbm>> -> memref<4x2048xf32, #tpu.memory_space<hbm>>
        %dma_start3A_590 = arith.constant 0 : i32
        %dma_start3A_591 = arith.constant 0 : i32
        %dma_start3A_592 = tpu.memref_slice %arg5[%dma_start3A_583, %dma_start3A_590, %dma_start3A_591] : memref<8x4x2048xf32, #tpu.memory_space<vmem>> -> memref<1x4x2048xf32, #tpu.memory_space<vmem>>
        %dma_start3A_593 = tpu.memref_squeeze %dma_start3A_592 : memref<1x4x2048xf32, #tpu.memory_space<vmem>> -> memref<4x2048xf32, #tpu.memory_space<vmem>>
        %dma_start3A_594 = arith.constant 0 : i32
        %dma_start3A_595 = tpu.memref_slice %arg2[%add3A_582, %dma_start3A_594] : memref<16384x2048xf32, #tpu.memory_space<hbm>> -> memref<4x2048xf32, #tpu.memory_space<hbm>>
        tpu.enqueue_dma source(%dma_start3A_595 : memref<4x2048xf32, #tpu.memory_space<hbm>>) target(%dma_start3A_593 : memref<4x2048xf32, #tpu.memory_space<vmem>>) target_semaphore(%arg11 : memref<!tpu.dma_semaphore, #tpu.memory_space<semaphore_mem>>)
      } else {
      }
      %mul3A_480 = arith.constant 8 : i32
      %mul3A_481 = arith.muli %scan3A_218, %mul3A_480 : i32
      %add3A_482 = arith.constant 6 : i32
      %add3A_483 = arith.addi %mul3A_481, %add3A_482 : i32
      %dma_wait3A_484 = arith.constant 6 : i32
      %dma_wait3A_485 = arith.constant 0 : i32
      %dma_wait3A_486 = arith.constant 0 : i32
      %dma_wait3A_487 = tpu.memref_slice %arg5[%dma_wait3A_484, %dma_wait3A_485, %dma_wait3A_486] : memref<8x4x2048xf32, #tpu.memory_space<vmem>> -> memref<1x4x2048xf32, #tpu.memory_space<vmem>>
      %dma_wait3A_488 = tpu.memref_squeeze %dma_wait3A_487 : memref<1x4x2048xf32, #tpu.memory_space<vmem>> -> memref<4x2048xf32, #tpu.memory_space<vmem>>
      %dma_wait3A_489 = arith.constant 0 : i32
      %dma_wait3A_490 = tpu.memref_slice %arg2[%mul3A_2, %dma_wait3A_489] : memref<16384x2048xf32, #tpu.memory_space<hbm>> -> memref<4x2048xf32, #tpu.memory_space<hbm>>
      %dma_wait3A_491 = arith.constant 0 : i32
      %dma_wait3A_492 = arith.constant 0 : i32
      %dma_wait3A_493 = tpu.memref_slice %arg5[%dma_wait3A_484, %dma_wait3A_491, %dma_wait3A_492] : memref<8x4x2048xf32, #tpu.memory_space<vmem>> -> memref<1x4x2048xf32, #tpu.memory_space<vmem>>
      %dma_wait3A_494 = tpu.memref_squeeze %dma_wait3A_493 : memref<1x4x2048xf32, #tpu.memory_space<vmem>> -> memref<4x2048xf32, #tpu.memory_space<vmem>>
      %dma_wait3A_495 = arith.constant 0 : i32
      %dma_wait3A_496 = tpu.memref_slice %arg2[%mul3A_2, %dma_wait3A_495] : memref<16384x2048xf32, #tpu.memory_space<hbm>> -> memref<4x2048xf32, #tpu.memory_space<hbm>>
      tpu.wait_dma2 semaphore(%arg13 : memref<!tpu.dma_semaphore, #tpu.memory_space<semaphore_mem>>) src(%dma_wait3A_496 : memref<4x2048xf32, #tpu.memory_space<hbm>>) dst(%dma_wait3A_494 : memref<4x2048xf32, #tpu.memory_space<vmem>>)
      %parallel_loop3A_497 = arith.constant 0 : i32
      %parallel_loop3A_498 = arith.constant 128 : i32
      %parallel_loop3A_499 = arith.constant 1 : i32
      scf.for %parallel_loop3A_563 = %parallel_loop3A_497 to %parallel_loop3A_498 step %parallel_loop3A_499  : i32 {
        %parallel_loop3A_564 = arith.constant 16 : i32
        %parallel_loop3A_565 = arith.muli %parallel_loop3A_563, %parallel_loop3A_564 : i32
        %parallel_loop3A_566 = arith.constant 6 : i32
        %parallel_loop3A_567 = arith.constant 0 : i32
        %parallel_loop3A_568 = arith.index_cast %parallel_loop3A_566 : i32 to index
        %parallel_loop3A_569 = arith.index_cast %parallel_loop3A_567 : i32 to index
        %parallel_loop3A_570 = arith.index_cast %parallel_loop3A_565 : i32 to index
        %parallel_loop3A_571 = tpu.vector_load %arg5[%parallel_loop3A_568, %parallel_loop3A_569, %parallel_loop3A_570] {strides = array<i32>} : memref<8x4x2048xf32, #tpu.memory_space<vmem>>, vector<1x1x16xf32>,
        %parallel_loop3A_572 = vector.shape_cast %parallel_loop3A_571 : vector<1x1x16xf32> to vector<16xf32>
        %parallel_loop3A_573 = arith.constant 5.000000e-01 : f32
        %parallel_loop3A_574 = vector.broadcast %parallel_loop3A_573 : f32 to vector<16xf32>
        %parallel_loop3A_575 = arith.cmpf ogt, %parallel_loop3A_572, %parallel_loop3A_574 : vector<16xf32>
        %parallel_loop3A_576 = arith.select %parallel_loop3A_575, %get3A_4, %parallel_loop3A_572 : vector<16xi1>, vector<16xf32>
        %parallel_loop3A_577 = arith.constant 6 : i32
        %parallel_loop3A_578 = arith.constant 0 : i32
        %parallel_loop3A_579 = arith.index_cast %parallel_loop3A_577 : i32 to index
        %parallel_loop3A_580 = arith.index_cast %parallel_loop3A_578 : i32 to index
        %parallel_loop3A_581 = arith.index_cast %parallel_loop3A_565 : i32 to index
        %parallel_loop3A_582 = tpu.vector_load %arg5[%parallel_loop3A_579, %parallel_loop3A_580, %parallel_loop3A_581] {strides = array<i32>} : memref<8x4x2048xf32, #tpu.memory_space<vmem>>, vector<1x1x16xf32>,
        %parallel_loop3A_583 = vector.shape_cast %parallel_loop3A_582 : vector<1x1x16xf32> to vector<16xf32>
        %parallel_loop3A_584 = vector.shape_cast %parallel_loop3A_576 : vector<16xf32> to vector<1x1x16xf32>
        tpu.vector_store %arg5[%parallel_loop3A_579, %parallel_loop3A_580, %parallel_loop3A_581], %parallel_loop3A_584 {strides = array<i32>} : memref<8x4x2048xf32, #tpu.memory_space<vmem>>, vector<1x1x16xf32>,
        %parallel_loop3A_585 = arith.constant 6 : i32
        %parallel_loop3A_586 = arith.constant 1 : i32
        %parallel_loop3A_587 = arith.index_cast %parallel_loop3A_585 : i32 to index
        %parallel_loop3A_588 = arith.index_cast %parallel_loop3A_586 : i32 to index
        %parallel_loop3A_589 = arith.index_cast %parallel_loop3A_565 : i32 to index
        %parallel_loop3A_590 = tpu.vector_load %arg5[%parallel_loop3A_587, %parallel_loop3A_588, %parallel_loop3A_589] {strides = array<i32>} : memref<8x4x2048xf32, #tpu.memory_space<vmem>>, vector<1x1x16xf32>,
        %parallel_loop3A_591 = vector.shape_cast %parallel_loop3A_590 : vector<1x1x16xf32> to vector<16xf32>
        %parallel_loop3A_592 = arith.constant 5.000000e-01 : f32
        %parallel_loop3A_593 = vector.broadcast %parallel_loop3A_592 : f32 to vector<16xf32>
        %parallel_loop3A_594 = arith.cmpf ogt, %parallel_loop3A_591, %parallel_loop3A_593 : vector<16xf32>
        %parallel_loop3A_595 = arith.select %parallel_loop3A_594, %get3A_4, %parallel_loop3A_591 : vector<16xi1>, vector<16xf32>
        %parallel_loop3A_596 = arith.constant 6 : i32
        %parallel_loop3A_597 = arith.constant 1 : i32
        %parallel_loop3A_598 = arith.index_cast %parallel_loop3A_596 : i32 to index
        %parallel_loop3A_599 = arith.index_cast %parallel_loop3A_597 : i32 to index
        %parallel_loop3A_600 = arith.index_cast %parallel_loop3A_565 : i32 to index
        %parallel_loop3A_601 = tpu.vector_load %arg5[%parallel_loop3A_598, %parallel_loop3A_599, %parallel_loop3A_600] {strides = array<i32>} : memref<8x4x2048xf32, #tpu.memory_space<vmem>>, vector<1x1x16xf32>,
        %parallel_loop3A_602 = vector.shape_cast %parallel_loop3A_601 : vector<1x1x16xf32> to vector<16xf32>
        %parallel_loop3A_603 = vector.shape_cast %parallel_loop3A_595 : vector<16xf32> to vector<1x1x16xf32>
        tpu.vector_store %arg5[%parallel_loop3A_598, %parallel_loop3A_599, %parallel_loop3A_600], %parallel_loop3A_603 {strides = array<i32>} : memref<8x4x2048xf32, #tpu.memory_space<vmem>>, vector<1x1x16xf32>,
        %parallel_loop3A_604 = arith.constant 6 : i32
        %parallel_loop3A_605 = arith.constant 2 : i32
        %parallel_loop3A_606 = arith.index_cast %parallel_loop3A_604 : i32 to index
        %parallel_loop3A_607 = arith.index_cast %parallel_loop3A_605 : i32 to index
        %parallel_loop3A_608 = arith.index_cast %parallel_loop3A_565 : i32 to index
        %parallel_loop3A_609 = tpu.vector_load %arg5[%parallel_loop3A_606, %parallel_loop3A_607, %parallel_loop3A_608] {strides = array<i32>} : memref<8x4x2048xf32, #tpu.memory_space<vmem>>, vector<1x1x16xf32>,
        %parallel_loop3A_610 = vector.shape_cast %parallel_loop3A_609 : vector<1x1x16xf32> to vector<16xf32>
        %parallel_loop3A_611 = arith.constant 5.000000e-01 : f32
        %parallel_loop3A_612 = vector.broadcast %parallel_loop3A_611 : f32 to vector<16xf32>
        %parallel_loop3A_613 = arith.cmpf ogt, %parallel_loop3A_610, %parallel_loop3A_612 : vector<16xf32>
        %parallel_loop3A_614 = arith.select %parallel_loop3A_613, %get3A_4, %parallel_loop3A_610 : vector<16xi1>, vector<16xf32>
        %parallel_loop3A_615 = arith.constant 6 : i32
        %parallel_loop3A_616 = arith.constant 2 : i32
        %parallel_loop3A_617 = arith.index_cast %parallel_loop3A_615 : i32 to index
        %parallel_loop3A_618 = arith.index_cast %parallel_loop3A_616 : i32 to index
        %parallel_loop3A_619 = arith.index_cast %parallel_loop3A_565 : i32 to index
        %parallel_loop3A_620 = tpu.vector_load %arg5[%parallel_loop3A_617, %parallel_loop3A_618, %parallel_loop3A_619] {strides = array<i32>} : memref<8x4x2048xf32, #tpu.memory_space<vmem>>, vector<1x1x16xf32>,
        %parallel_loop3A_621 = vector.shape_cast %parallel_loop3A_620 : vector<1x1x16xf32> to vector<16xf32>
        %parallel_loop3A_622 = vector.shape_cast %parallel_loop3A_614 : vector<16xf32> to vector<1x1x16xf32>
        tpu.vector_store %arg5[%parallel_loop3A_617, %parallel_loop3A_618, %parallel_loop3A_619], %parallel_loop3A_622 {strides = array<i32>} : memref<8x4x2048xf32, #tpu.memory_space<vmem>>, vector<1x1x16xf32>,
        %parallel_loop3A_623 = arith.constant 6 : i32
        %parallel_loop3A_624 = arith.constant 3 : i32
        %parallel_loop3A_625 = arith.index_cast %parallel_loop3A_623 : i32 to index
        %parallel_loop3A_626 = arith.index_cast %parallel_loop3A_624 : i32 to index
        %parallel_loop3A_627 = arith.index_cast %parallel_loop3A_565 : i32 to index
        %parallel_loop3A_628 = tpu.vector_load %arg5[%parallel_loop3A_625, %parallel_loop3A_626, %parallel_loop3A_627] {strides = array<i32>} : memref<8x4x2048xf32, #tpu.memory_space<vmem>>, vector<1x1x16xf32>,
        %parallel_loop3A_629 = vector.shape_cast %parallel_loop3A_628 : vector<1x1x16xf32> to vector<16xf32>
        %parallel_loop3A_630 = arith.constant 5.000000e-01 : f32
        %parallel_loop3A_631 = vector.broadcast %parallel_loop3A_630 : f32 to vector<16xf32>
        %parallel_loop3A_632 = arith.cmpf ogt, %parallel_loop3A_629, %parallel_loop3A_631 : vector<16xf32>
        %parallel_loop3A_633 = arith.select %parallel_loop3A_632, %get3A_4, %parallel_loop3A_629 : vector<16xi1>, vector<16xf32>
        %parallel_loop3A_634 = arith.constant 6 : i32
        %parallel_loop3A_635 = arith.constant 3 : i32
        %parallel_loop3A_636 = arith.index_cast %parallel_loop3A_634 : i32 to index
        %parallel_loop3A_637 = arith.index_cast %parallel_loop3A_635 : i32 to index
        %parallel_loop3A_638 = arith.index_cast %parallel_loop3A_565 : i32 to index
        %parallel_loop3A_639 = tpu.vector_load %arg5[%parallel_loop3A_636, %parallel_loop3A_637, %parallel_loop3A_638] {strides = array<i32>} : memref<8x4x2048xf32, #tpu.memory_space<vmem>>, vector<1x1x16xf32>,
        %parallel_loop3A_640 = vector.shape_cast %parallel_loop3A_639 : vector<1x1x16xf32> to vector<16xf32>
        %parallel_loop3A_641 = vector.shape_cast %parallel_loop3A_633 : vector<16xf32> to vector<1x1x16xf32>
        tpu.vector_store %arg5[%parallel_loop3A_636, %parallel_loop3A_637, %parallel_loop3A_638], %parallel_loop3A_641 {strides = array<i32>} : memref<8x4x2048xf32, #tpu.memory_space<vmem>>, vector<1x1x16xf32>,
      } {sc.loop_unroll_factor = 4 : i64, sc.parallel_access}
      %mul3A_500 = arith.constant 4 : i32
      %mul3A_501 = arith.muli %add3A_483, %mul3A_500 : i32
      %add3A_502 = arith.addi %mul3A_2, %mul3A_501 : i32
      %dma_start3A_503 = arith.constant 6 : i32
      %dma_start3A_504 = arith.constant 0 : i32
      %dma_start3A_505 = arith.constant 0 : i32
      %dma_start3A_506 = tpu.memref_slice %arg5[%dma_start3A_503, %dma_start3A_504, %dma_start3A_505] : memref<8x4x2048xf32, #tpu.memory_space<vmem>> -> memref<1x4x2048xf32, #tpu.memory_space<vmem>>
      %dma_start3A_507 = tpu.memref_squeeze %dma_start3A_506 : memref<1x4x2048xf32, #tpu.memory_space<vmem>> -> memref<4x2048xf32, #tpu.memory_space<vmem>>
      %dma_start3A_508 = arith.constant 0 : i32
      %dma_start3A_509 = tpu.memref_slice %arg4[%add3A_502, %dma_start3A_508] : memref<4096x2048xf32, #tpu.memory_space<hbm>> -> memref<4x2048xf32, #tpu.memory_space<hbm>>
      %dma_start3A_510 = arith.constant 0 : i32
      %dma_start3A_511 = tpu.memref_slice %arg4[%add3A_502, %dma_start3A_510] : memref<4096x2048xf32, #tpu.memory_space<hbm>> -> memref<4x2048xf32, #tpu.memory_space<hbm>>
      %dma_start3A_512 = arith.constant 0 : i32
      %dma_start3A_513 = arith.constant 0 : i32
      %dma_start3A_514 = tpu.memref_slice %arg5[%dma_start3A_503, %dma_start3A_512, %dma_start3A_513] : memref<8x4x2048xf32, #tpu.memory_space<vmem>> -> memref<1x4x2048xf32, #tpu.memory_space<vmem>>
      %dma_start3A_515 = tpu.memref_squeeze %dma_start3A_514 : memref<1x4x2048xf32, #tpu.memory_space<vmem>> -> memref<4x2048xf32, #tpu.memory_space<vmem>>
      tpu.enqueue_dma source(%dma_start3A_515 : memref<4x2048xf32, #tpu.memory_space<vmem>>) target(%dma_start3A_511 : memref<4x2048xf32, #tpu.memory_space<hbm>>) target_semaphore(%arg21 : memref<!tpu.dma_semaphore, #tpu.memory_space<semaphore_mem>>)
      %lt3A_516 = arith.constant 3 : i32
      %lt3A_517 = arith.cmpi slt, %scan3A_218, %lt3A_516 : i32
      %convert_element_type3A_518 = arith.extui %lt3A_517 : i1 to i32
      %cond3A_519 = arith.constant 0 : i32
      %cond3A_520 = arith.cmpi ne, %convert_element_type3A_518, %cond3A_519 : i32
      scf.if %cond3A_520 {
        %dma_wait3A_563 = arith.constant 5 : i32
        %dma_wait3A_564 = arith.constant 0 : i32
        %dma_wait3A_565 = arith.constant 0 : i32
        %dma_wait3A_566 = tpu.memref_slice %arg5[%dma_wait3A_563, %dma_wait3A_564, %dma_wait3A_565] : memref<8x4x2048xf32, #tpu.memory_space<vmem>> -> memref<1x4x2048xf32, #tpu.memory_space<vmem>>
        %dma_wait3A_567 = tpu.memref_squeeze %dma_wait3A_566 : memref<1x4x2048xf32, #tpu.memory_space<vmem>> -> memref<4x2048xf32, #tpu.memory_space<vmem>>
        %dma_wait3A_568 = arith.constant 0 : i32
        %dma_wait3A_569 = tpu.memref_slice %arg4[%mul3A_2, %dma_wait3A_568] : memref<4096x2048xf32, #tpu.memory_space<hbm>> -> memref<4x2048xf32, #tpu.memory_space<hbm>>
        %dma_wait3A_570 = arith.constant 0 : i32
        %dma_wait3A_571 = tpu.memref_slice %arg4[%mul3A_2, %dma_wait3A_570] : memref<4096x2048xf32, #tpu.memory_space<hbm>> -> memref<4x2048xf32, #tpu.memory_space<hbm>>
        %dma_wait3A_572 = arith.constant 0 : i32
        %dma_wait3A_573 = arith.constant 0 : i32
        %dma_wait3A_574 = tpu.memref_slice %arg5[%dma_wait3A_563, %dma_wait3A_572, %dma_wait3A_573] : memref<8x4x2048xf32, #tpu.memory_space<vmem>> -> memref<1x4x2048xf32, #tpu.memory_space<vmem>>
        %dma_wait3A_575 = tpu.memref_squeeze %dma_wait3A_574 : memref<1x4x2048xf32, #tpu.memory_space<vmem>> -> memref<4x2048xf32, #tpu.memory_space<vmem>>
        tpu.wait_dma2 semaphore(%arg20 : memref<!tpu.dma_semaphore, #tpu.memory_space<semaphore_mem>>) src(%dma_wait3A_575 : memref<4x2048xf32, #tpu.memory_space<vmem>>) dst(%dma_wait3A_571 : memref<4x2048xf32, #tpu.memory_space<hbm>>)
        %add3A_576 = arith.constant 8 : i32
        %add3A_577 = arith.addi %add3A_483, %add3A_576 : i32
        %sub3A_578 = arith.constant 1 : i32
        %sub3A_579 = arith.subi %add3A_577, %sub3A_578 : i32
        %mul3A_580 = arith.constant 4 : i32
        %mul3A_581 = arith.muli %sub3A_579, %mul3A_580 : i32
        %add3A_582 = arith.addi %mul3A_2, %mul3A_581 : i32
        %dma_start3A_583 = arith.constant 5 : i32
        %dma_start3A_584 = arith.constant 0 : i32
        %dma_start3A_585 = arith.constant 0 : i32
        %dma_start3A_586 = tpu.memref_slice %arg5[%dma_start3A_583, %dma_start3A_584, %dma_start3A_585] : memref<8x4x2048xf32, #tpu.memory_space<vmem>> -> memref<1x4x2048xf32, #tpu.memory_space<vmem>>
        %dma_start3A_587 = tpu.memref_squeeze %dma_start3A_586 : memref<1x4x2048xf32, #tpu.memory_space<vmem>> -> memref<4x2048xf32, #tpu.memory_space<vmem>>
        %dma_start3A_588 = arith.constant 0 : i32
        %dma_start3A_589 = tpu.memref_slice %arg2[%add3A_582, %dma_start3A_588] : memref<16384x2048xf32, #tpu.memory_space<hbm>> -> memref<4x2048xf32, #tpu.memory_space<hbm>>
        %dma_start3A_590 = arith.constant 0 : i32
        %dma_start3A_591 = arith.constant 0 : i32
        %dma_start3A_592 = tpu.memref_slice %arg5[%dma_start3A_583, %dma_start3A_590, %dma_start3A_591] : memref<8x4x2048xf32, #tpu.memory_space<vmem>> -> memref<1x4x2048xf32, #tpu.memory_space<vmem>>
        %dma_start3A_593 = tpu.memref_squeeze %dma_start3A_592 : memref<1x4x2048xf32, #tpu.memory_space<vmem>> -> memref<4x2048xf32, #tpu.memory_space<vmem>>
        %dma_start3A_594 = arith.constant 0 : i32
        %dma_start3A_595 = tpu.memref_slice %arg2[%add3A_582, %dma_start3A_594] : memref<16384x2048xf32, #tpu.memory_space<hbm>> -> memref<4x2048xf32, #tpu.memory_space<hbm>>
        tpu.enqueue_dma source(%dma_start3A_595 : memref<4x2048xf32, #tpu.memory_space<hbm>>) target(%dma_start3A_593 : memref<4x2048xf32, #tpu.memory_space<vmem>>) target_semaphore(%arg12 : memref<!tpu.dma_semaphore, #tpu.memory_space<semaphore_mem>>)
      } else {
      }
      %mul3A_521 = arith.constant 8 : i32
      %mul3A_522 = arith.muli %scan3A_218, %mul3A_521 : i32
      %add3A_523 = arith.constant 7 : i32
      %add3A_524 = arith.addi %mul3A_522, %add3A_523 : i32
      %dma_wait3A_525 = arith.constant 7 : i32
      %dma_wait3A_526 = arith.constant 0 : i32
      %dma_wait3A_527 = arith.constant 0 : i32
      %dma_wait3A_528 = tpu.memref_slice %arg5[%dma_wait3A_525, %dma_wait3A_526, %dma_wait3A_527] : memref<8x4x2048xf32, #tpu.memory_space<vmem>> -> memref<1x4x2048xf32, #tpu.memory_space<vmem>>
      %dma_wait3A_529 = tpu.memref_squeeze %dma_wait3A_528 : memref<1x4x2048xf32, #tpu.memory_space<vmem>> -> memref<4x2048xf32, #tpu.memory_space<vmem>>
      %dma_wait3A_530 = arith.constant 0 : i32
      %dma_wait3A_531 = tpu.memref_slice %arg2[%mul3A_2, %dma_wait3A_530] : memref<16384x2048xf32, #tpu.memory_space<hbm>> -> memref<4x2048xf32, #tpu.memory_space<hbm>>
      %dma_wait3A_532 = arith.constant 0 : i32
      %dma_wait3A_533 = arith.constant 0 : i32
      %dma_wait3A_534 = tpu.memref_slice %arg5[%dma_wait3A_525, %dma_wait3A_532, %dma_wait3A_533] : memref<8x4x2048xf32, #tpu.memory_space<vmem>> -> memref<1x4x2048xf32, #tpu.memory_space<vmem>>
      %dma_wait3A_535 = tpu.memref_squeeze %dma_wait3A_534 : memref<1x4x2048xf32, #tpu.memory_space<vmem>> -> memref<4x2048xf32, #tpu.memory_space<vmem>>
      %dma_wait3A_536 = arith.constant 0 : i32
      %dma_wait3A_537 = tpu.memref_slice %arg2[%mul3A_2, %dma_wait3A_536] : memref<16384x2048xf32, #tpu.memory_space<hbm>> -> memref<4x2048xf32, #tpu.memory_space<hbm>>
      tpu.wait_dma2 semaphore(%arg14 : memref<!tpu.dma_semaphore, #tpu.memory_space<semaphore_mem>>) src(%dma_wait3A_537 : memref<4x2048xf32, #tpu.memory_space<hbm>>) dst(%dma_wait3A_535 : memref<4x2048xf32, #tpu.memory_space<vmem>>)
      %parallel_loop3A_538 = arith.constant 0 : i32
      %parallel_loop3A_539 = arith.constant 128 : i32
      %parallel_loop3A_540 = arith.constant 1 : i32
      scf.for %parallel_loop3A_563 = %parallel_loop3A_538 to %parallel_loop3A_539 step %parallel_loop3A_540  : i32 {
        %parallel_loop3A_564 = arith.constant 16 : i32
        %parallel_loop3A_565 = arith.muli %parallel_loop3A_563, %parallel_loop3A_564 : i32
        %parallel_loop3A_566 = arith.constant 7 : i32
        %parallel_loop3A_567 = arith.constant 0 : i32
        %parallel_loop3A_568 = arith.index_cast %parallel_loop3A_566 : i32 to index
        %parallel_loop3A_569 = arith.index_cast %parallel_loop3A_567 : i32 to index
        %parallel_loop3A_570 = arith.index_cast %parallel_loop3A_565 : i32 to index
        %parallel_loop3A_571 = tpu.vector_load %arg5[%parallel_loop3A_568, %parallel_loop3A_569, %parallel_loop3A_570] {strides = array<i32>} : memref<8x4x2048xf32, #tpu.memory_space<vmem>>, vector<1x1x16xf32>,
        %parallel_loop3A_572 = vector.shape_cast %parallel_loop3A_571 : vector<1x1x16xf32> to vector<16xf32>
        %parallel_loop3A_573 = arith.constant 5.000000e-01 : f32
        %parallel_loop3A_574 = vector.broadcast %parallel_loop3A_573 : f32 to vector<16xf32>
        %parallel_loop3A_575 = arith.cmpf ogt, %parallel_loop3A_572, %parallel_loop3A_574 : vector<16xf32>
        %parallel_loop3A_576 = arith.select %parallel_loop3A_575, %get3A_4, %parallel_loop3A_572 : vector<16xi1>, vector<16xf32>
        %parallel_loop3A_577 = arith.constant 7 : i32
        %parallel_loop3A_578 = arith.constant 0 : i32
        %parallel_loop3A_579 = arith.index_cast %parallel_loop3A_577 : i32 to index
        %parallel_loop3A_580 = arith.index_cast %parallel_loop3A_578 : i32 to index
        %parallel_loop3A_581 = arith.index_cast %parallel_loop3A_565 : i32 to index
        %parallel_loop3A_582 = tpu.vector_load %arg5[%parallel_loop3A_579, %parallel_loop3A_580, %parallel_loop3A_581] {strides = array<i32>} : memref<8x4x2048xf32, #tpu.memory_space<vmem>>, vector<1x1x16xf32>,
        %parallel_loop3A_583 = vector.shape_cast %parallel_loop3A_582 : vector<1x1x16xf32> to vector<16xf32>
        %parallel_loop3A_584 = vector.shape_cast %parallel_loop3A_576 : vector<16xf32> to vector<1x1x16xf32>
        tpu.vector_store %arg5[%parallel_loop3A_579, %parallel_loop3A_580, %parallel_loop3A_581], %parallel_loop3A_584 {strides = array<i32>} : memref<8x4x2048xf32, #tpu.memory_space<vmem>>, vector<1x1x16xf32>,
        %parallel_loop3A_585 = arith.constant 7 : i32
        %parallel_loop3A_586 = arith.constant 1 : i32
        %parallel_loop3A_587 = arith.index_cast %parallel_loop3A_585 : i32 to index
        %parallel_loop3A_588 = arith.index_cast %parallel_loop3A_586 : i32 to index
        %parallel_loop3A_589 = arith.index_cast %parallel_loop3A_565 : i32 to index
        %parallel_loop3A_590 = tpu.vector_load %arg5[%parallel_loop3A_587, %parallel_loop3A_588, %parallel_loop3A_589] {strides = array<i32>} : memref<8x4x2048xf32, #tpu.memory_space<vmem>>, vector<1x1x16xf32>,
        %parallel_loop3A_591 = vector.shape_cast %parallel_loop3A_590 : vector<1x1x16xf32> to vector<16xf32>
        %parallel_loop3A_592 = arith.constant 5.000000e-01 : f32
        %parallel_loop3A_593 = vector.broadcast %parallel_loop3A_592 : f32 to vector<16xf32>
        %parallel_loop3A_594 = arith.cmpf ogt, %parallel_loop3A_591, %parallel_loop3A_593 : vector<16xf32>
        %parallel_loop3A_595 = arith.select %parallel_loop3A_594, %get3A_4, %parallel_loop3A_591 : vector<16xi1>, vector<16xf32>
        %parallel_loop3A_596 = arith.constant 7 : i32
        %parallel_loop3A_597 = arith.constant 1 : i32
        %parallel_loop3A_598 = arith.index_cast %parallel_loop3A_596 : i32 to index
        %parallel_loop3A_599 = arith.index_cast %parallel_loop3A_597 : i32 to index
        %parallel_loop3A_600 = arith.index_cast %parallel_loop3A_565 : i32 to index
        %parallel_loop3A_601 = tpu.vector_load %arg5[%parallel_loop3A_598, %parallel_loop3A_599, %parallel_loop3A_600] {strides = array<i32>} : memref<8x4x2048xf32, #tpu.memory_space<vmem>>, vector<1x1x16xf32>,
        %parallel_loop3A_602 = vector.shape_cast %parallel_loop3A_601 : vector<1x1x16xf32> to vector<16xf32>
        %parallel_loop3A_603 = vector.shape_cast %parallel_loop3A_595 : vector<16xf32> to vector<1x1x16xf32>
        tpu.vector_store %arg5[%parallel_loop3A_598, %parallel_loop3A_599, %parallel_loop3A_600], %parallel_loop3A_603 {strides = array<i32>} : memref<8x4x2048xf32, #tpu.memory_space<vmem>>, vector<1x1x16xf32>,
        %parallel_loop3A_604 = arith.constant 7 : i32
        %parallel_loop3A_605 = arith.constant 2 : i32
        %parallel_loop3A_606 = arith.index_cast %parallel_loop3A_604 : i32 to index
        %parallel_loop3A_607 = arith.index_cast %parallel_loop3A_605 : i32 to index
        %parallel_loop3A_608 = arith.index_cast %parallel_loop3A_565 : i32 to index
        %parallel_loop3A_609 = tpu.vector_load %arg5[%parallel_loop3A_606, %parallel_loop3A_607, %parallel_loop3A_608] {strides = array<i32>} : memref<8x4x2048xf32, #tpu.memory_space<vmem>>, vector<1x1x16xf32>,
        %parallel_loop3A_610 = vector.shape_cast %parallel_loop3A_609 : vector<1x1x16xf32> to vector<16xf32>
        %parallel_loop3A_611 = arith.constant 5.000000e-01 : f32
        %parallel_loop3A_612 = vector.broadcast %parallel_loop3A_611 : f32 to vector<16xf32>
        %parallel_loop3A_613 = arith.cmpf ogt, %parallel_loop3A_610, %parallel_loop3A_612 : vector<16xf32>
        %parallel_loop3A_614 = arith.select %parallel_loop3A_613, %get3A_4, %parallel_loop3A_610 : vector<16xi1>, vector<16xf32>
        %parallel_loop3A_615 = arith.constant 7 : i32
        %parallel_loop3A_616 = arith.constant 2 : i32
        %parallel_loop3A_617 = arith.index_cast %parallel_loop3A_615 : i32 to index
        %parallel_loop3A_618 = arith.index_cast %parallel_loop3A_616 : i32 to index
        %parallel_loop3A_619 = arith.index_cast %parallel_loop3A_565 : i32 to index
        %parallel_loop3A_620 = tpu.vector_load %arg5[%parallel_loop3A_617, %parallel_loop3A_618, %parallel_loop3A_619] {strides = array<i32>} : memref<8x4x2048xf32, #tpu.memory_space<vmem>>, vector<1x1x16xf32>,
        %parallel_loop3A_621 = vector.shape_cast %parallel_loop3A_620 : vector<1x1x16xf32> to vector<16xf32>
        %parallel_loop3A_622 = vector.shape_cast %parallel_loop3A_614 : vector<16xf32> to vector<1x1x16xf32>
        tpu.vector_store %arg5[%parallel_loop3A_617, %parallel_loop3A_618, %parallel_loop3A_619], %parallel_loop3A_622 {strides = array<i32>} : memref<8x4x2048xf32, #tpu.memory_space<vmem>>, vector<1x1x16xf32>,
        %parallel_loop3A_623 = arith.constant 7 : i32
        %parallel_loop3A_624 = arith.constant 3 : i32
        %parallel_loop3A_625 = arith.index_cast %parallel_loop3A_623 : i32 to index
        %parallel_loop3A_626 = arith.index_cast %parallel_loop3A_624 : i32 to index
        %parallel_loop3A_627 = arith.index_cast %parallel_loop3A_565 : i32 to index
        %parallel_loop3A_628 = tpu.vector_load %arg5[%parallel_loop3A_625, %parallel_loop3A_626, %parallel_loop3A_627] {strides = array<i32>} : memref<8x4x2048xf32, #tpu.memory_space<vmem>>, vector<1x1x16xf32>,
        %parallel_loop3A_629 = vector.shape_cast %parallel_loop3A_628 : vector<1x1x16xf32> to vector<16xf32>
        %parallel_loop3A_630 = arith.constant 5.000000e-01 : f32
        %parallel_loop3A_631 = vector.broadcast %parallel_loop3A_630 : f32 to vector<16xf32>
        %parallel_loop3A_632 = arith.cmpf ogt, %parallel_loop3A_629, %parallel_loop3A_631 : vector<16xf32>
        %parallel_loop3A_633 = arith.select %parallel_loop3A_632, %get3A_4, %parallel_loop3A_629 : vector<16xi1>, vector<16xf32>
        %parallel_loop3A_634 = arith.constant 7 : i32
        %parallel_loop3A_635 = arith.constant 3 : i32
        %parallel_loop3A_636 = arith.index_cast %parallel_loop3A_634 : i32 to index
        %parallel_loop3A_637 = arith.index_cast %parallel_loop3A_635 : i32 to index
        %parallel_loop3A_638 = arith.index_cast %parallel_loop3A_565 : i32 to index
        %parallel_loop3A_639 = tpu.vector_load %arg5[%parallel_loop3A_636, %parallel_loop3A_637, %parallel_loop3A_638] {strides = array<i32>} : memref<8x4x2048xf32, #tpu.memory_space<vmem>>, vector<1x1x16xf32>,
        %parallel_loop3A_640 = vector.shape_cast %parallel_loop3A_639 : vector<1x1x16xf32> to vector<16xf32>
        %parallel_loop3A_641 = vector.shape_cast %parallel_loop3A_633 : vector<16xf32> to vector<1x1x16xf32>
        tpu.vector_store %arg5[%parallel_loop3A_636, %parallel_loop3A_637, %parallel_loop3A_638], %parallel_loop3A_641 {strides = array<i32>} : memref<8x4x2048xf32, #tpu.memory_space<vmem>>, vector<1x1x16xf32>,
      } {sc.loop_unroll_factor = 4 : i64, sc.parallel_access}
      %mul3A_541 = arith.constant 4 : i32
      %mul3A_542 = arith.muli %add3A_524, %mul3A_541 : i32
      %add3A_543 = arith.addi %mul3A_2, %mul3A_542 : i32
      %dma_start3A_544 = arith.constant 7 : i32
      %dma_start3A_545 = arith.constant 0 : i32
      %dma_start3A_546 = arith.constant 0 : i32
      %dma_start3A_547 = tpu.memref_slice %arg5[%dma_start3A_544, %dma_start3A_545, %dma_start3A_546] : memref<8x4x2048xf32, #tpu.memory_space<vmem>> -> memref<1x4x2048xf32, #tpu.memory_space<vmem>>
      %dma_start3A_548 = tpu.memref_squeeze %dma_start3A_547 : memref<1x4x2048xf32, #tpu.memory_space<vmem>> -> memref<4x2048xf32, #tpu.memory_space<vmem>>
      %dma_start3A_549 = arith.constant 0 : i32
      %dma_start3A_550 = tpu.memref_slice %arg4[%add3A_543, %dma_start3A_549] : memref<4096x2048xf32, #tpu.memory_space<hbm>> -> memref<4x2048xf32, #tpu.memory_space<hbm>>
      %dma_start3A_551 = arith.constant 0 : i32
      %dma_start3A_552 = tpu.memref_slice %arg4[%add3A_543, %dma_start3A_551] : memref<4096x2048xf32, #tpu.memory_space<hbm>> -> memref<4x2048xf32, #tpu.memory_space<hbm>>
      %dma_start3A_553 = arith.constant 0 : i32
      %dma_start3A_554 = arith.constant 0 : i32
      %dma_start3A_555 = tpu.memref_slice %arg5[%dma_start3A_544, %dma_start3A_553, %dma_start3A_554] : memref<8x4x2048xf32, #tpu.memory_space<vmem>> -> memref<1x4x2048xf32, #tpu.memory_space<vmem>>
      %dma_start3A_556 = tpu.memref_squeeze %dma_start3A_555 : memref<1x4x2048xf32, #tpu.memory_space<vmem>> -> memref<4x2048xf32, #tpu.memory_space<vmem>>
      tpu.enqueue_dma source(%dma_start3A_556 : memref<4x2048xf32, #tpu.memory_space<vmem>>) target(%dma_start3A_552 : memref<4x2048xf32, #tpu.memory_space<hbm>>) target_semaphore(%arg22 : memref<!tpu.dma_semaphore, #tpu.memory_space<semaphore_mem>>)
      %lt3A_557 = arith.constant 3 : i32
      %lt3A_558 = arith.cmpi slt, %scan3A_218, %lt3A_557 : i32
      %convert_element_type3A_559 = arith.extui %lt3A_558 : i1 to i32
      %cond3A_560 = arith.constant 0 : i32
      %cond3A_561 = arith.cmpi ne, %convert_element_type3A_559, %cond3A_560 : i32
      scf.if %cond3A_561 {
        %dma_wait3A_563 = arith.constant 6 : i32
        %dma_wait3A_564 = arith.constant 0 : i32
        %dma_wait3A_565 = arith.constant 0 : i32
        %dma_wait3A_566 = tpu.memref_slice %arg5[%dma_wait3A_563, %dma_wait3A_564, %dma_wait3A_565] : memref<8x4x2048xf32, #tpu.memory_space<vmem>> -> memref<1x4x2048xf32, #tpu.memory_space<vmem>>
        %dma_wait3A_567 = tpu.memref_squeeze %dma_wait3A_566 : memref<1x4x2048xf32, #tpu.memory_space<vmem>> -> memref<4x2048xf32, #tpu.memory_space<vmem>>
        %dma_wait3A_568 = arith.constant 0 : i32
        %dma_wait3A_569 = tpu.memref_slice %arg4[%mul3A_2, %dma_wait3A_568] : memref<4096x2048xf32, #tpu.memory_space<hbm>> -> memref<4x2048xf32, #tpu.memory_space<hbm>>
        %dma_wait3A_570 = arith.constant 0 : i32
        %dma_wait3A_571 = tpu.memref_slice %arg4[%mul3A_2, %dma_wait3A_570] : memref<4096x2048xf32, #tpu.memory_space<hbm>> -> memref<4x2048xf32, #tpu.memory_space<hbm>>
        %dma_wait3A_572 = arith.constant 0 : i32
        %dma_wait3A_573 = arith.constant 0 : i32
        %dma_wait3A_574 = tpu.memref_slice %arg5[%dma_wait3A_563, %dma_wait3A_572, %dma_wait3A_573] : memref<8x4x2048xf32, #tpu.memory_space<vmem>> -> memref<1x4x2048xf32, #tpu.memory_space<vmem>>
        %dma_wait3A_575 = tpu.memref_squeeze %dma_wait3A_574 : memref<1x4x2048xf32, #tpu.memory_space<vmem>> -> memref<4x2048xf32, #tpu.memory_space<vmem>>
        tpu.wait_dma2 semaphore(%arg21 : memref<!tpu.dma_semaphore, #tpu.memory_space<semaphore_mem>>) src(%dma_wait3A_575 : memref<4x2048xf32, #tpu.memory_space<vmem>>) dst(%dma_wait3A_571 : memref<4x2048xf32, #tpu.memory_space<hbm>>)
        %add3A_576 = arith.constant 8 : i32
        %add3A_577 = arith.addi %add3A_524, %add3A_576 : i32
        %sub3A_578 = arith.constant 1 : i32
        %sub3A_579 = arith.subi %add3A_577, %sub3A_578 : i32
        %mul3A_580 = arith.constant 4 : i32
        %mul3A_581 = arith.muli %sub3A_579, %mul3A_580 : i32
        %add3A_582 = arith.addi %mul3A_2, %mul3A_581 : i32
        %dma_start3A_583 = arith.constant 6 : i32
        %dma_start3A_584 = arith.constant 0 : i32
        %dma_start3A_585 = arith.constant 0 : i32
        %dma_start3A_586 = tpu.memref_slice %arg5[%dma_start3A_583, %dma_start3A_584, %dma_start3A_585] : memref<8x4x2048xf32, #tpu.memory_space<vmem>> -> memref<1x4x2048xf32, #tpu.memory_space<vmem>>
        %dma_start3A_587 = tpu.memref_squeeze %dma_start3A_586 : memref<1x4x2048xf32, #tpu.memory_space<vmem>> -> memref<4x2048xf32, #tpu.memory_space<vmem>>
        %dma_start3A_588 = arith.constant 0 : i32
        %dma_start3A_589 = tpu.memref_slice %arg2[%add3A_582, %dma_start3A_588] : memref<16384x2048xf32, #tpu.memory_space<hbm>> -> memref<4x2048xf32, #tpu.memory_space<hbm>>
        %dma_start3A_590 = arith.constant 0 : i32
        %dma_start3A_591 = arith.constant 0 : i32
        %dma_start3A_592 = tpu.memref_slice %arg5[%dma_start3A_583, %dma_start3A_590, %dma_start3A_591] : memref<8x4x2048xf32, #tpu.memory_space<vmem>> -> memref<1x4x2048xf32, #tpu.memory_space<vmem>>
        %dma_start3A_593 = tpu.memref_squeeze %dma_start3A_592 : memref<1x4x2048xf32, #tpu.memory_space<vmem>> -> memref<4x2048xf32, #tpu.memory_space<vmem>>
        %dma_start3A_594 = arith.constant 0 : i32
        %dma_start3A_595 = tpu.memref_slice %arg2[%add3A_582, %dma_start3A_594] : memref<16384x2048xf32, #tpu.memory_space<hbm>> -> memref<4x2048xf32, #tpu.memory_space<hbm>>
        tpu.enqueue_dma source(%dma_start3A_595 : memref<4x2048xf32, #tpu.memory_space<hbm>>) target(%dma_start3A_593 : memref<4x2048xf32, #tpu.memory_space<vmem>>) target_semaphore(%arg13 : memref<!tpu.dma_semaphore, #tpu.memory_space<semaphore_mem>>)
      } else {
      }
      %scan3A_562 = arith.constant 0 : i32
      scf.yield %scan3A_562 : i32
    }
    %scan3A_114 = arith.constant 4 : i32
    %dma_wait3A = arith.constant 0 : i32
    %dma_wait3A_115 = arith.constant 0 : i32
    %dma_wait3A_116 = arith.constant 0 : i32
    %dma_wait3A_117 = tpu.memref_slice %arg5[%dma_wait3A, %dma_wait3A_115, %dma_wait3A_116] : memref<8x4x2048xf32, #tpu.memory_space<vmem>> -> memref<1x4x2048xf32, #tpu.memory_space<vmem>>
    %dma_wait3A_118 = tpu.memref_squeeze %dma_wait3A_117 : memref<1x4x2048xf32, #tpu.memory_space<vmem>> -> memref<4x2048xf32, #tpu.memory_space<vmem>>
    %dma_wait3A_119 = arith.constant 0 : i32
    %dma_wait3A_120 = tpu.memref_slice %arg4[%mul3A_2, %dma_wait3A_119] : memref<4096x2048xf32, #tpu.memory_space<hbm>> -> memref<4x2048xf32, #tpu.memory_space<hbm>>
    %dma_wait3A_121 = arith.constant 0 : i32
    %dma_wait3A_122 = tpu.memref_slice %arg4[%mul3A_2, %dma_wait3A_121] : memref<4096x2048xf32, #tpu.memory_space<hbm>> -> memref<4x2048xf32, #tpu.memory_space<hbm>>
    %dma_wait3A_123 = arith.constant 0 : i32
    %dma_wait3A_124 = arith.constant 0 : i32
    %dma_wait3A_125 = tpu.memref_slice %arg5[%dma_wait3A, %dma_wait3A_123, %dma_wait3A_124] : memref<8x4x2048xf32, #tpu.memory_space<vmem>> -> memref<1x4x2048xf32, #tpu.memory_space<vmem>>
    %dma_wait3A_126 = tpu.memref_squeeze %dma_wait3A_125 : memref<1x4x2048xf32, #tpu.memory_space<vmem>> -> memref<4x2048xf32, #tpu.memory_space<vmem>>
    tpu.wait_dma2 semaphore(%arg15 : memref<!tpu.dma_semaphore, #tpu.memory_space<semaphore_mem>>) src(%dma_wait3A_126 : memref<4x2048xf32, #tpu.memory_space<vmem>>) dst(%dma_wait3A_122 : memref<4x2048xf32, #tpu.memory_space<hbm>>)
    %dma_wait3A_127 = arith.constant 1 : i32
    %dma_wait3A_128 = arith.constant 0 : i32
    %dma_wait3A_129 = arith.constant 0 : i32
    %dma_wait3A_130 = tpu.memref_slice %arg5[%dma_wait3A_127, %dma_wait3A_128, %dma_wait3A_129] : memref<8x4x2048xf32, #tpu.memory_space<vmem>> -> memref<1x4x2048xf32, #tpu.memory_space<vmem>>
    %dma_wait3A_131 = tpu.memref_squeeze %dma_wait3A_130 : memref<1x4x2048xf32, #tpu.memory_space<vmem>> -> memref<4x2048xf32, #tpu.memory_space<vmem>>
    %dma_wait3A_132 = arith.constant 0 : i32
    %dma_wait3A_133 = tpu.memref_slice %arg4[%mul3A_2, %dma_wait3A_132] : memref<4096x2048xf32, #tpu.memory_space<hbm>> -> memref<4x2048xf32, #tpu.memory_space<hbm>>
    %dma_wait3A_134 = arith.constant 0 : i32
    %dma_wait3A_135 = tpu.memref_slice %arg4[%mul3A_2, %dma_wait3A_134] : memref<4096x2048xf32, #tpu.memory_space<hbm>> -> memref<4x2048xf32, #tpu.memory_space<hbm>>
    %dma_wait3A_136 = arith.constant 0 : i32
    %dma_wait3A_137 = arith.constant 0 : i32
    %dma_wait3A_138 = tpu.memref_slice %arg5[%dma_wait3A_127, %dma_wait3A_136, %dma_wait3A_137] : memref<8x4x2048xf32, #tpu.memory_space<vmem>> -> memref<1x4x2048xf32, #tpu.memory_space<vmem>>
    %dma_wait3A_139 = tpu.memref_squeeze %dma_wait3A_138 : memref<1x4x2048xf32, #tpu.memory_space<vmem>> -> memref<4x2048xf32, #tpu.memory_space<vmem>>
    tpu.wait_dma2 semaphore(%arg16 : memref<!tpu.dma_semaphore, #tpu.memory_space<semaphore_mem>>) src(%dma_wait3A_139 : memref<4x2048xf32, #tpu.memory_space<vmem>>) dst(%dma_wait3A_135 : memref<4x2048xf32, #tpu.memory_space<hbm>>)
    %dma_wait3A_140 = arith.constant 2 : i32
    %dma_wait3A_141 = arith.constant 0 : i32
    %dma_wait3A_142 = arith.constant 0 : i32
    %dma_wait3A_143 = tpu.memref_slice %arg5[%dma_wait3A_140, %dma_wait3A_141, %dma_wait3A_142] : memref<8x4x2048xf32, #tpu.memory_space<vmem>> -> memref<1x4x2048xf32, #tpu.memory_space<vmem>>
    %dma_wait3A_144 = tpu.memref_squeeze %dma_wait3A_143 : memref<1x4x2048xf32, #tpu.memory_space<vmem>> -> memref<4x2048xf32, #tpu.memory_space<vmem>>
    %dma_wait3A_145 = arith.constant 0 : i32
    %dma_wait3A_146 = tpu.memref_slice %arg4[%mul3A_2, %dma_wait3A_145] : memref<4096x2048xf32, #tpu.memory_space<hbm>> -> memref<4x2048xf32, #tpu.memory_space<hbm>>
    %dma_wait3A_147 = arith.constant 0 : i32
    %dma_wait3A_148 = tpu.memref_slice %arg4[%mul3A_2, %dma_wait3A_147] : memref<4096x2048xf32, #tpu.memory_space<hbm>> -> memref<4x2048xf32, #tpu.memory_space<hbm>>
    %dma_wait3A_149 = arith.constant 0 : i32
    %dma_wait3A_150 = arith.constant 0 : i32
    %dma_wait3A_151 = tpu.memref_slice %arg5[%dma_wait3A_140, %dma_wait3A_149, %dma_wait3A_150] : memref<8x4x2048xf32, #tpu.memory_space<vmem>> -> memref<1x4x2048xf32, #tpu.memory_space<vmem>>
    %dma_wait3A_152 = tpu.memref_squeeze %dma_wait3A_151 : memref<1x4x2048xf32, #tpu.memory_space<vmem>> -> memref<4x2048xf32, #tpu.memory_space<vmem>>
    tpu.wait_dma2 semaphore(%arg17 : memref<!tpu.dma_semaphore, #tpu.memory_space<semaphore_mem>>) src(%dma_wait3A_152 : memref<4x2048xf32, #tpu.memory_space<vmem>>) dst(%dma_wait3A_148 : memref<4x2048xf32, #tpu.memory_space<hbm>>)
    %dma_wait3A_153 = arith.constant 3 : i32
    %dma_wait3A_154 = arith.constant 0 : i32
    %dma_wait3A_155 = arith.constant 0 : i32
    %dma_wait3A_156 = tpu.memref_slice %arg5[%dma_wait3A_153, %dma_wait3A_154, %dma_wait3A_155] : memref<8x4x2048xf32, #tpu.memory_space<vmem>> -> memref<1x4x2048xf32, #tpu.memory_space<vmem>>
    %dma_wait3A_157 = tpu.memref_squeeze %dma_wait3A_156 : memref<1x4x2048xf32, #tpu.memory_space<vmem>> -> memref<4x2048xf32, #tpu.memory_space<vmem>>
    %dma_wait3A_158 = arith.constant 0 : i32
    %dma_wait3A_159 = tpu.memref_slice %arg4[%mul3A_2, %dma_wait3A_158] : memref<4096x2048xf32, #tpu.memory_space<hbm>> -> memref<4x2048xf32, #tpu.memory_space<hbm>>
    %dma_wait3A_160 = arith.constant 0 : i32
    %dma_wait3A_161 = tpu.memref_slice %arg4[%mul3A_2, %dma_wait3A_160] : memref<4096x2048xf32, #tpu.memory_space<hbm>> -> memref<4x2048xf32, #tpu.memory_space<hbm>>
    %dma_wait3A_162 = arith.constant 0 : i32
    %dma_wait3A_163 = arith.constant 0 : i32
    %dma_wait3A_164 = tpu.memref_slice %arg5[%dma_wait3A_153, %dma_wait3A_162, %dma_wait3A_163] : memref<8x4x2048xf32, #tpu.memory_space<vmem>> -> memref<1x4x2048xf32, #tpu.memory_space<vmem>>
    %dma_wait3A_165 = tpu.memref_squeeze %dma_wait3A_164 : memref<1x4x2048xf32, #tpu.memory_space<vmem>> -> memref<4x2048xf32, #tpu.memory_space<vmem>>
    tpu.wait_dma2 semaphore(%arg18 : memref<!tpu.dma_semaphore, #tpu.memory_space<semaphore_mem>>) src(%dma_wait3A_165 : memref<4x2048xf32, #tpu.memory_space<vmem>>) dst(%dma_wait3A_161 : memref<4x2048xf32, #tpu.memory_space<hbm>>)
    %dma_wait3A_166 = arith.constant 4 : i32
    %dma_wait3A_167 = arith.constant 0 : i32
    %dma_wait3A_168 = arith.constant 0 : i32
    %dma_wait3A_169 = tpu.memref_slice %arg5[%dma_wait3A_166, %dma_wait3A_167, %dma_wait3A_168] : memref<8x4x2048xf32, #tpu.memory_space<vmem>> -> memref<1x4x2048xf32, #tpu.memory_space<vmem>>
    %dma_wait3A_170 = tpu.memref_squeeze %dma_wait3A_169 : memref<1x4x2048xf32, #tpu.memory_space<vmem>> -> memref<4x2048xf32, #tpu.memory_space<vmem>>
    %dma_wait3A_171 = arith.constant 0 : i32
    %dma_wait3A_172 = tpu.memref_slice %arg4[%mul3A_2, %dma_wait3A_171] : memref<4096x2048xf32, #tpu.memory_space<hbm>> -> memref<4x2048xf32, #tpu.memory_space<hbm>>
    %dma_wait3A_173 = arith.constant 0 : i32
    %dma_wait3A_174 = tpu.memref_slice %arg4[%mul3A_2, %dma_wait3A_173] : memref<4096x2048xf32, #tpu.memory_space<hbm>> -> memref<4x2048xf32, #tpu.memory_space<hbm>>
    %dma_wait3A_175 = arith.constant 0 : i32
    %dma_wait3A_176 = arith.constant 0 : i32
    %dma_wait3A_177 = tpu.memref_slice %arg5[%dma_wait3A_166, %dma_wait3A_175, %dma_wait3A_176] : memref<8x4x2048xf32, #tpu.memory_space<vmem>> -> memref<1x4x2048xf32, #tpu.memory_space<vmem>>
    %dma_wait3A_178 = tpu.memref_squeeze %dma_wait3A_177 : memref<1x4x2048xf32, #tpu.memory_space<vmem>> -> memref<4x2048xf32, #tpu.memory_space<vmem>>
    tpu.wait_dma2 semaphore(%arg19 : memref<!tpu.dma_semaphore, #tpu.memory_space<semaphore_mem>>) src(%dma_wait3A_178 : memref<4x2048xf32, #tpu.memory_space<vmem>>) dst(%dma_wait3A_174 : memref<4x2048xf32, #tpu.memory_space<hbm>>)
    %dma_wait3A_179 = arith.constant 5 : i32
    %dma_wait3A_180 = arith.constant 0 : i32
    %dma_wait3A_181 = arith.constant 0 : i32
    %dma_wait3A_182 = tpu.memref_slice %arg5[%dma_wait3A_179, %dma_wait3A_180, %dma_wait3A_181] : memref<8x4x2048xf32, #tpu.memory_space<vmem>> -> memref<1x4x2048xf32, #tpu.memory_space<vmem>>
    %dma_wait3A_183 = tpu.memref_squeeze %dma_wait3A_182 : memref<1x4x2048xf32, #tpu.memory_space<vmem>> -> memref<4x2048xf32, #tpu.memory_space<vmem>>
    %dma_wait3A_184 = arith.constant 0 : i32
    %dma_wait3A_185 = tpu.memref_slice %arg4[%mul3A_2, %dma_wait3A_184] : memref<4096x2048xf32, #tpu.memory_space<hbm>> -> memref<4x2048xf32, #tpu.memory_space<hbm>>
    %dma_wait3A_186 = arith.constant 0 : i32
    %dma_wait3A_187 = tpu.memref_slice %arg4[%mul3A_2, %dma_wait3A_186] : memref<4096x2048xf32, #tpu.memory_space<hbm>> -> memref<4x2048xf32, #tpu.memory_space<hbm>>
    %dma_wait3A_188 = arith.constant 0 : i32
    %dma_wait3A_189 = arith.constant 0 : i32
    %dma_wait3A_190 = tpu.memref_slice %arg5[%dma_wait3A_179, %dma_wait3A_188, %dma_wait3A_189] : memref<8x4x2048xf32, #tpu.memory_space<vmem>> -> memref<1x4x2048xf32, #tpu.memory_space<vmem>>
    %dma_wait3A_191 = tpu.memref_squeeze %dma_wait3A_190 : memref<1x4x2048xf32, #tpu.memory_space<vmem>> -> memref<4x2048xf32, #tpu.memory_space<vmem>>
    tpu.wait_dma2 semaphore(%arg20 : memref<!tpu.dma_semaphore, #tpu.memory_space<semaphore_mem>>) src(%dma_wait3A_191 : memref<4x2048xf32, #tpu.memory_space<vmem>>) dst(%dma_wait3A_187 : memref<4x2048xf32, #tpu.memory_space<hbm>>)
    %dma_wait3A_192 = arith.constant 6 : i32
    %dma_wait3A_193 = arith.constant 0 : i32
    %dma_wait3A_194 = arith.constant 0 : i32
    %dma_wait3A_195 = tpu.memref_slice %arg5[%dma_wait3A_192, %dma_wait3A_193, %dma_wait3A_194] : memref<8x4x2048xf32, #tpu.memory_space<vmem>> -> memref<1x4x2048xf32, #tpu.memory_space<vmem>>
    %dma_wait3A_196 = tpu.memref_squeeze %dma_wait3A_195 : memref<1x4x2048xf32, #tpu.memory_space<vmem>> -> memref<4x2048xf32, #tpu.memory_space<vmem>>
    %dma_wait3A_197 = arith.constant 0 : i32
    %dma_wait3A_198 = tpu.memref_slice %arg4[%mul3A_2, %dma_wait3A_197] : memref<4096x2048xf32, #tpu.memory_space<hbm>> -> memref<4x2048xf32, #tpu.memory_space<hbm>>
    %dma_wait3A_199 = arith.constant 0 : i32
    %dma_wait3A_200 = tpu.memref_slice %arg4[%mul3A_2, %dma_wait3A_199] : memref<4096x2048xf32, #tpu.memory_space<hbm>> -> memref<4x2048xf32, #tpu.memory_space<hbm>>
    %dma_wait3A_201 = arith.constant 0 : i32
    %dma_wait3A_202 = arith.constant 0 : i32
    %dma_wait3A_203 = tpu.memref_slice %arg5[%dma_wait3A_192, %dma_wait3A_201, %dma_wait3A_202] : memref<8x4x2048xf32, #tpu.memory_space<vmem>> -> memref<1x4x2048xf32, #tpu.memory_space<vmem>>
    %dma_wait3A_204 = tpu.memref_squeeze %dma_wait3A_203 : memref<1x4x2048xf32, #tpu.memory_space<vmem>> -> memref<4x2048xf32, #tpu.memory_space<vmem>>
    tpu.wait_dma2 semaphore(%arg21 : memref<!tpu.dma_semaphore, #tpu.memory_space<semaphore_mem>>) src(%dma_wait3A_204 : memref<4x2048xf32, #tpu.memory_space<vmem>>) dst(%dma_wait3A_200 : memref<4x2048xf32, #tpu.memory_space<hbm>>)
    %dma_wait3A_205 = arith.constant 7 : i32
    %dma_wait3A_206 = arith.constant 0 : i32
    %dma_wait3A_207 = arith.constant 0 : i32
    %dma_wait3A_208 = tpu.memref_slice %arg5[%dma_wait3A_205, %dma_wait3A_206, %dma_wait3A_207] : memref<8x4x2048xf32, #tpu.memory_space<vmem>> -> memref<1x4x2048xf32, #tpu.memory_space<vmem>>
    %dma_wait3A_209 = tpu.memref_squeeze %dma_wait3A_208 : memref<1x4x2048xf32, #tpu.memory_space<vmem>> -> memref<4x2048xf32, #tpu.memory_space<vmem>>
    %dma_wait3A_210 = arith.constant 0 : i32
    %dma_wait3A_211 = tpu.memref_slice %arg4[%mul3A_2, %dma_wait3A_210] : memref<4096x2048xf32, #tpu.memory_space<hbm>> -> memref<4x2048xf32, #tpu.memory_space<hbm>>
    %dma_wait3A_212 = arith.constant 0 : i32
    %dma_wait3A_213 = tpu.memref_slice %arg4[%mul3A_2, %dma_wait3A_212] : memref<4096x2048xf32, #tpu.memory_space<hbm>> -> memref<4x2048xf32, #tpu.memory_space<hbm>>
    %dma_wait3A_214 = arith.constant 0 : i32
    %dma_wait3A_215 = arith.constant 0 : i32
    %dma_wait3A_216 = tpu.memref_slice %arg5[%dma_wait3A_205, %dma_wait3A_214, %dma_wait3A_215] : memref<8x4x2048xf32, #tpu.memory_space<vmem>> -> memref<1x4x2048xf32, #tpu.memory_space<vmem>>
    %dma_wait3A_217 = tpu.memref_squeeze %dma_wait3A_216 : memref<1x4x2048xf32, #tpu.memory_space<vmem>> -> memref<4x2048xf32, #tpu.memory_space<vmem>>
    tpu.wait_dma2 semaphore(%arg22 : memref<!tpu.dma_semaphore, #tpu.memory_space<semaphore_mem>>) src(%dma_wait3A_217 : memref<4x2048xf32, #tpu.memory_space<vmem>>) dst(%dma_wait3A_213 : memref<4x2048xf32, #tpu.memory_space<hbm>>)
    return
  }
}

module attributes {stable_mosaic.version = 14 : i64} {
  func.func @_tc_body(%arg0: i32, %arg1: memref<1xf32, #tpu.memory_space<smem>>, %arg2: memref<1024x2048xf32, #tpu.memory_space<vmem>>, %arg3: memref<1024x2048xf32, #tpu.memory_space<vmem>>) attributes {dimension_semantics = [#tpu.dimension_semantics<arbitrary>], iteration_bounds = array<i64: 12>, scalar_prefetch = 0 : i64, scratch_operands = 0 : i64, tpu.core_type = #tpu.core_type<tc>, window_params = [{transform_indices = @transform_0, window_bounds = array<i64: 1>}, {transform_indices = @transform_1, window_bounds = array<i64: 1024, 2048>}, {transform_indices = @transform_2, window_bounds = array<i64: 1024, 2048>}]} {
    %get3A = arith.constant 0 : index
    %get3A_0 = arith.constant 0 : index
    %get3A_1 = vector.load %arg2[%get3A, %get3A_0] : memref<1024x2048xf32, #tpu.memory_space<vmem>>, vector<1024x2048xf32>
    %gt3A = arith.constant 5.000000e-01 : f32
    %gt3A_2 = vector.broadcast %gt3A : f32 to vector<1024x2048xf32>
    %gt3A_3 = arith.cmpf ogt, %get3A_1, %gt3A_2 : vector<1024x2048xf32>
    %get3A_4 = arith.constant 0 : index
    %get3A_5 = memref.load %arg1[%get3A_4] : memref<1xf32, #tpu.memory_space<smem>>
    %broadcast_in_dim3A = vector.broadcast %get3A_5 : f32 to vector<1024x2048xf32>
    %select_n3A = arith.select %gt3A_3, %broadcast_in_dim3A, %get3A_1 : vector<1024x2048xi1>, vector<1024x2048xf32>
    %swap3A = arith.constant 0 : index
    %swap3A_6 = arith.constant 0 : index
    %swap3A_7 = vector.load %arg3[%swap3A, %swap3A_6] : memref<1024x2048xf32, #tpu.memory_space<vmem>>, vector<1024x2048xf32>
    tpu.vector_store %arg3[%swap3A, %swap3A_6], %select_n3A {strides = array<i32>} : memref<1024x2048xf32, #tpu.memory_space<vmem>>, vector<1024x2048xf32>,
    return
  }
  func.func @transform_0(%arg0: i32) -> i32 {
    %c0_i32 = arith.constant 0 : i32
    %c0_i32_0 = arith.constant 0 : i32
    return %c0_i32 : i32
  }
  func.func @transform_1(%arg0: i32) -> (i32, i32) {
    %add3A = arith.constant 4 : i32
    %add3A_0 = arith.addi %arg0, %add3A : i32
    %c0_i32 = arith.constant 0 : i32
    %c0_i32_1 = arith.constant 0 : i32
    return %add3A_0, %c0_i32 : i32, i32
  }
  func.func @transform_2(%arg0: i32) -> (i32, i32) {
    %c0_i32 = arith.constant 0 : i32
    %c0_i32_0 = arith.constant 0 : i32
    return %arg0, %c0_i32 : i32, i32
  }
}

</mosaic_0001>

<sc_bundles>
// kernel: kernel.4.cloned.1.call-start
scs
__scs_entry_jumppad:
0x0: {  	(pc) =	sbr.rel $0x88, $3  }
0x1: {  	(tag) =	ssettag $0x0;
	lr =	simm.s32 $0x1  }
0x2: {  	[smem:$0x3F9F] =	sst lr;
	_ =	strace $0xD0000000  }
0x3: {  	_ = 	snop  }
0x4: {  	_ = 	snop  }
0x5: {  	_ = 	snop  }
0x6: {  	_ = 	snop  }
0x7: {  	_ = 	snop  }
__scs_overlays_trampoline_lowered:
0x8: {  	[smem:$0x3FAE] =	sst s0  }
0x9: {  	[smem:$0x3FAF] =	sst s1  }
0xa: {  	[smem:$0x3FB0] =	sst s2  }
0xb: {  	[smem:$0x3FB1] =	sst s3  }
0xc: {  	[smem:$0x3FB2] =	sst s4  }
0xd: {  	[smem:$0x3FB3] =	sst s5  }
0xe: {  	[smem:$0x3FB4] =	sst s6  }
0xf: {  	[smem:$0x3FB5] =	sst s7  }
0x10: {  	[smem:$0x3FB6] =	sst s8  }
0x11: {  	[smem:$0x3FB7] =	sst s9;
	s0 =	simm.s32 @!p0 $0x0  }
0x12: {  	s1 =	sld [smem:$0x3F9D];
	s0 =	simm.s32 @p0 $0x1  }
0x13: {  	[smem:$0x3FB8] =	sst s0;
	s0 =	simm.s32 @!p1 $0x0  }
0x14: {  	s2 =	sld [smem:$0x3F9C];
	s0 =	simm.s32 @p1 $0x1  }
0x15: {  	[smem:$0x3FB9] =	sst s0;
	s0 =	simm.s32 @!p2 $0x0  }
0x16: {  	s3 =	sld [smem:$0x3FDB];
	s0 =	simm.s32 @p2 $0x1  }
0x17: {  	s4 =	simm.s32 $0x1BF5;
	[smem:$0x3FBB] =	sst s0  }
0x18: {  	s0 =	sld [smem:$0x3F9E];
	_ =	swait.ge [sflag:s4], $0x0  }
0x19: {  	s7 =	sld [smem:$0x3F9F]  }
0x1a: {  	s8 =	sadd.s32 $0xFFFFE003, lr  }
0x1b: {  	s9 =	sadd.s32 $0xFFFFFEF7, lr;
	s5 =	simm.s32 $0xFFFFFFFF;
	p2 =	slt.u32 s8, $0xFFFFF086  }
0x1c: {  	p1 =	slt.u32 s9, $0xF7A;
	s5 =	simm.s32 @!p2 $0x0  }
0x1d: {  	s5 =	simm.s32 @p1 $0x1;
	p0 =	seq.s32 s7, s2  }
0x1e: {  	s7 =	smul.u32 @!p0 $0xF7A, s2;
	p2 =	seq.s32 @!p0 s5, $0x0  }
0x1f: {  	s9 =	smul.u32 $0xF7A, s1;
	s8 =	simm.s32 @!p0 $0x1BF5;
	p2 =	por !p2, p0  }
0x20: {  	[sflag:s8] =	ssyncset.s32 @!p0 $0xFFFFF086;
	s6 =	sadd.s32 @!p0 s3, s7;
	s7 =	simm.s32 @!p0 $0x108  }
0x21: {  	s3 =	sadd.s32 s3, s9;
	s6 =	sadd.s32 @!p0 $0x88, s6;
	s7 =	simm.s32 @p2 $0x1082  }
0x22: {  	[simem:s7], [sflag:s8] =	dma.local @!p0 [hbm:s6], $0xF7A  }
0x23: {  	s9 =	sor.u32 $0xD0000000, s2;
	s6 =	simm.s32 $0x108;
	_ =	swait.ge @!p0 [sflag:s8], $0x0  }
0x24: {  	s3 =	sadd.s32 $0x88, s3;
	s6 =	simm.s32 @!p1 $0x1082;
	[sflag:s4] =	ssyncset.s32 $0xFFFFF086  }
0x25: {  	[simem:s6], [sflag:s4] =	dma.local [hbm:s3], $0xF7A  }
0x26: {  	[smem:$0x3F9F] =	sst s1;
	(tag) =	ssettag s2;
	_ =	strace s9  }
0x27: {  	s1 =	sld [smem:$0x3FAF]  }
0x28: {  	s2 =	sld [smem:$0x3FB0]  }
0x29: {  	s4 =	sld [smem:$0x3FB2]  }
0x2a: {  	p0 =	seq.s32 s5, $0x0;
	s5 =	sld [smem:$0x3FB3]  }
0x2b: {  	s6 =	sld [smem:$0x3FB4]  }
0x2c: {  	s7 =	sld [smem:$0x3FB5]  }
0x2d: {  	s3 =	simm.s32 $0x108;
	s8 =	sld [smem:$0x3FB6]  }
0x2e: {  	s3 =	simm.s32 @!p0 $0x1082;
	s9 =	sld [smem:$0x3FB7]  }
0x2f: {  	lr =	sadd.s32 s0, s3;
	s0 =	sld [smem:$0x3FAE]  }
0x30: {  	s3 =	sld [smem:$0x3FB1]  }
0x31: {  	[smem:$0x3FBA] =	sst s10  }
0x32: {  	s10 =	sld [smem:$0x3FB8];
	_ =	sdelay $0x3  }
0x33: {  	p0 =	seq.s32 s10, $0x1;
	s10 =	sld [smem:$0x3FBA];
	_ =	sdelay $0x3  }
0x34: {  	[smem:$0x3FBA] =	sst s10  }
0x35: {  	s10 =	sld [smem:$0x3FB9];
	_ =	sdelay $0x3  }
0x36: {  	p1 =	seq.s32 s10, $0x1;
	s10 =	sld [smem:$0x3FBA];
	_ =	sdelay $0x3  }
0x37: {  	[smem:$0x3FBA] =	sst s10  }
0x38: {  	s10 =	sld [smem:$0x3FBB]  }
0x39: {  	_ = 	snop;
	(pc) =	sbr.ind lr, $3  }
0x3a: {  	_ = 	snop  }
0x3b: {  	_ = 	snop  }
0x3c: {  	p2 =	seq.s32 s10, $0x1;
	s10 =	sld [smem:$0x3FBA]  }
0x3d: {  	_ =	shalt  }
0x3e: {  	_ =	shalt  }
0x3f: {  	_ =	shalt  }
0x40: {  	_ =	shalt  }
0x41: {  	_ =	shalt  }
0x42: {  	_ =	shalt  }
0x43: {  	_ =	shalt  }
0x44: {  	_ =	shalt  }
0x45: {  	_ =	shalt  }
0x46: {  	_ =	shalt  }
0x47: {  	_ =	shalt  }
0x48: {  	_ =	shalt  }
0x49: {  	_ =	shalt  }
0x4a: {  	_ =	shalt  }
0x4b: {  	_ =	shalt  }
0x4c: {  	_ =	shalt  }
0x4d: {  	_ =	shalt  }
0x4e: {  	_ =	shalt  }
0x4f: {  	_ =	shalt  }
0x50: {  	_ =	shalt  }
0x51: {  	_ =	shalt  }
0x52: {  	_ =	shalt  }
0x53: {  	_ =	shalt  }
0x54: {  	_ =	shalt  }
0x55: {  	_ =	shalt  }
0x56: {  	_ =	shalt  }
0x57: {  	_ =	shalt  }
0x58: {  	_ =	shalt  }
0x59: {  	_ =	shalt  }
0x5a: {  	_ =	shalt  }
0x5b: {  	_ =	shalt  }
0x5c: {  	_ =	shalt  }
0x5d: {  	_ =	shalt  }
0x5e: {  	_ =	shalt  }
0x5f: {  	_ =	shalt  }
0x60: {  	_ =	shalt  }
0x61: {  	_ =	shalt  }
0x62: {  	_ =	shalt  }
0x63: {  	_ =	shalt  }
0x64: {  	_ =	shalt  }
0x65: {  	_ =	shalt  }
0x66: {  	_ =	shalt  }
0x67: {  	_ =	shalt  }
0x68: {  	_ =	shalt  }
0x69: {  	_ =	shalt  }
0x6a: {  	_ =	shalt  }
0x6b: {  	_ =	shalt  }
0x6c: {  	_ =	shalt  }
0x6d: {  	_ =	shalt  }
0x6e: {  	_ =	shalt  }
0x6f: {  	_ =	shalt  }
0x70: {  	_ =	shalt  }
0x71: {  	_ =	shalt  }
0x72: {  	_ =	shalt  }
0x73: {  	_ =	shalt  }
0x74: {  	_ =	shalt  }
0x75: {  	_ =	shalt  }
0x76: {  	_ =	shalt  }
0x77: {  	_ =	shalt  }
0x78: {  	_ =	shalt  }
0x79: {  	_ =	shalt  }
0x7a: {  	_ =	shalt  }
0x7b: {  	_ =	shalt  }
0x7c: {  	_ =	shalt  }
0x7d: {  	_ =	shalt  }
0x7e: {  	_ =	shalt  }
0x7f: {  	_ =	shalt  }
0x80: {  	_ =	shalt  }
0x81: {  	_ =	shalt  }
0x82: {  	_ =	shalt  }
0x83: {  	_ =	shalt  }
0x84: {  	_ =	shalt  }
0x85: {  	_ =	shalt  }
0x86: {  	_ =	shalt  }
0x87: {  	_ =	shalt  }
.Lfunc_end0:
.L_simem_size_0:
called_computation_lowered:
.L_overlay_start_0:
0x88: {  	s2 =	sld [smem:$0x3FD9]  }
0x89: {  	s3 =	sld [smem:$0x3FFE];
	_ =	sdelay $0x1  }
0x8a: {  	s1 =	srdreg.scid  }
0x8b: {  	s0 =	sand.u32 $0x1, s1  }
0x8c: {  	s17 =	sshll.u32 s0, $0xA;
	s2 =	sadd.s32 s3, s2  }
0x8d: {  	s2 =	sadd.s32 s2, s17  }
0x8e: {  	[smem:$0x3FC6] =	sst s2  }
0x8f: {  	_ = 	snop  }
0x90: {  	s2 =	sld [smem:$0x3FC9];
	(tm) =	ssettm $0x1  }
0x91: {  	s18 =	sld [smem:$0x3FFB];
	_ =	sdelay $0x3  }
0x92: {  	_ =	strace s18  }
0x93: {  	s3 =	sld [smem:$0x3FFC];
	_ =	sdelay $0x3  }
0x94: {  	_ =	strace s3  }
0x95: {  	s3 =	sld [smem:$0x3FFD];
	_ =	sdelay $0x3  }
0x96: {  	_ =	strace s3  }
0x97: {  	_ =	strace $0x8FFFFFFF  }
0x98: {  	s19 =	sld [smem:$0x3FDB];
	_ =	sdelay $0x1  }
0x99: {  	s4 =	simm.s32 $_scs_section_size  }
0x9a: {  	s5 =	simm.s32 $_size__tile_overlayer_lowered;
	s6 =	simm.s32 $_tile_overlayer_lowered  }
0x9b: {  	s22 =	simm.s32 $0x1BFF;
	s21 =	sshll.u32 s6, $0x1;
	s3 =	sadd.s32 s4, s19  }
0x9c: {  	s7 =	simm.s32 $0x0;
	s20 =	sshll.u32 s5, $0x1;
	s5 =	sadd.s32 s21, s3  }
0x9d: {  	[timem:s7], [sflag:s22] =	dma.local [hbm:s5], s20  }
0x9e: {  	_ =	swait.ge [sflag:s22], s20  }
0x9f: {  	s4 =	ssub.s32 $0x0, s20;
	[sflag:s22] =	ssyncset.done $0x0  }
0xa0: {  	[sflag:s22] =	ssyncadd.s32 s4;
	_ =	sdelay $0x1  }
0xa1: {  	s23 =	simm.s32 $0x1B8B  }
0xa2: {  	_ =	swait.ge [sflag:s23], $0x1  }
0xa3: {  	[sflag:s23] =	ssyncset.done $0x0  }
0xa4: {  	s25 =	simm.s32 $0x1B8E;
	s24 =	sld [smem:$0x3FFE];
	[sflag:s23] =	ssyncadd.s32 $0xFFFFFFFF  }
0xa5: {  	s26 =	simm.s32 $execute0_lowered;
	[smem:$0x3FD2] =	sst s25  }
0xa6: {  	s5 =	sshll.u32 s26, $0x1;
	_ =	strace $0x80000046;
	[dreg:$0x1] =	wrdreg $0xFFFFFFFF  }
0xa7: {  	s28 =	simm.s32 $_size_execute0_lowered;
	s3 =	sadd.s32 s3, s5;
	[dreg:$0x0] =	wrdreg $0x0  }
0xa8: {  	s5 =	sshll.u32 s28, $0x1;
	[dreg:$0x2] =	wrdreg s3  }
0xa9: {  	[dreg:$0x3] =	wrdreg s5  }
0xaa: {  	[dreg:$0x4] =	wrdreg $0xC0  }
0xab: {  	_ =	task [dreg:s7], $0x5FFFF  }
0xac: {  	[dreg:$0x1] =	wrdreg $0xFFFFFFFF  }
0xad: {  	[dreg:$0x0] =	wrdreg $0x60  }
0xae: {  	[dreg:$0x2] =	wrdreg s2  }
0xaf: {  	[dreg:$0x3] =	wrdreg s24  }
0xb0: {  	[dreg:$0x4] =	wrdreg $0x9  }
0xb1: {  	_ =	task.clear_ibuf [dreg:s7], $0x5FFFF;
	_ =	strace $0x90000046  }
0xb2: {  	s29 =	simm.s32 $0x9;
	_ =	strace $0x80000048  }
0xb3: {  	_ =	swait.ge [sflag:s29], $0x1  }
0xb4: {  	[sflag:s29] =	ssyncadd.s32 $0xFFFFFFFF  }
0xb5: {  	_ =	strace $0x90000048  }
0xb6: {  	_ =	sfence  }
0xb7: {  	s30 =	sld [smem:$0x0];
	_ =	sdelay $0x2  }
0xb8: {  	s31 =	sshll.u32 s1, $0xD;
	s1 =	sshrl.u32 s1, $0x2  }
0xb9: {  	s3 =	sand.u32 $0x4000, s31;
	s1 =	sadd.s32 s1, s30  }
0xba: {  	s0 =	sor.u32 s3, s0;
	s1 =	sshll.u32 s1, $0x11  }
0xbb: {  	s0 =	sor.u32 s1, s0  }
0xbc: {  	s0 =	sadd.s32 $0x8F2B, s0  }
0xbd: {  	[sflag:s0] =	ssyncadd.remote.s32 $0x1  }
0xbe: {  	_ =	sfence.sel $0xFFFF  }
0xbf: {  	[dreg:$0x0] =	wrdreg $0xFFFFFFFF;
	(pc) =	sbr.abs _section_cstart, $3  }
0xc0: {  	[dreg:$0x1] =	wrdreg $0xFFFFFFFF  }
0xc1: {  	_ =	task.clear_ibuf [dreg:s7], $0x2FFFF;
	_ =	strace $0x9FFFFFFF  }
0xc2: {  	(tm) =	ssettm $0x7FFFFFFF  }
0xc3: {  	_ =	shalt  }
tec
execute0_lowered:
.L_overlay_start_1:
0x0: {  	(tag) =	ssettag $0x1  }
0x1: {  	s4 =	rddreg [dreg:$0x0]  }
0x2: {  	s0 =	rddreg [dreg:$0x1]  }
0x3: {  	s1 =	simm.s32 $0x0;
	s15 =	srdreg.scid;
	s2 =	stileid.u32  }
0x4: {  	[smem:$0x7FF] =	sst s1;
	s1 =	sand.u32 $0x1, s15;
	s3 =	sadd.s32 $0x400, s0  }
0x5: {  	s6 =	sadd.s32 $0x40, s4;
	_ =	strace $0x80000047;
	[dreg:$0x3] =	wrdreg s3  }
0x6: {  	s31 =	sadd.s32 $0x600, s0;
	s0 =	sadd.s32 $0x640, s0;
	[dreg:$0x7] =	wrdreg s6  }
0x7: {  	s2 =	sshll.u32 s2, $0x8;
	s16 =	sshll.u32 s1, $0x7;
	[dreg:$0xf] =	wrdreg s0  }
0x8: {  	[dreg:$0x4] =	wrdreg s31;
	s3 =	sor.u32 s16, s2  }
0x9: {  	s5 =	sshll.u32 s3, $0x8;
	[dreg:$0x5] =	wrdreg s3  }
0xa: {  	s24 =	sor.u32 $0x20, s3;
	[dreg:$0x6] =	wrdreg s5  }
0xb: {  	s25 =	sor.u32 $0x28, s3;
	[dreg:$0x10] =	wrdreg s24  }
0xc: {  	s26 =	sor.u32 $0x30, s3;
	[dreg:$0x11] =	wrdreg s25  }
0xd: {  	s1 =	ssub.s32 $0x2, s1;
	s28 =	sor.u32 $0x38, s3;
	[dreg:$0x12] =	wrdreg s26  }
0xe: {  	s17 =	sshrl.u32 s1, $0x1;
	s19 =	sadd.s32 s5, s6;
	[dreg:$0x13] =	wrdreg s28  }
0xf: {  	s1 =	ssub.s32 s1, s17;
	s18 =	sadd.s32 s4, s5;
	[dreg:$0x9] =	wrdreg s19  }
0x10: {  	s29 =	smax.u32 s1, $0x1;
	[dreg:$0x8] =	wrdreg s18  }
0x11: {  	s20 =	sadd.s32 $0x800, s18;
	[dreg:$0x14] =	wrdreg s29  }
.Ltmp0:
0x12: {  	s21 =	sadd.s32 $0x840, s18;
	[dreg:$0xa] =	wrdreg s20;
	(pc) =	sbr.rel .LBB2_1-.Ltmp0, $4  }
0x13: {  	s22 =	sadd.s32 $0x1000, s18;
	[dreg:$0xb] =	wrdreg s21  }
0x14: {  	s30 =	simm.s32 $0x200;
	s23 =	sadd.s32 $0x1040, s18;
	[dreg:$0xc] =	wrdreg s22  }
0x15: {  	s9 =	simm.s32 $0x400;
	s2 =	sadd.s32 $0x1800, s18;
	[dreg:$0xd] =	wrdreg s23  }
0x16: {  	s16 =	simm.s32 $0xE000;
	[dreg:$0xe] =	wrdreg s2;
	s2 =	simm.s32 $0x0  }
.LBB2_20:
0x17: {  	s0 =	simm.s32 $0x9  }
0x18: {  	_ =	swait.ge [sflag:s0], $0x2000  }
0x19: {  	[sflag:s0] =	ssyncset.done $0x0  }
0x1a: {  	s22 =	simm.s32 $0xA;
	[sflag:s0] =	ssyncadd.s32 $0xFFFFE000  }
0x1b: {  	_ =	swait.ge [sflag:s22], $0x2000  }
0x1c: {  	[sflag:s22] =	ssyncset.done $0x0  }
0x1d: {  	s23 =	simm.s32 $0xB;
	[sflag:s22] =	ssyncadd.s32 $0xFFFFE000  }
0x1e: {  	_ =	swait.ge [sflag:s23], $0x2000  }
0x1f: {  	[sflag:s23] =	ssyncset.done $0x0  }
0x20: {  	s24 =	simm.s32 $0xC;
	[sflag:s23] =	ssyncadd.s32 $0xFFFFE000  }
0x21: {  	_ =	swait.ge [sflag:s24], $0x2000  }
0x22: {  	[sflag:s24] =	ssyncset.done $0x0  }
0x23: {  	s25 =	simm.s32 $0xD;
	[sflag:s24] =	ssyncadd.s32 $0xFFFFE000  }
0x24: {  	_ =	swait.ge [sflag:s25], $0x2000  }
0x25: {  	[sflag:s25] =	ssyncset.done $0x0  }
0x26: {  	s26 =	simm.s32 $0xE;
	[sflag:s25] =	ssyncadd.s32 $0xFFFFE000  }
0x27: {  	_ =	swait.ge [sflag:s26], $0x2000  }
0x28: {  	[sflag:s26] =	ssyncset.done $0x0  }
0x29: {  	s28 =	simm.s32 $0xF;
	[sflag:s26] =	ssyncadd.s32 $0xFFFFE000  }
0x2a: {  	_ =	swait.ge [sflag:s28], $0x2000  }
0x2b: {  	[sflag:s28] =	ssyncset.done $0x0  }
0x2c: {  	s1 =	simm.s32 $0x10;
	[sflag:s28] =	ssyncadd.s32 $0xFFFFE000  }
0x2d: {  	_ =	swait.ge [sflag:s1], $0x2000  }
0x2e: {  	s2 =	rddreg [dreg:$0x15]  }
0x2f: {  	s29 =	rddreg [dreg:$0x14];
	s2 =	sadd.s32 $0x1, s2  }
0x30: {  	p0 =	sne.s32 s2, s29  }
.Ltmp1:
0x31: {  	_ = 	snop;
	(pc) =	sbr.rel @!p0 .LBB2_21-.Ltmp1, $3  }
0x32: {  	_ =	sdelay $0x1  }
0x33: {  	[sflag:s1] =	ssyncset.done $0x0  }
0x34: {  	[sflag:s1] =	ssyncadd.s32 $0xFFFFE000  }
.LBB2_1:
0x35: {  	[dreg:$0x15] =	wrdreg s2;
	s0 =	simm.s32 $0x0  }
0x36: {  	s1 =	rddreg [dreg:$0x3];
	s12 =	simm.s32 $0x10000;
	s13 =	simm.s32 $0x11  }
0x37: {  	[tilespmem:s12], [sflag:$0x11] =	stream.linear.gather [hbm4b:s1+s0], $0x80, $0x38;
	[tilespmem:$0x10080] =	vst v63  }
0x38: {  	s29 =	simm.s32 $0x0;
	_ =	swait.ge [sflag:s13], $0x80  }
0x39: {  	[dreg:$0x16] =	wrdreg s29;
	[sflag:s13] =	ssyncset.done $0x0  }
0x3a: {  	s14 =	rddreg [dreg:$0x8];
	[sflag:s13] =	ssyncadd.s32 $0xFFFFFF80  }
0x3b: {  	v0 =	vld [tilespmem:$0x10000];
	[tilespmem:s0], [sflag:$0x1] =	stream.strided.gather [hbm4b:s14+s30], $0x2000, s9, s30, $0x38  }
0x3c: {  	s17 =	simm.s32 $0x2000;
	s15 =	rddreg [dreg:$0x9]  }
0x3d: {  	[tilespmem:s17], [sflag:$0x2] =	stream.strided.gather [hbm4b:s15+s30], $0x2000, s9, s30, $0x38;
	[tilespmem:$0x10080] =	vst v63  }
0x3e: {  	s19 =	simm.s32 $0x4000;
	s18 =	rddreg [dreg:$0xa]  }
0x3f: {  	[tilespmem:s19], [sflag:$0x3] =	stream.strided.gather [hbm4b:s18+s30], $0x2000, s9, s30, $0x38;
	[tilespmem:$0x10080] =	vst v63  }
0x40: {  	s21 =	simm.s32 $0x6000;
	s20 =	rddreg [dreg:$0xb]  }
0x41: {  	[tilespmem:s21], [sflag:$0x4] =	stream.strided.gather [hbm4b:s20+s30], $0x2000, s9, s30, $0x38;
	[tilespmem:$0x10080] =	vst v63  }
0x42: {  	s23 =	simm.s32 $0x8000;
	s22 =	rddreg [dreg:$0xc]  }
0x43: {  	[tilespmem:s23], [sflag:$0x5] =	stream.strided.gather [hbm4b:s22+s30], $0x2000, s9, s30, $0x38;
	[tilespmem:$0x10080] =	vst v63  }
0x44: {  	s25 =	simm.s32 $0xA000;
	s24 =	rddreg [dreg:$0xd]  }
0x45: {  	[tilespmem:s25], [sflag:$0x6] =	stream.strided.gather [hbm4b:s24+s30], $0x2000, s9, s30, $0x38;
	[tilespmem:$0x10080] =	vst v63  }
0x46: {  	s28 =	simm.s32 $0xC000;
	s26 =	rddreg [dreg:$0xe]  }
0x47: {  	[tilespmem:s28], [sflag:$0x7] =	stream.strided.gather [hbm4b:s26+s30], $0x2000, s9, s30, $0x38;
	[tilespmem:$0x10080] =	vst v63  }
.LBB2_2:
0x48: {  	s2 =	simm.s32 $0x1  }
0x49: {  	s0 =	simm.s32 $0x0;
	_ =	swait.ge [sflag:s2], $0x2000  }
0x4a: {  	s1 =	sand.u32 $0x40, s0;
	s0 =	sand.u32 $0x1E00, s0;
	[sflag:s2] =	ssyncset.done $0x0  }
0x4b: {  	s0 =	sor.u32 s1, s0;
	[sflag:s2] =	ssyncadd.s32 $0xFFFFE000  }
0x4c: {  	v1 =	vld [tilespmem:s0+$0x30]  }
0x4d: {  	v2 =	vld [tilespmem:s0+$0xB0];
	_ =	sdelay $0x1  }
0x4e: {  	p0 =	por $0x0, $0x0;
	s1 =	simm.s32 $0x1;
	v3 =	vld [tilespmem:s0+$0x0]  }
0x4f: {  	s1 =	simm.s32 @!p0 $0x0;
	v4 =	vld [tilespmem:s0+$0x80]  }
0x50: {  	v5 =	vld [tilespmem:s0+$0x10];
	s1 =	sshll.u32 s1, $0x6;
	vm0 =	vgt.f32 v1, $5.000000000e-01  }
0x51: {  	v6 =	vld [tilespmem:s0+$0x90];
	s3 =	sadd.s32 $0x0, s1;
	v1 =	vsel vm0, v0, v1;
	vm0 =	vgt.f32 v2, $5.000000000e-01  }
0x52: {  	s1 =	sadd.s32 $0x30, s3;
	[tilespmem:s0+$0x30] =	vst v1;
	v1 =	vsel vm0, v0, v2  }
0x53: {  	s5 =	sor.u32 $0x100, s1;
	vm0 =	vgt.f32 v3, $5.000000000e-01;
	[tilespmem:s0+$0xB0] =	vst v1  }
0x54: {  	v1 =	vsel vm0, v0, v3;
	vm0 =	vgt.f32 v4, $5.000000000e-01;
	v2 =	vld [tilespmem:s5+$0x0]  }
0x55: {  	[tilespmem:s0+$0x0] =	vst v1;
	v1 =	vsel vm0, v0, v4;
	vm0 =	vgt.f32 v5, $5.000000000e-01  }
0x56: {  	s13 =	simm.s32 $0x100;
	v3 =	vld [tilespmem:s0+$0x20];
	[tilespmem:s0+$0x80] =	vst v1;
	v1 =	vsel vm0, v0, v5;
	vm0 =	vgt.f32 v6, $5.000000000e-01  }
0x57: {  	s7 =	simm.s32 $0x40;
	s4 =	sadd.s32 $0x10, s3;
	s6 =	sor.u32 $0x100, s3;
	v4 =	vld [tilespmem:s0+$0xA0];
	[tilespmem:s0+$0x10] =	vst v1;
	v1 =	vsel vm0, v0, v6  }
0x58: {  	s7 =	sand.u32 $0x40, s7;
	s2 =	sand.u32 $0x1E00, s13;
	s8 =	sor.u32 $0x100, s4;
	v5 =	vld [tilespmem:s6+$0x0];
	[tilespmem:s0+$0x90] =	vst v1  }
0x59: {  	s2 =	sor.u32 s7, s2;
	v1 =	vld [tilespmem:s8+$0x0];
	vm0 =	vgt.f32 v2, $5.000000000e-01  }
0x5a: {  	v6 =	vld [tilespmem:s2+$0x30];
	v2 =	vsel vm0, v0, v2  }
0x5b: {  	v7 =	vld [tilespmem:s2+$0xB0];
	s14 =	sor.u32 $0x180, s1;
	vm0 =	vgt.f32 v3, $5.000000000e-01;
	[tilespmem:s5+$0x0] =	vst v2  }
0x5c: {  	v2 =	vsel vm0, v0, v3;
	vm0 =	vgt.f32 v4, $5.000000000e-01;
	v3 =	vld [tilespmem:s14+$0x0]  }
0x5d: {  	p0 =	por !p0, !p0;
	s1 =	simm.s32 $0x1;
	[tilespmem:s0+$0x20] =	vst v2;
	v2 =	vsel vm0, v0, v4;
	vm0 =	vgt.f32 v5, $5.000000000e-01;
	v4 =	vld [tilespmem:s2+$0x0]  }
0x5e: {  	s1 =	simm.s32 @!p0 $0x0;
	[tilespmem:s0+$0xA0] =	vst v2;
	v2 =	vsel vm0, v0, v5;
	vm0 =	vgt.f32 v1, $5.000000000e-01;
	v5 =	vld [tilespmem:s2+$0x80]  }
0x5f: {  	s15 =	sshll.u32 s1, $0x6;
	[tilespmem:s6+$0x0] =	vst v2;
	v1 =	vsel vm0, v0, v1;
	v2 =	vld [tilespmem:s2+$0x10];
	vm0 =	vgt.f32 v6, $5.000000000e-01  }
0x60: {  	s0 =	sadd.s32 $0x100, s15;
	[tilespmem:s8+$0x0] =	vst v1;
	v1 =	vld [tilespmem:s2+$0x90];
	v6 =	vsel vm0, v0, v6;
	vm0 =	vgt.f32 v7, $5.000000000e-01  }
0x61: {  	v8 =	vld [tilespmem:s2+$0x20];
	s17 =	sadd.s32 $0x30, s0;
	[tilespmem:s2+$0x30] =	vst v6;
	v6 =	vsel vm0, v0, v7;
	vm0 =	vgt.f32 v3, $5.000000000e-01  }
0x62: {  	s18 =	sadd.s32 $0x20, s3;
	s19 =	sor.u32 $0x100, s17;
	v7 =	vld [tilespmem:s2+$0xA0];
	vm1 =	vgt.f32 v4, $5.000000000e-01;
	[tilespmem:s2+$0xB0] =	vst v6;
	v3 =	vsel vm0, v0, v3  }
0x63: {  	s20 =	sor.u32 $0x100, s18;
	v4 =	vsel vm1, v0, v4;
	vm0 =	vgt.f32 v5, $5.000000000e-01;
	[tilespmem:s14+$0x0] =	vst v3;
	v3 =	vld [tilespmem:s19+$0x0]  }
0x64: {  	s21 =	sor.u32 $0x180, s3;
	v6 =	vld [tilespmem:s20+$0x0];
	[tilespmem:s2+$0x0] =	vst v4;
	v4 =	vsel vm0, v0, v5;
	vm0 =	vgt.f32 v2, $5.000000000e-01  }
0x65: {  	s24 =	simm.s32 $0x200;
	s11 =	sor.u32 $0x100, s0;
	[tilespmem:s2+$0x80] =	vst v4;
	v2 =	vsel vm0, v0, v2;
	vm0 =	vgt.f32 v1, $5.000000000e-01;
	v4 =	vld [tilespmem:s21+$0x0]  }
0x66: {  	s12 =	simm.s32 $0x80;
	s10 =	sor.u32 $0x180, s4;
	s22 =	sadd.s32 $0x10, s0;
	v5 =	vld [tilespmem:s11+$0x0];
	[tilespmem:s2+$0x10] =	vst v2;
	v1 =	vsel vm0, v0, v1;
	vm0 =	vgt.f32 v8, $5.000000000e-01  }
0x67: {  	s12 =	sand.u32 $0x40, s12;
	s3 =	sand.u32 $0x1E00, s24;
	s13 =	sor.u32 $0x100, s22;
	v2 =	vld [tilespmem:s10+$0x0];
	[tilespmem:s2+$0x90] =	vst v1;
	v1 =	vsel vm0, v0, v8;
	vm0 =	vgt.f32 v7, $5.000000000e-01  }
0x68: {  	s3 =	sor.u32 s12, s3;
	v8 =	vld [tilespmem:s13+$0x0];
	[tilespmem:s2+$0x20] =	vst v1;
	v1 =	vsel vm0, v0, v7;
	vm0 =	vgt.f32 v3, $5.000000000e-01  }
0x69: {  	vm1 =	vgt.f32 v6, $5.000000000e-01;
	[tilespmem:s2+$0xA0] =	vst v1;
	v1 =	vld [tilespmem:s3+$0x30];
	v3 =	vsel vm0, v0, v3  }
0x6a: {  	s25 =	sor.u32 $0x180, s17;
	v6 =	vsel vm1, v0, v6;
	v7 =	vld [tilespmem:s3+$0xB0];
	vm0 =	vgt.f32 v4, $5.000000000e-01;
	[tilespmem:s19+$0x0] =	vst v3  }
0x6b: {  	[tilespmem:s20+$0x0] =	vst v6;
	vm1 =	vgt.f32 v5, $5.000000000e-01;
	v3 =	vsel vm0, v0, v4;
	v4 =	vld [tilespmem:s25+$0x0]  }
0x6c: {  	vm0 =	vgt.f32 v2, $5.000000000e-01;
	v5 =	vsel vm1, v0, v5;
	[tilespmem:s21+$0x0] =	vst v3;
	v3 =	vld [tilespmem:s3+$0x0]  }
0x6d: {  	p0 =	por !p0, !p0;
	s5 =	simm.s32 $0x1;
	v2 =	vsel vm0, v0, v2;
	[tilespmem:s11+$0x0] =	vst v5;
	vm1 =	vgt.f32 v8, $5.000000000e-01;
	v5 =	vld [tilespmem:s3+$0x80]  }
0x6e: {  	s5 =	simm.s32 @!p0 $0x0;
	[tilespmem:s10+$0x0] =	vst v2;
	v6 =	vsel vm1, v0, v8;
	v8 =	vld [tilespmem:s3+$0x10];
	vm0 =	vgt.f32 v1, $5.000000000e-01  }
0x6f: {  	v9 =	vld [tilespmem:s3+$0x90];
	s5 =	sshll.u32 s5, $0x6;
	[tilespmem:s13+$0x0] =	vst v6;
	v1 =	vsel vm0, v0, v1;
	vm0 =	vgt.f32 v7, $5.000000000e-01  }
0x70: {  	v10 =	vld [tilespmem:s3+$0x20];
	s26 =	sadd.s32 $0x20, s0;
	s5 =	sadd.s32 $0x200, s5;
	[tilespmem:s3+$0x30] =	vst v1;
	v1 =	vsel vm0, v0, v7;
	vm0 =	vgt.f32 v4, $5.000000000e-01  }
0x71: {  	s17 =	sor.u32 $0x180, s18;
	s23 =	sor.u32 $0x100, s26;
	s12 =	sadd.s32 $0x30, s5;
	v2 =	vld [tilespmem:s3+$0xA0];
	vm1 =	vgt.f32 v3, $5.000000000e-01;
	[tilespmem:s3+$0xB0] =	vst v1;
	v4 =	vsel vm0, v0, v4  }
0x72: {  	s7 =	sor.u32 $0x180, s26;
	s26 =	sor.u32 $0x180, s0;
	s14 =	sor.u32 $0x100, s12;
	v1 =	vld [tilespmem:s23+$0x0];
	v3 =	vsel vm1, v0, v3;
	vm0 =	vgt.f32 v5, $5.000000000e-01;
	[tilespmem:s25+$0x0] =	vst v4  }
0x73: {  	s28 =	sadd.s32 $0x10, s5;
	s29 =	sadd.s32 $0x20, s5;
	s15 =	sor.u32 $0x100, s5;
	[tilespmem:s3+$0x0] =	vst v3;
	v3 =	vsel vm0, v0, v5;
	vm0 =	vgt.f32 v8, $5.000000000e-01;
	v5 =	vld [tilespmem:s14+$0x0]  }
0x74: {  	s6 =	sor.u32 $0x100, s28;
	s1 =	sor.u32 $0x100, s29;
	s4 =	sor.u32 $0x180, s28;
	[tilespmem:s3+$0x80] =	vst v3;
	v4 =	vsel vm0, v0, v8;
	vm0 =	vgt.f32 v9, $5.000000000e-01;
	v3 =	vld [tilespmem:s26+$0x0]  }
0x75: {  	s0 =	sor.u32 $0x180, s29;
	s20 =	sor.u32 $0x180, s22;
	s2 =	simm.s32 $0x8;
	v6 =	vld [tilespmem:s15+$0x0];
	[tilespmem:s3+$0x10] =	vst v4;
	v4 =	vsel vm0, v0, v9;
	vm0 =	vgt.f32 v10, $5.000000000e-01  }
0x76: {  	s10 =	simm.s32 $0x300;
	s11 =	simm.s32 $0xC0;
	s13 =	sor.u32 $0x180, s5;
	[tilespmem:s3+$0x90] =	vst v4;
	v7 =	vsel vm0, v0, v10;
	vm0 =	vgt.f32 v2, $5.000000000e-01;
	v4 =	vld [tilespmem:s20+$0x0]  }
.LBB2_3:
0x77: {  	s5 =	sand.u32 $0x40, s11;
	s8 =	sand.u32 $0x1E00, s10;
	v8 =	vld [tilespmem:s6+$0x0];
	[tilespmem:s3+$0x20] =	vst v7;
	v2 =	vsel vm0, v0, v2;
	vm0 =	vgt.f32 v1, $5.000000000e-01  }
0x78: {  	[tilespmem:s3+$0xA0] =	vst v2;
	s3 =	sor.u32 s5, s8;
	vm1 =	vgt.f32 v5, $5.000000000e-01;
	v1 =	vsel vm0, v0, v1;
	v2 =	vld [tilespmem:s17+$0x0]  }
0x79: {  	s2 =	sadd.s32 $0x4, s2;
	v7 =	vld [tilespmem:s3+$0x30];
	v5 =	vsel vm1, v0, v5;
	vm0 =	vgt.f32 v3, $5.000000000e-01;
	[tilespmem:s23+$0x0] =	vst v1;
	s23 =	smov.u32 s1  }
0x7a: {  	p1 =	slt.u32 s2, $0x7C;
	s5 =	sor.u32 $0x180, s12;
	v1 =	vld [tilespmem:s3+$0xB0];
	vm1 =	vgt.f32 v6, $5.000000000e-01;
	[tilespmem:s14+$0x0] =	vst v5;
	v3 =	vsel vm0, v0, v3  }
0x7b: {  	v5 =	vsel vm1, v0, v6;
	v6 =	vld [tilespmem:s5+$0x0];
	[tilespmem:s26+$0x0] =	vst v3;
	vm0 =	vgt.f32 v4, $5.000000000e-01;
	s26 =	smov.u32 s13  }
0x7c: {  	p0 =	por !p0, !p0;
	s1 =	simm.s32 $0x1;
	v3 =	vld [tilespmem:s3+$0x0];
	[tilespmem:s15+$0x0] =	vst v5;
	vm1 =	vgt.f32 v8, $5.000000000e-01;
	v4 =	vsel vm0, v0, v4  }
0x7d: {  	s1 =	simm.s32 @!p0 $0x0;
	v5 =	vld [tilespmem:s3+$0x80];
	v8 =	vsel vm1, v0, v8;
	[tilespmem:s20+$0x0] =	vst v4;
	vm0 =	vgt.f32 v2, $5.000000000e-01;
	s20 =	smov.u32 s4  }
0x7e: {  	s1 =	sshll.u32 s1, $0x6;
	v4 =	vld [tilespmem:s3+$0x10];
	vm1 =	vgt.f32 v7, $5.000000000e-01;
	[tilespmem:s6+$0x0] =	vst v8;
	v2 =	vsel vm0, v0, v2  }
0x7f: {  	s8 =	sadd.s32 s1, s10;
	v8 =	vld [tilespmem:s3+$0x90];
	v7 =	vsel vm1, v0, v7;
	vm0 =	vgt.f32 v1, $5.000000000e-01;
	[tilespmem:s17+$0x0] =	vst v2;
	s17 =	smov.u32 s7;
	s7 =	smov.u32 s0  }
0x80: {  	s13 =	sadd.s32 $0x20, s8;
	v9 =	vld [tilespmem:s3+$0x20];
	[tilespmem:s3+$0x30] =	vst v7;
	v1 =	vsel vm0, v0, v1;
	vm0 =	vgt.f32 v6, $5.000000000e-01  }
0x81: {  	s12 =	sadd.s32 $0x30, s8;
	s1 =	sor.u32 $0x100, s13;
	s0 =	sadd.s32 $0x10, s8;
	vm1 =	vgt.f32 v3, $5.000000000e-01;
	v2 =	vld [tilespmem:s3+$0xA0];
	[tilespmem:s3+$0xB0] =	vst v1;
	v6 =	vsel vm0, v0, v6  }
.Ltmp2:
0x82: {  	s14 =	sor.u32 $0x100, s12;
	s6 =	sor.u32 $0x100, s0;
	v3 =	vsel vm1, v0, v3;
	vm0 =	vgt.f32 v5, $5.000000000e-01;
	v1 =	vld [tilespmem:s23+$0x0];
	[tilespmem:s5+$0x0] =	vst v6;
	(pc) =	sbr.rel @p1 .LBB2_3-.Ltmp2, $4  }
0x83: {  	s15 =	sor.u32 $0x100, s8;
	s4 =	sor.u32 $0x180, s0;
	s0 =	sor.u32 $0x180, s13;
	[tilespmem:s3+$0x0] =	vst v3;
	v3 =	vsel vm0, v0, v5;
	vm0 =	vgt.f32 v4, $5.000000000e-01;
	v5 =	vld [tilespmem:s14+$0x0]  }
0x84: {  	s13 =	sor.u32 $0x180, s8;
	[tilespmem:s3+$0x80] =	vst v3;
	v4 =	vsel vm0, v0, v4;
	vm0 =	vgt.f32 v8, $5.000000000e-01;
	v3 =	vld [tilespmem:s26+$0x0]  }
0x85: {  	v6 =	vld [tilespmem:s15+$0x0];
	[tilespmem:s3+$0x10] =	vst v4;
	v4 =	vsel vm0, v0, v8;
	vm0 =	vgt.f32 v9, $5.000000000e-01  }
0x86: {  	s11 =	sadd.s32 $0x40, s11;
	s10 =	sadd.s32 $0x100, s10;
	[tilespmem:s3+$0x90] =	vst v4;
	v7 =	vsel vm0, v0, v9;
	vm0 =	vgt.f32 v2, $5.000000000e-01;
	v4 =	vld [tilespmem:s20+$0x0]  }
0x87: {  	v8 =	vld [tilespmem:s6+$0x0]  }
0x88: {  	[tilespmem:s3+$0x20] =	vst v7;
	v2 =	vsel vm0, v0, v2  }
0x89: {  	[tilespmem:s3+$0xA0] =	vst v2  }
0x8a: {  	vm0 =	vgt.f32 v5, $5.000000000e-01;
	v2 =	vld [tilespmem:s1+$0x0]  }
0x8b: {  	v5 =	vsel vm0, v0, v5;
	vm0 =	vgt.f32 v6, $5.000000000e-01  }
0x8c: {  	v7 =	vld [tilespmem:s17+$0x0];
	s2 =	sor.u32 $0x180, s12;
	[tilespmem:s14+$0x0] =	vst v5;
	v5 =	vsel vm0, v0, v6;
	vm0 =	vgt.f32 v8, $5.000000000e-01  }
0x8d: {  	vm1 =	vgt.f32 v1, $5.000000000e-01;
	[tilespmem:s15+$0x0] =	vst v5;
	v5 =	vld [tilespmem:s2+$0x0];
	v6 =	vsel vm0, v0, v8  }
0x8e: {  	v1 =	vsel vm1, v0, v1;
	vm1 =	vgt.f32 v3, $5.000000000e-01;
	[tilespmem:s6+$0x0] =	vst v6;
	v6 =	vld [tilespmem:s13+$0x0]  }
0x8f: {  	[tilespmem:s23+$0x0] =	vst v1;
	v3 =	vsel vm1, v0, v3;
	vm0 =	vgt.f32 v2, $5.000000000e-01;
	v1 =	vld [tilespmem:s4+$0x0]  }
0x90: {  	[tilespmem:s26+$0x0] =	vst v3;
	v8 =	vld [tilespmem:s7+$0x0];
	v2 =	vsel vm0, v0, v2;
	vm0 =	vgt.f32 v4, $5.000000000e-01  }
0x91: {  	[tilespmem:s1+$0x0] =	vst v2;
	v2 =	vsel vm0, v0, v4;
	vm0 =	vgt.f32 v7, $5.000000000e-01  }
0x92: {  	v3 =	vld [tilespmem:s0+$0x0];
	[tilespmem:s20+$0x0] =	vst v2;
	v2 =	vsel vm0, v0, v7;
	vm0 =	vgt.f32 v5, $5.000000000e-01  }
0x93: {  	[tilespmem:s17+$0x0] =	vst v2;
	v2 =	vsel vm0, v0, v5;
	vm0 =	vgt.f32 v6, $5.000000000e-01  }
0x94: {  	[tilespmem:s2+$0x0] =	vst v2;
	v2 =	vsel vm0, v0, v6;
	vm0 =	vgt.f32 v1, $5.000000000e-01  }
0x95: {  	[tilespmem:s13+$0x0] =	vst v2;
	v1 =	vsel vm0, v0, v1;
	vm0 =	vgt.f32 v8, $5.000000000e-01  }
0x96: {  	[tilespmem:s4+$0x0] =	vst v1;
	v1 =	vsel vm0, v0, v8  }
0x97: {  	vm0 =	vgt.f32 v3, $5.000000000e-01;
	s3 =	rddreg [dreg:$0x16];
	[tilespmem:s7+$0x0] =	vst v1  }
0x98: {  	s17 =	simm.s32 $0x0;
	v1 =	vsel vm0, v0, v3;
	s14 =	sshll.u32 s3, $0xD;
	s2 =	rddreg [dreg:$0x6]  }
0x99: {  	[tilespmem:s0+$0x0] =	vst v1;
	s18 =	sshll.u32 s3, $0x5;
	p0 =	seq.s32 s3, $0x0;
	s28 =	sadd.s32 s2, s14  }
0x9a: {  	s0 =	simm.s32 @!p0 $0x10;
	[dreg:$0x17] =	wrdreg s18;
	s15 =	sadd.s32 s31, s28  }
0x9b: {  	[hbm4b:s15+s30] =	stream.strided.scatter [tilespmem:s17], [sflag:$0x9], $0x2000, s9, s30, $0x38;
	[tilespmem:$0x10080] =	vst v63  }
0x9c: {  	s19 =	rddreg [dreg:$0x5];
	_ =	swait.ge @!p0 [sflag:s0], $0x2000  }
0x9d: {  	s1 =	sor.u32 s18, s19;
	[sflag:s0] =	ssyncset.done @!p0 $0x0  }
0x9e: {  	s29 =	sshll.u32 s1, $0x8;
	[sflag:s0] =	ssyncadd.s32 @!p0 $0xFFFFE000  }
0x9f: {  	s21 =	simm.s32 $0x2;
	s1 =	sor.u32 $0x1840, s29;
	s0 =	rddreg [dreg:$0x0]  }
0xa0: {  	s20 =	simm.s32 $0x0;
	[dreg:$0x18] =	wrdreg s1;
	s0 =	sadd.s32 s0, s1  }
0xa1: {  	[tilespmem:s16], [sflag:$0x8] =	stream.strided.gather [hbm4b:s0+s30], $0x2000, s9, s30, $0x38;
	[tilespmem:$0x10080] =	vst v63  }
0xa2: {  	s8 =	sand.u32 $0x1E00, s20;
	s4 =	sand.u32 $0x40, s20;
	_ =	swait.ge [sflag:s21], $0x2000  }
0xa3: {  	s2 =	sor.u32 $0x30, s4;
	s0 =	sor.u32 $0x2000, s8;
	[sflag:s21] =	ssyncset.done $0x0  }
0xa4: {  	s22 =	sor.u32 s2, s0;
	[sflag:s21] =	ssyncadd.s32 $0xFFFFE000  }
0xa5: {  	v1 =	vld [tilespmem:s22+$0x0];
	_ =	sdelay $0x2  }
0xa6: {  	s6 =	sor.u32 $0x10, s4;
	s5 =	sor.u32 s4, s0  }
0xa7: {  	s1 =	sor.u32 $0x20, s4;
	s23 =	sor.u32 s6, s0;
	v2 =	vld [tilespmem:s5+$0x0]  }
0xa8: {  	s0 =	sor.u32 s1, s0;
	v3 =	vld [tilespmem:s23+$0x0];
	vm0 =	vgt.f32 v1, $5.000000000e-01  }
0xa9: {  	s10 =	sor.u32 $0x2080, s8;
	v4 =	vld [tilespmem:s0+$0x0];
	v1 =	vsel vm0, v0, v1  }
0xaa: {  	s24 =	sor.u32 s2, s10;
	[tilespmem:s22+$0x0] =	vst v1  }
0xab: {  	v1 =	vld [tilespmem:s24+$0x0]  }
0xac: {  	vm0 =	vgt.f32 v2, $5.000000000e-01  }
0xad: {  	v2 =	vsel vm0, v0, v2;
	vm0 =	vgt.f32 v3, $5.000000000e-01  }
0xae: {  	s25 =	simm.s32 $0x100;
	s26 =	simm.s32 $0x40;
	s11 =	sor.u32 s4, s10;
	[tilespmem:s5+$0x0] =	vst v2;
	v2 =	vsel vm0, v0, v3;
	vm0 =	vgt.f32 v4, $5.000000000e-01  }
0xaf: {  	s17 =	sand.u32 $0x1E00, s25;
	s9 =	sor.u32 s6, s10;
	s30 =	sand.u32 $0x40, s26;
	v3 =	vld [tilespmem:s11+$0x0];
	[tilespmem:s23+$0x0] =	vst v2;
	v2 =	vsel vm0, v0, v4  }
0xb0: {  	s15 =	sor.u32 $0x2000, s17;
	s14 =	sor.u32 s1, s10;
	s7 =	sor.u32 $0x30, s30;
	v4 =	vld [tilespmem:s9+$0x0];
	[tilespmem:s0+$0x0] =	vst v2;
	vm0 =	vgt.f32 v1, $5.000000000e-01  }
0xb1: {  	s18 =	sor.u32 $0x2100, s8;
	s16 =	sor.u32 s7, s15;
	v2 =	vld [tilespmem:s14+$0x0];
	v1 =	vsel vm0, v0, v1  }
0xb2: {  	s22 =	sor.u32 s2, s18;
	[tilespmem:s24+$0x0] =	vst v1;
	v1 =	vld [tilespmem:s16+$0x0]  }
0xb3: {  	s20 =	sor.u32 $0x10, s30;
	s23 =	sor.u32 s30, s15;
	v5 =	vld [tilespmem:s22+$0x0]  }
0xb4: {  	s3 =	sor.u32 $0x20, s30;
	s19 =	sor.u32 s20, s15;
	v6 =	vld [tilespmem:s23+$0x0];
	vm0 =	vgt.f32 v3, $5.000000000e-01  }
0xb5: {  	s21 =	sor.u32 s3, s15;
	v7 =	vld [tilespmem:s19+$0x0];
	v3 =	vsel vm0, v0, v3;
	vm0 =	vgt.f32 v4, $5.000000000e-01  }
0xb6: {  	s24 =	sor.u32 s4, s18;
	[tilespmem:s11+$0x0] =	vst v3;
	v3 =	vsel vm0, v0, v4;
	vm0 =	vgt.f32 v2, $5.000000000e-01;
	v4 =	vld [tilespmem:s21+$0x0]  }
0xb7: {  	s0 =	sor.u32 s6, s18;
	[tilespmem:s9+$0x0] =	vst v3;
	v2 =	vsel vm0, v0, v2;
	v8 =	vld [tilespmem:s24+$0x0];
	vm0 =	vgt.f32 v1, $5.000000000e-01  }
0xb8: {  	s25 =	sor.u32 $0x2080, s17;
	s18 =	sor.u32 s1, s18;
	[tilespmem:s14+$0x0] =	vst v2;
	v9 =	vld [tilespmem:s0+$0x0];
	v1 =	vsel vm0, v0, v1;
	vm0 =	vgt.f32 v5, $5.000000000e-01  }
0xb9: {  	s8 =	sor.u32 $0x2180, s8;
	vm1 =	vgt.f32 v6, $5.000000000e-01;
	s14 =	sor.u32 s7, s25;
	v2 =	vld [tilespmem:s18+$0x0];
	[tilespmem:s16+$0x0] =	vst v1;
	v1 =	vsel vm0, v0, v5  }
0xba: {  	s2 =	sor.u32 s2, s8;
	v5 =	vsel vm1, v0, v6;
	vm0 =	vgt.f32 v7, $5.000000000e-01;
	v3 =	vld [tilespmem:s14+$0x0];
	[tilespmem:s22+$0x0] =	vst v1  }
0xbb: {  	s12 =	sor.u32 s30, s25;
	[tilespmem:s23+$0x0] =	vst v5;
	v5 =	vsel vm0, v0, v7;
	vm0 =	vgt.f32 v4, $5.000000000e-01;
	v1 =	vld [tilespmem:s2+$0x0]  }
0xbc: {  	s10 =	simm.s32 $0x80;
	s13 =	sor.u32 s20, s25;
	[tilespmem:s19+$0x0] =	vst v5;
	v5 =	vld [tilespmem:s12+$0x0];
	v4 =	vsel vm0, v0, v4;
	vm0 =	vgt.f32 v8, $5.000000000e-01  }
0xbd: {  	s31 =	sor.u32 s1, s8;
	s6 =	sor.u32 s6, s8;
	s11 =	sor.u32 s3, s25;
	[tilespmem:s21+$0x0] =	vst v4;
	v6 =	vld [tilespmem:s13+$0x0];
	v7 =	vsel vm0, v0, v8;
	vm0 =	vgt.f32 v9, $5.000000000e-01  }
0xbe: {  	s22 =	simm.s32 $0x4;
	s19 =	sor.u32 s4, s8;
	s4 =	simm.s32 $0x200;
	v4 =	vld [tilespmem:s11+$0x0];
	[tilespmem:s24+$0x0] =	vst v7;
	v7 =	vsel vm0, v0, v9;
	vm0 =	vgt.f32 v2, $5.000000000e-01  }
.LBB2_5:
0xbf: {  	s15 =	sand.u32 $0x40, s10;
	s21 =	sand.u32 $0x1E00, s4;
	vm1 =	vgt.f32 v3, $5.000000000e-01;
	v8 =	vld [tilespmem:s19+$0x0];
	[tilespmem:s0+$0x0] =	vst v7;
	v2 =	vsel vm0, v0, v2  }
0xc0: {  	s22 =	sadd.s32 $0x4, s22;
	s0 =	sor.u32 $0x2000, s21;
	s1 =	sor.u32 $0x30, s15;
	v3 =	vsel vm1, v0, v3;
	v7 =	vld [tilespmem:s6+$0x0];
	[tilespmem:s18+$0x0] =	vst v2;
	vm0 =	vgt.f32 v1, $5.000000000e-01  }
0xc1: {  	p0 =	slt.u32 s22, $0x7C;
	s18 =	sor.u32 $0x2100, s17;
	s24 =	sor.u32 s1, s0;
	vm1 =	vgt.f32 v5, $5.000000000e-01;
	[tilespmem:s14+$0x0] =	vst v3;
	v2 =	vld [tilespmem:s31+$0x0];
	v1 =	vsel vm0, v0, v1  }
0xc2: {  	s8 =	sor.u32 $0x10, s15;
	s16 =	sor.u32 $0x20, s15;
	s25 =	sor.u32 s7, s18;
	v3 =	vld [tilespmem:s24+$0x0];
	v5 =	vsel vm1, v0, v5;
	vm0 =	vgt.f32 v6, $5.000000000e-01;
	[tilespmem:s2+$0x0] =	vst v1  }
0xc3: {  	s9 =	sor.u32 s15, s0;
	s23 =	sor.u32 s8, s0;
	s5 =	sor.u32 s16, s0;
	[tilespmem:s12+$0x0] =	vst v5;
	v1 =	vsel vm0, v0, v6;
	vm0 =	vgt.f32 v4, $5.000000000e-01;
	v5 =	vld [tilespmem:s25+$0x0]  }
0xc4: {  	s26 =	sor.u32 s30, s18;
	s0 =	sor.u32 s20, s18;
	s18 =	sor.u32 s3, s18;
	v6 =	vld [tilespmem:s9+$0x0];
	[tilespmem:s13+$0x0] =	vst v1;
	v1 =	vsel vm0, v0, v4;
	vm0 =	vgt.f32 v8, $5.000000000e-01  }
0xc5: {  	v4 =	vld [tilespmem:s23+$0x0];
	[tilespmem:s11+$0x0] =	vst v1;
	v1 =	vsel vm0, v0, v8;
	vm0 =	vgt.f32 v7, $5.000000000e-01  }
0xc6: {  	v8 =	vld [tilespmem:s5+$0x0];
	[tilespmem:s19+$0x0] =	vst v1;
	v1 =	vsel vm0, v0, v7;
	vm0 =	vgt.f32 v2, $5.000000000e-01  }
0xc7: {  	vm1 =	vgt.f32 v3, $5.000000000e-01;
	v7 =	vld [tilespmem:s26+$0x0];
	[tilespmem:s6+$0x0] =	vst v1;
	v1 =	vsel vm0, v0, v2  }
0xc8: {  	s17 =	sor.u32 $0x2180, s17;
	s2 =	sor.u32 $0x2080, s21;
	v2 =	vsel vm1, v0, v3;
	v9 =	vld [tilespmem:s0+$0x0];
	vm0 =	vgt.f32 v5, $5.000000000e-01;
	[tilespmem:s31+$0x0] =	vst v1  }
0xc9: {  	s12 =	sor.u32 s15, s2;
	s14 =	sor.u32 s1, s2;
	s13 =	sor.u32 s8, s2;
	vm1 =	vgt.f32 v6, $5.000000000e-01;
	[tilespmem:s24+$0x0] =	vst v2;
	v2 =	vld [tilespmem:s18+$0x0];
	v1 =	vsel vm0, v0, v5  }
.Ltmp3:
0xca: {  	s11 =	sor.u32 s16, s2;
	s2 =	sor.u32 s7, s17;
	v5 =	vsel vm1, v0, v6;
	vm0 =	vgt.f32 v4, $5.000000000e-01;
	v3 =	vld [tilespmem:s14+$0x0];
	[tilespmem:s25+$0x0] =	vst v1;
	(pc) =	sbr.rel @p0 .LBB2_5-.Ltmp3, $4  }
0xcb: {  	s19 =	sor.u32 s30, s17;
	s6 =	sor.u32 s20, s17;
	s31 =	sor.u32 s3, s17;
	[tilespmem:s9+$0x0] =	vst v5;
	v4 =	vsel vm0, v0, v4;
	vm0 =	vgt.f32 v8, $5.000000000e-01;
	v1 =	vld [tilespmem:s2+$0x0]  }
0xcc: {  	s7 =	smov.u32 s1;
	s30 =	smov.u32 s15;
	s17 =	smov.u32 s21;
	v5 =	vld [tilespmem:s12+$0x0];
	[tilespmem:s23+$0x0] =	vst v4;
	v4 =	vsel vm0, v0, v8;
	vm0 =	vgt.f32 v7, $5.000000000e-01  }
0xcd: {  	s20 =	smov.u32 s8;
	s3 =	smov.u32 s16;
	v6 =	vld [tilespmem:s13+$0x0];
	[tilespmem:s5+$0x0] =	vst v4;
	v7 =	vsel vm0, v0, v7;
	vm0 =	vgt.f32 v9, $5.000000000e-01  }
0xce: {  	s4 =	sadd.s32 $0x100, s4;
	s10 =	sadd.s32 $0x40, s10;
	v4 =	vld [tilespmem:s11+$0x0];
	[tilespmem:s26+$0x0] =	vst v7;
	v7 =	vsel vm0, v0, v9;
	vm0 =	vgt.f32 v2, $5.000000000e-01  }
0xcf: {  	_ = 	snop  }
0xd0: {  	vm1 =	vgt.f32 v3, $5.000000000e-01  }
0xd1: {  	s1 =	sor.u32 $0x2100, s17;
	v3 =	vsel vm1, v0, v3;
	vm1 =	vgt.f32 v5, $5.000000000e-01  }
0xd2: {  	s4 =	sor.u32 s7, s1;
	[tilespmem:s14+$0x0] =	vst v3;
	v3 =	vsel vm1, v0, v5;
	vm1 =	vgt.f32 v6, $5.000000000e-01  }
0xd3: {  	s5 =	sor.u32 s30, s1;
	v5 =	vld [tilespmem:s4+$0x0];
	[tilespmem:s12+$0x0] =	vst v3;
	v3 =	vsel vm1, v0, v6;
	vm1 =	vgt.f32 v4, $5.000000000e-01  }
0xd4: {  	s8 =	sor.u32 s20, s1;
	[tilespmem:s13+$0x0] =	vst v3;
	v3 =	vsel vm1, v0, v4;
	v4 =	vld [tilespmem:s5+$0x0]  }
0xd5: {  	s1 =	sor.u32 s3, s1;
	[tilespmem:s11+$0x0] =	vst v3;
	v3 =	vld [tilespmem:s8+$0x0]  }
0xd6: {  	v6 =	vld [tilespmem:s1+$0x0];
	_ =	sdelay $0x1  }
0xd7: {  	v8 =	vld [tilespmem:s19+$0x0];
	[tilespmem:s0+$0x0] =	vst v7;
	v2 =	vsel vm0, v0, v2;
	vm0 =	vgt.f32 v5, $5.000000000e-01  }
0xd8: {  	v7 =	vld [tilespmem:s6+$0x0];
	[tilespmem:s18+$0x0] =	vst v2;
	s12 =	sor.u32 $0x2180, s17;
	v2 =	vsel vm0, v0, v5;
	vm0 =	vgt.f32 v4, $5.000000000e-01  }
0xd9: {  	s13 =	sor.u32 s7, s12;
	v5 =	vld [tilespmem:s31+$0x0];
	[tilespmem:s4+$0x0] =	vst v2;
	v2 =	vsel vm0, v0, v4;
	vm0 =	vgt.f32 v3, $5.000000000e-01  }
0xda: {  	s14 =	sor.u32 s30, s12;
	v4 =	vld [tilespmem:s13+$0x0];
	[tilespmem:s5+$0x0] =	vst v2;
	v2 =	vsel vm0, v0, v3;
	vm0 =	vgt.f32 v6, $5.000000000e-01  }
0xdb: {  	vm1 =	vgt.f32 v1, $5.000000000e-01;
	s15 =	sor.u32 s20, s12;
	v3 =	vld [tilespmem:s14+$0x0];
	[tilespmem:s8+$0x0] =	vst v2;
	v2 =	vsel vm0, v0, v6  }
0xdc: {  	s0 =	sor.u32 s3, s12;
	v1 =	vsel vm1, v0, v1;
	vm0 =	vgt.f32 v8, $5.000000000e-01;
	v6 =	vld [tilespmem:s15+$0x0];
	[tilespmem:s1+$0x0] =	vst v2  }
0xdd: {  	[tilespmem:s2+$0x0] =	vst v1;
	v1 =	vsel vm0, v0, v8;
	vm0 =	vgt.f32 v7, $5.000000000e-01;
	v2 =	vld [tilespmem:s0+$0x0]  }
0xde: {  	[tilespmem:s19+$0x0] =	vst v1;
	v1 =	vsel vm0, v0, v7;
	vm0 =	vgt.f32 v5, $5.000000000e-01  }
0xdf: {  	[tilespmem:s6+$0x0] =	vst v1;
	v1 =	vsel vm0, v0, v5;
	vm0 =	vgt.f32 v4, $5.000000000e-01  }
0xe0: {  	[tilespmem:s31+$0x0] =	vst v1;
	v1 =	vsel vm0, v0, v4;
	vm0 =	vgt.f32 v3, $5.000000000e-01  }
0xe1: {  	[tilespmem:s13+$0x0] =	vst v1;
	v1 =	vsel vm0, v0, v3;
	vm0 =	vgt.f32 v6, $5.000000000e-01  }
0xe2: {  	[tilespmem:s14+$0x0] =	vst v1;
	v1 =	vsel vm0, v0, v6;
	vm0 =	vgt.f32 v2, $5.000000000e-01  }
0xe3: {  	[tilespmem:s15+$0x0] =	vst v1;
	v1 =	vsel vm0, v0, v2  }
0xe4: {  	[tilespmem:s0+$0x0] =	vst v1  }
0xe5: {  	s0 =	rddreg [dreg:$0xf]  }
0xe6: {  	s16 =	simm.s32 $0x200;
	s18 =	simm.s32 $0x2000;
	s19 =	rddreg [dreg:$0x16]  }
0xe7: {  	s17 =	simm.s32 $0x400;
	s0 =	sadd.s32 s28, s0;
	p0 =	seq.s32 s19, $0x3  }
0xe8: {  	[hbm4b:s0+s16] =	stream.strided.scatter [tilespmem:s18], [sflag:$0xA], $0x2000, s17, s16, $0x38;
	[tilespmem:$0x10080] =	vst v63  }
0xe9: {  	s0 =	simm.s32 @!p0 $0x9  }
0xea: {  	_ =	swait.ge @!p0 [sflag:s0], $0x2000  }
0xeb: {  	s1 =	rddreg [dreg:$0x10]  }
0xec: {  	s21 =	simm.s32 $0x3;
	s2 =	rddreg [dreg:$0x17];
	[sflag:s0] =	ssyncset.done @!p0 $0x0  }
0xed: {  	s20 =	simm.s32 $0x0;
	s1 =	sadd.s32 @!p0 s2, s1;
	[sflag:s0] =	ssyncadd.s32 @!p0 $0xFFFFE000  }
0xee: {  	s3 =	simm.s32 @!p0 $0x0;
	s31 =	sshll.u32 @!p0 s1, $0x8;
	s0 =	rddreg [dreg:$0x0]  }
0xef: {  	s2 =	simm.s32 @!p0 $0x400;
	s1 =	simm.s32 @!p0 $0x200;
	s0 =	sadd.s32 @!p0 s0, s31  }
0xf0: {  	[tilespmem:s3], [sflag:$0x1] =	stream.strided.gather @!p0 [hbm4b:s0+s1], $0x2000, s2, s1, $0x38;
	[tilespmem:$0x10080] =	vst v63  }
0xf1: {  	s4 =	sand.u32 $0x1E00, s20;
	s0 =	sand.u32 $0x40, s20;
	_ =	swait.ge [sflag:s21], $0x2000  }
0xf2: {  	s22 =	sor.u32 $0x4000, s4;
	s2 =	sor.u32 $0x30, s0;
	[sflag:s21] =	ssyncset.done $0x0  }
0xf3: {  	s23 =	sor.u32 s2, s22;
	[sflag:s21] =	ssyncadd.s32 $0xFFFFE000  }
0xf4: {  	v1 =	vld [tilespmem:s23+$0x0];
	_ =	sdelay $0x2  }
0xf5: {  	s1 =	sor.u32 $0x10, s0;
	s24 =	sor.u32 s0, s22  }
0xf6: {  	s6 =	sor.u32 $0x20, s0;
	s25 =	sor.u32 s1, s22;
	v2 =	vld [tilespmem:s24+$0x0]  }
0xf7: {  	s3 =	sor.u32 s6, s22;
	v3 =	vld [tilespmem:s25+$0x0];
	vm0 =	vgt.f32 v1, $5.000000000e-01  }
0xf8: {  	s9 =	sor.u32 $0x4080, s4;
	v4 =	vld [tilespmem:s3+$0x0];
	v1 =	vsel vm0, v0, v1  }
0xf9: {  	s26 =	sor.u32 s2, s9;
	[tilespmem:s23+$0x0] =	vst v1  }
0xfa: {  	v1 =	vld [tilespmem:s26+$0x0]  }
0xfb: {  	vm0 =	vgt.f32 v2, $5.000000000e-01  }
0xfc: {  	v2 =	vsel vm0, v0, v2;
	vm0 =	vgt.f32 v3, $5.000000000e-01  }
0xfd: {  	s12 =	simm.s32 $0x40;
	s28 =	simm.s32 $0x100;
	s10 =	sor.u32 s0, s9;
	[tilespmem:s24+$0x0] =	vst v2;
	v2 =	vsel vm0, v0, v3;
	vm0 =	vgt.f32 v4, $5.000000000e-01  }
0xfe: {  	s30 =	sand.u32 $0x40, s12;
	s17 =	sand.u32 $0x1E00, s28;
	s13 =	sor.u32 s1, s9;
	v3 =	vld [tilespmem:s10+$0x0];
	[tilespmem:s25+$0x0] =	vst v2;
	v2 =	vsel vm0, v0, v4  }
0xff: {  	s7 =	sor.u32 $0x30, s30;
	s15 =	sor.u32 $0x4000, s17;
	s14 =	sor.u32 s6, s9;
	v4 =	vld [tilespmem:s13+$0x0];
	[tilespmem:s3+$0x0] =	vst v2;
	vm0 =	vgt.f32 v1, $5.000000000e-01  }
0x100: {  	s19 =	sor.u32 $0x4100, s4;
	s18 =	sor.u32 s7, s15;
	v2 =	vld [tilespmem:s14+$0x0];
	v1 =	vsel vm0, v0, v1  }
0x101: {  	s23 =	sor.u32 s2, s19;
	[tilespmem:s26+$0x0] =	vst v1;
	v1 =	vld [tilespmem:s18+$0x0]  }
0x102: {  	s24 =	sor.u32 s30, s15;
	v5 =	vld [tilespmem:s23+$0x0]  }
0x103: {  	s20 =	sor.u32 $0x10, s30;
	v6 =	vld [tilespmem:s24+$0x0];
	vm0 =	vgt.f32 v3, $5.000000000e-01  }
0x104: {  	s16 =	sor.u32 s20, s15;
	s3 =	sor.u32 $0x20, s30;
	v3 =	vsel vm0, v0, v3;
	vm0 =	vgt.f32 v4, $5.000000000e-01  }
0x105: {  	v7 =	vld [tilespmem:s16+$0x0];
	s9 =	sor.u32 s3, s15;
	[tilespmem:s10+$0x0] =	vst v3;
	v3 =	vsel vm0, v0, v4;
	vm0 =	vgt.f32 v2, $5.000000000e-01  }
0x106: {  	s21 =	sor.u32 s0, s19;
	v4 =	vld [tilespmem:s9+$0x0];
	[tilespmem:s13+$0x0] =	vst v3;
	v2 =	vsel vm0, v0, v2;
	vm0 =	vgt.f32 v1, $5.000000000e-01  }
0x107: {  	s22 =	sor.u32 s1, s19;
	v8 =	vld [tilespmem:s21+$0x0];
	[tilespmem:s14+$0x0] =	vst v2;
	v1 =	vsel vm0, v0, v1;
	vm0 =	vgt.f32 v5, $5.000000000e-01  }
0x108: {  	s19 =	sor.u32 s6, s19;
	s25 =	sor.u32 $0x4080, s17;
	vm1 =	vgt.f32 v6, $5.000000000e-01;
	v9 =	vld [tilespmem:s22+$0x0];
	[tilespmem:s18+$0x0] =	vst v1;
	v1 =	vsel vm0, v0, v5  }
0x109: {  	s15 =	sor.u32 s7, s25;
	s26 =	sor.u32 $0x4180, s4;
	v2 =	vld [tilespmem:s19+$0x0];
	v5 =	vsel vm1, v0, v6;
	[tilespmem:s23+$0x0] =	vst v1  }
0x10a: {  	s28 =	sor.u32 $0x1800, s29;
	s2 =	sor.u32 s2, s26;
	vm0 =	vgt.f32 v7, $5.000000000e-01;
	v3 =	vld [tilespmem:s15+$0x0];
	[tilespmem:s24+$0x0] =	vst v5  }
0x10b: {  	s13 =	sor.u32 s30, s25;
	v5 =	vsel vm0, v0, v7;
	vm0 =	vgt.f32 v4, $5.000000000e-01;
	v1 =	vld [tilespmem:s2+$0x0];
	[dreg:$0x19] =	wrdreg s28  }
0x10c: {  	s11 =	simm.s32 $0x80;
	s14 =	sor.u32 s20, s25;
	v4 =	vsel vm0, v0, v4;
	vm0 =	vgt.f32 v8, $5.000000000e-01;
	[tilespmem:s16+$0x0] =	vst v5;
	v5 =	vld [tilespmem:s13+$0x0]  }
0x10d: {  	s12 =	sor.u32 s3, s25;
	s4 =	simm.s32 $0x4;
	s0 =	sor.u32 s0, s26;
	[tilespmem:s9+$0x0] =	vst v4;
	v7 =	vsel vm0, v0, v8;
	vm0 =	vgt.f32 v9, $5.000000000e-01;
	v6 =	vld [tilespmem:s14+$0x0]  }
0x10e: {  	s6 =	sor.u32 s6, s26;
	s10 =	simm.s32 $0x200;
	s18 =	sor.u32 s1, s26;
	v4 =	vld [tilespmem:s12+$0x0];
	[tilespmem:s21+$0x0] =	vst v7;
	v7 =	vsel vm0, v0, v9;
	vm0 =	vgt.f32 v2, $5.000000000e-01  }
.LBB2_7:
0x10f: {  	s21 =	sand.u32 $0x40, s11;
	s1 =	sand.u32 $0x1E00, s10;
	vm1 =	vgt.f32 v3, $5.000000000e-01;
	v8 =	vld [tilespmem:s0+$0x0];
	[tilespmem:s22+$0x0] =	vst v7;
	v2 =	vsel vm0, v0, v2  }
0x110: {  	s4 =	sadd.s32 $0x4, s4;
	s5 =	sor.u32 $0x4000, s1;
	s8 =	sor.u32 $0x30, s21;
	v3 =	vsel vm1, v0, v3;
	v7 =	vld [tilespmem:s18+$0x0];
	[tilespmem:s19+$0x0] =	vst v2;
	vm0 =	vgt.f32 v1, $5.000000000e-01  }
0x111: {  	p1 =	slt.u32 s4, $0x7C;
	s19 =	sor.u32 $0x4100, s17;
	s9 =	sor.u32 s8, s5;
	vm1 =	vgt.f32 v5, $5.000000000e-01;
	[tilespmem:s15+$0x0] =	vst v3;
	v2 =	vld [tilespmem:s6+$0x0];
	v1 =	vsel vm0, v0, v1  }
0x112: {  	s16 =	sor.u32 $0x10, s21;
	s28 =	sor.u32 $0x20, s21;
	s23 =	sor.u32 s7, s19;
	v3 =	vld [tilespmem:s9+$0x0];
	v5 =	vsel vm1, v0, v5;
	vm0 =	vgt.f32 v6, $5.000000000e-01;
	[tilespmem:s2+$0x0] =	vst v1  }
0x113: {  	s24 =	sor.u32 s21, s5;
	s25 =	sor.u32 s16, s5;
	s5 =	sor.u32 s28, s5;
	[tilespmem:s13+$0x0] =	vst v5;
	v1 =	vsel vm0, v0, v6;
	vm0 =	vgt.f32 v4, $5.000000000e-01;
	v5 =	vld [tilespmem:s23+$0x0]  }
0x114: {  	s26 =	sor.u32 s30, s19;
	s22 =	sor.u32 s20, s19;
	s19 =	sor.u32 s3, s19;
	v6 =	vld [tilespmem:s24+$0x0];
	[tilespmem:s14+$0x0] =	vst v1;
	v1 =	vsel vm0, v0, v4;
	vm0 =	vgt.f32 v8, $5.000000000e-01  }
0x115: {  	v4 =	vld [tilespmem:s25+$0x0];
	[tilespmem:s12+$0x0] =	vst v1;
	v1 =	vsel vm0, v0, v8;
	vm0 =	vgt.f32 v7, $5.000000000e-01  }
0x116: {  	v8 =	vld [tilespmem:s5+$0x0];
	[tilespmem:s0+$0x0] =	vst v1;
	v1 =	vsel vm0, v0, v7;
	vm0 =	vgt.f32 v2, $5.000000000e-01  }
0x117: {  	s0 =	sor.u32 $0x4080, s1;
	vm1 =	vgt.f32 v3, $5.000000000e-01;
	v7 =	vld [tilespmem:s26+$0x0];
	[tilespmem:s18+$0x0] =	vst v1;
	v1 =	vsel vm0, v0, v2  }
0x118: {  	s13 =	sor.u32 s21, s0;
	v2 =	vsel vm1, v0, v3;
	v9 =	vld [tilespmem:s22+$0x0];
	vm0 =	vgt.f32 v5, $5.000000000e-01;
	[tilespmem:s6+$0x0] =	vst v1  }
0x119: {  	s15 =	sor.u32 s8, s0;
	s14 =	sor.u32 s16, s0;
	s6 =	sor.u32 $0x4180, s17;
	vm1 =	vgt.f32 v6, $5.000000000e-01;
	[tilespmem:s9+$0x0] =	vst v2;
	v2 =	vld [tilespmem:s19+$0x0];
	v1 =	vsel vm0, v0, v5  }
.Ltmp4:
0x11a: {  	s12 =	sor.u32 s28, s0;
	s2 =	sor.u32 s7, s6;
	v5 =	vsel vm1, v0, v6;
	vm0 =	vgt.f32 v4, $5.000000000e-01;
	v3 =	vld [tilespmem:s15+$0x0];
	[tilespmem:s23+$0x0] =	vst v1;
	(pc) =	sbr.rel @p1 .LBB2_7-.Ltmp4, $4  }
0x11b: {  	s0 =	sor.u32 s30, s6;
	s18 =	sor.u32 s20, s6;
	s6 =	sor.u32 s3, s6;
	[tilespmem:s24+$0x0] =	vst v5;
	v4 =	vsel vm0, v0, v4;
	vm0 =	vgt.f32 v8, $5.000000000e-01;
	v1 =	vld [tilespmem:s2+$0x0]  }
0x11c: {  	s17 =	smov.u32 s1;
	s30 =	smov.u32 s21;
	s7 =	smov.u32 s8;
	v5 =	vld [tilespmem:s13+$0x0];
	[tilespmem:s25+$0x0] =	vst v4;
	v4 =	vsel vm0, v0, v8;
	vm0 =	vgt.f32 v7, $5.000000000e-01  }
0x11d: {  	s20 =	smov.u32 s16;
	s3 =	smov.u32 s28;
	v6 =	vld [tilespmem:s14+$0x0];
	[tilespmem:s5+$0x0] =	vst v4;
	v7 =	vsel vm0, v0, v7;
	vm0 =	vgt.f32 v9, $5.000000000e-01  }
0x11e: {  	s10 =	sadd.s32 $0x100, s10;
	s11 =	sadd.s32 $0x40, s11;
	v4 =	vld [tilespmem:s12+$0x0];
	[tilespmem:s26+$0x0] =	vst v7;
	v7 =	vsel vm0, v0, v9;
	vm0 =	vgt.f32 v2, $5.000000000e-01  }
0x11f: {  	_ = 	snop  }
0x120: {  	vm1 =	vgt.f32 v3, $5.000000000e-01  }
0x121: {  	s1 =	sor.u32 $0x4100, s17;
	v3 =	vsel vm1, v0, v3;
	vm1 =	vgt.f32 v5, $5.000000000e-01  }
0x122: {  	s4 =	sor.u32 s7, s1;
	[tilespmem:s15+$0x0] =	vst v3;
	v3 =	vsel vm1, v0, v5;
	vm1 =	vgt.f32 v6, $5.000000000e-01  }
0x123: {  	s5 =	sor.u32 s30, s1;
	v5 =	vld [tilespmem:s4+$0x0];
	[tilespmem:s13+$0x0] =	vst v3;
	v3 =	vsel vm1, v0, v6;
	vm1 =	vgt.f32 v4, $5.000000000e-01  }
0x124: {  	s8 =	sor.u32 s20, s1;
	[tilespmem:s14+$0x0] =	vst v3;
	v3 =	vsel vm1, v0, v4;
	v4 =	vld [tilespmem:s5+$0x0]  }
0x125: {  	s1 =	sor.u32 s3, s1;
	[tilespmem:s12+$0x0] =	vst v3;
	v3 =	vld [tilespmem:s8+$0x0]  }
0x126: {  	v6 =	vld [tilespmem:s1+$0x0];
	_ =	sdelay $0x1  }
0x127: {  	v8 =	vld [tilespmem:s0+$0x0];
	[tilespmem:s22+$0x0] =	vst v7;
	v2 =	vsel vm0, v0, v2;
	vm0 =	vgt.f32 v5, $5.000000000e-01  }
0x128: {  	s9 =	sor.u32 $0x4180, s17;
	v7 =	vld [tilespmem:s18+$0x0];
	[tilespmem:s19+$0x0] =	vst v2;
	v2 =	vsel vm0, v0, v5;
	vm0 =	vgt.f32 v4, $5.000000000e-01  }
0x129: {  	s13 =	sor.u32 s7, s9;
	v5 =	vld [tilespmem:s6+$0x0];
	[tilespmem:s4+$0x0] =	vst v2;
	v2 =	vsel vm0, v0, v4;
	vm0 =	vgt.f32 v3, $5.000000000e-01  }
0x12a: {  	s14 =	sor.u32 s30, s9;
	v4 =	vld [tilespmem:s13+$0x0];
	[tilespmem:s5+$0x0] =	vst v2;
	v2 =	vsel vm0, v0, v3;
	vm0 =	vgt.f32 v6, $5.000000000e-01  }
0x12b: {  	s15 =	sor.u32 s20, s9;
	vm1 =	vgt.f32 v1, $5.000000000e-01;
	v3 =	vld [tilespmem:s14+$0x0];
	[tilespmem:s8+$0x0] =	vst v2;
	v2 =	vsel vm0, v0, v6  }
0x12c: {  	s16 =	sor.u32 s3, s9;
	v1 =	vsel vm1, v0, v1;
	vm0 =	vgt.f32 v8, $5.000000000e-01;
	v6 =	vld [tilespmem:s15+$0x0];
	[tilespmem:s1+$0x0] =	vst v2  }
0x12d: {  	[tilespmem:s2+$0x0] =	vst v1;
	v1 =	vsel vm0, v0, v8;
	vm0 =	vgt.f32 v7, $5.000000000e-01;
	v2 =	vld [tilespmem:s16+$0x0]  }
0x12e: {  	[tilespmem:s0+$0x0] =	vst v1;
	v1 =	vsel vm0, v0, v7;
	vm0 =	vgt.f32 v5, $5.000000000e-01  }
0x12f: {  	[tilespmem:s18+$0x0] =	vst v1;
	v1 =	vsel vm0, v0, v5;
	vm0 =	vgt.f32 v4, $5.000000000e-01  }
0x130: {  	[tilespmem:s6+$0x0] =	vst v1;
	v1 =	vsel vm0, v0, v4;
	vm0 =	vgt.f32 v3, $5.000000000e-01  }
0x131: {  	[tilespmem:s13+$0x0] =	vst v1;
	v1 =	vsel vm0, v0, v3;
	vm0 =	vgt.f32 v6, $5.000000000e-01  }
0x132: {  	[tilespmem:s14+$0x0] =	vst v1;
	v1 =	vsel vm0, v0, v6;
	vm0 =	vgt.f32 v2, $5.000000000e-01  }
0x133: {  	[tilespmem:s15+$0x0] =	vst v1;
	v1 =	vsel vm0, v0, v2  }
0x134: {  	[tilespmem:s16+$0x0] =	vst v1  }
0x135: {  	s17 =	simm.s32 $0x200;
	s30 =	sor.u32 $0x800, s29;
	s0 =	rddreg [dreg:$0x4]  }
0x136: {  	s19 =	simm.s32 $0x4000;
	s18 =	simm.s32 $0x400;
	s0 =	sadd.s32 s0, s30  }
0x137: {  	[hbm4b:s0+s17] =	stream.strided.scatter [tilespmem:s19], [sflag:$0xB], $0x2000, s18, s17, $0x38;
	[tilespmem:$0x10080] =	vst v63  }
0x138: {  	s0 =	simm.s32 @!p0 $0xA  }
0x139: {  	s21 =	simm.s32 $0x4;
	_ =	swait.ge @!p0 [sflag:s0], $0x2000  }
0x13a: {  	s3 =	simm.s32 @!p0 $0x2000;
	s20 =	simm.s32 $0x0;
	[sflag:s0] =	ssyncset.done @!p0 $0x0  }
0x13b: {  	s1 =	sand.u32 @!p0 $0x1FE000, s31;
	[sflag:s0] =	ssyncadd.s32 @!p0 $0xFFFFE000;
	s0 =	rddreg [dreg:$0x7]  }
0x13c: {  	s2 =	simm.s32 @!p0 $0x400;
	s0 =	sadd.s32 @!p0 s1, s0;
	s1 =	simm.s32 @!p0 $0x200  }
0x13d: {  	[tilespmem:s3], [sflag:$0x2] =	stream.strided.gather @!p0 [hbm4b:s0+s1], $0x2000, s2, s1, $0x38;
	[tilespmem:$0x10080] =	vst v63  }
0x13e: {  	s4 =	sand.u32 $0x1E00, s20;
	s0 =	sand.u32 $0x40, s20;
	_ =	swait.ge [sflag:s21], $0x2000  }
0x13f: {  	s22 =	sor.u32 $0x6000, s4;
	s2 =	sor.u32 $0x30, s0;
	[sflag:s21] =	ssyncset.done $0x0  }
0x140: {  	s23 =	sor.u32 s2, s22;
	[sflag:s21] =	ssyncadd.s32 $0xFFFFE000  }
0x141: {  	v1 =	vld [tilespmem:s23+$0x0];
	_ =	sdelay $0x2  }
0x142: {  	s6 =	sor.u32 $0x10, s0;
	s24 =	sor.u32 s0, s22  }
0x143: {  	s1 =	sor.u32 $0x20, s0;
	s25 =	sor.u32 s6, s22;
	v2 =	vld [tilespmem:s24+$0x0]  }
0x144: {  	s3 =	sor.u32 s1, s22;
	v3 =	vld [tilespmem:s25+$0x0];
	vm0 =	vgt.f32 v1, $5.000000000e-01  }
0x145: {  	s26 =	sor.u32 $0x6080, s4;
	v4 =	vld [tilespmem:s3+$0x0];
	v1 =	vsel vm0, v0, v1  }
0x146: {  	s28 =	sor.u32 s2, s26;
	[tilespmem:s23+$0x0] =	vst v1  }
0x147: {  	v1 =	vld [tilespmem:s28+$0x0]  }
0x148: {  	vm0 =	vgt.f32 v2, $5.000000000e-01  }
0x149: {  	v2 =	vsel vm0, v0, v2;
	vm0 =	vgt.f32 v3, $5.000000000e-01  }
0x14a: {  	s11 =	simm.s32 $0x40;
	s12 =	simm.s32 $0x100;
	s10 =	sor.u32 s0, s26;
	[tilespmem:s24+$0x0] =	vst v2;
	v2 =	vsel vm0, v0, v3;
	vm0 =	vgt.f32 v4, $5.000000000e-01  }
0x14b: {  	s31 =	sand.u32 $0x40, s11;
	s17 =	sand.u32 $0x1E00, s12;
	s13 =	sor.u32 s6, s26;
	v3 =	vld [tilespmem:s10+$0x0];
	[tilespmem:s25+$0x0] =	vst v2;
	v2 =	vsel vm0, v0, v4  }
0x14c: {  	s15 =	sor.u32 $0x6000, s17;
	s20 =	sor.u32 $0x30, s31;
	s14 =	sor.u32 s1, s26;
	v4 =	vld [tilespmem:s13+$0x0];
	[tilespmem:s3+$0x0] =	vst v2;
	vm0 =	vgt.f32 v1, $5.000000000e-01  }
0x14d: {  	s18 =	sor.u32 s20, s15;
	s23 =	sor.u32 $0x6100, s4;
	v2 =	vld [tilespmem:s14+$0x0];
	v1 =	vsel vm0, v0, v1  }
0x14e: {  	s24 =	sor.u32 s2, s23;
	[tilespmem:s28+$0x0] =	vst v1;
	v1 =	vld [tilespmem:s18+$0x0]  }
0x14f: {  	s7 =	sor.u32 $0x10, s31;
	s25 =	sor.u32 s31, s15;
	v5 =	vld [tilespmem:s24+$0x0]  }
0x150: {  	s16 =	sor.u32 s7, s15;
	s3 =	sor.u32 $0x20, s31;
	v6 =	vld [tilespmem:s25+$0x0];
	vm0 =	vgt.f32 v3, $5.000000000e-01  }
0x151: {  	v7 =	vld [tilespmem:s16+$0x0];
	s9 =	sor.u32 s3, s15;
	v3 =	vsel vm0, v0, v3;
	vm0 =	vgt.f32 v4, $5.000000000e-01  }
0x152: {  	s21 =	sor.u32 s0, s23;
	[tilespmem:s10+$0x0] =	vst v3;
	v3 =	vsel vm0, v0, v4;
	vm0 =	vgt.f32 v2, $5.000000000e-01;
	v4 =	vld [tilespmem:s9+$0x0]  }
0x153: {  	s22 =	sor.u32 s6, s23;
	[tilespmem:s13+$0x0] =	vst v3;
	v2 =	vsel vm0, v0, v2;
	v8 =	vld [tilespmem:s21+$0x0];
	vm0 =	vgt.f32 v1, $5.000000000e-01  }
0x154: {  	s26 =	sor.u32 $0x6080, s17;
	s19 =	sor.u32 s1, s23;
	[tilespmem:s14+$0x0] =	vst v2;
	v9 =	vld [tilespmem:s22+$0x0];
	v1 =	vsel vm0, v0, v1;
	vm0 =	vgt.f32 v5, $5.000000000e-01  }
0x155: {  	s15 =	sor.u32 s20, s26;
	vm1 =	vgt.f32 v6, $5.000000000e-01;
	s28 =	sor.u32 $0x6180, s4;
	v2 =	vld [tilespmem:s19+$0x0];
	[tilespmem:s18+$0x0] =	vst v1;
	v1 =	vsel vm0, v0, v5  }
0x156: {  	s2 =	sor.u32 s2, s28;
	v5 =	vsel vm1, v0, v6;
	vm0 =	vgt.f32 v7, $5.000000000e-01;
	v3 =	vld [tilespmem:s15+$0x0];
	[tilespmem:s24+$0x0] =	vst v1  }
0x157: {  	s13 =	sor.u32 s31, s26;
	[tilespmem:s25+$0x0] =	vst v5;
	v5 =	vsel vm0, v0, v7;
	vm0 =	vgt.f32 v4, $5.000000000e-01;
	v1 =	vld [tilespmem:s2+$0x0]  }
0x158: {  	s11 =	simm.s32 $0x80;
	s14 =	sor.u32 s7, s26;
	[tilespmem:s16+$0x0] =	vst v5;
	v5 =	vld [tilespmem:s13+$0x0];
	v4 =	vsel vm0, v0, v4;
	vm0 =	vgt.f32 v8, $5.000000000e-01  }
0x159: {  	s12 =	sor.u32 s3, s26;
	s4 =	simm.s32 $0x4;
	s0 =	sor.u32 s0, s28;
	[tilespmem:s9+$0x0] =	vst v4;
	v6 =	vld [tilespmem:s14+$0x0];
	v7 =	vsel vm0, v0, v8;
	vm0 =	vgt.f32 v9, $5.000000000e-01  }
0x15a: {  	s10 =	simm.s32 $0x200;
	s18 =	sor.u32 s6, s28;
	s6 =	sor.u32 s1, s28;
	v4 =	vld [tilespmem:s12+$0x0];
	[tilespmem:s21+$0x0] =	vst v7;
	v7 =	vsel vm0, v0, v9;
	vm0 =	vgt.f32 v2, $5.000000000e-01  }
.LBB2_9:
0x15b: {  	s1 =	sand.u32 $0x40, s11;
	s21 =	sand.u32 $0x1E00, s10;
	vm1 =	vgt.f32 v3, $5.000000000e-01;
	v8 =	vld [tilespmem:s0+$0x0];
	[tilespmem:s22+$0x0] =	vst v7;
	v2 =	vsel vm0, v0, v2  }
0x15c: {  	s4 =	sadd.s32 $0x4, s4;
	s5 =	sor.u32 $0x6000, s21;
	s8 =	sor.u32 $0x30, s1;
	v3 =	vsel vm1, v0, v3;
	v7 =	vld [tilespmem:s18+$0x0];
	[tilespmem:s19+$0x0] =	vst v2;
	vm0 =	vgt.f32 v1, $5.000000000e-01  }
0x15d: {  	p1 =	slt.u32 s4, $0x7C;
	s19 =	sor.u32 $0x6100, s17;
	s9 =	sor.u32 s8, s5;
	vm1 =	vgt.f32 v5, $5.000000000e-01;
	[tilespmem:s15+$0x0] =	vst v3;
	v2 =	vld [tilespmem:s6+$0x0];
	v1 =	vsel vm0, v0, v1  }
0x15e: {  	s16 =	sor.u32 $0x10, s1;
	s28 =	sor.u32 $0x20, s1;
	s23 =	sor.u32 s20, s19;
	v3 =	vld [tilespmem:s9+$0x0];
	v5 =	vsel vm1, v0, v5;
	vm0 =	vgt.f32 v6, $5.000000000e-01;
	[tilespmem:s2+$0x0] =	vst v1  }
0x15f: {  	s24 =	sor.u32 s1, s5;
	s25 =	sor.u32 s16, s5;
	s5 =	sor.u32 s28, s5;
	[tilespmem:s13+$0x0] =	vst v5;
	v1 =	vsel vm0, v0, v6;
	vm0 =	vgt.f32 v4, $5.000000000e-01;
	v5 =	vld [tilespmem:s23+$0x0]  }
0x160: {  	s26 =	sor.u32 s31, s19;
	s22 =	sor.u32 s7, s19;
	s19 =	sor.u32 s3, s19;
	v6 =	vld [tilespmem:s24+$0x0];
	[tilespmem:s14+$0x0] =	vst v1;
	v1 =	vsel vm0, v0, v4;
	vm0 =	vgt.f32 v8, $5.000000000e-01  }
0x161: {  	v4 =	vld [tilespmem:s25+$0x0];
	[tilespmem:s12+$0x0] =	vst v1;
	v1 =	vsel vm0, v0, v8;
	vm0 =	vgt.f32 v7, $5.000000000e-01  }
0x162: {  	v8 =	vld [tilespmem:s5+$0x0];
	[tilespmem:s0+$0x0] =	vst v1;
	v1 =	vsel vm0, v0, v7;
	vm0 =	vgt.f32 v2, $5.000000000e-01  }
0x163: {  	s0 =	sor.u32 $0x6080, s21;
	vm1 =	vgt.f32 v3, $5.000000000e-01;
	v7 =	vld [tilespmem:s26+$0x0];
	[tilespmem:s18+$0x0] =	vst v1;
	v1 =	vsel vm0, v0, v2  }
0x164: {  	s13 =	sor.u32 s1, s0;
	v2 =	vsel vm1, v0, v3;
	v9 =	vld [tilespmem:s22+$0x0];
	vm0 =	vgt.f32 v5, $5.000000000e-01;
	[tilespmem:s6+$0x0] =	vst v1  }
0x165: {  	s15 =	sor.u32 s8, s0;
	s14 =	sor.u32 s16, s0;
	s6 =	sor.u32 $0x6180, s17;
	vm1 =	vgt.f32 v6, $5.000000000e-01;
	[tilespmem:s9+$0x0] =	vst v2;
	v2 =	vld [tilespmem:s19+$0x0];
	v1 =	vsel vm0, v0, v5  }
.Ltmp5:
0x166: {  	s12 =	sor.u32 s28, s0;
	s2 =	sor.u32 s20, s6;
	v5 =	vsel vm1, v0, v6;
	vm0 =	vgt.f32 v4, $5.000000000e-01;
	v3 =	vld [tilespmem:s15+$0x0];
	[tilespmem:s23+$0x0] =	vst v1;
	(pc) =	sbr.rel @p1 .LBB2_9-.Ltmp5, $4  }
0x167: {  	s0 =	sor.u32 s31, s6;
	s18 =	sor.u32 s7, s6;
	s6 =	sor.u32 s3, s6;
	[tilespmem:s24+$0x0] =	vst v5;
	v4 =	vsel vm0, v0, v4;
	vm0 =	vgt.f32 v8, $5.000000000e-01;
	v1 =	vld [tilespmem:s2+$0x0]  }
0x168: {  	s17 =	smov.u32 s21;
	s31 =	smov.u32 s1;
	s20 =	smov.u32 s8;
	v5 =	vld [tilespmem:s13+$0x0];
	[tilespmem:s25+$0x0] =	vst v4;
	v4 =	vsel vm0, v0, v8;
	vm0 =	vgt.f32 v7, $5.000000000e-01  }
0x169: {  	s7 =	smov.u32 s16;
	s3 =	smov.u32 s28;
	v6 =	vld [tilespmem:s14+$0x0];
	[tilespmem:s5+$0x0] =	vst v4;
	v7 =	vsel vm0, v0, v7;
	vm0 =	vgt.f32 v9, $5.000000000e-01  }
0x16a: {  	s10 =	sadd.s32 $0x100, s10;
	s11 =	sadd.s32 $0x40, s11;
	v4 =	vld [tilespmem:s12+$0x0];
	[tilespmem:s26+$0x0] =	vst v7;
	v7 =	vsel vm0, v0, v9;
	vm0 =	vgt.f32 v2, $5.000000000e-01  }
0x16b: {  	_ = 	snop  }
0x16c: {  	vm1 =	vgt.f32 v3, $5.000000000e-01  }
0x16d: {  	s1 =	sor.u32 $0x6100, s17;
	v3 =	vsel vm1, v0, v3;
	vm1 =	vgt.f32 v5, $5.000000000e-01  }
0x16e: {  	s4 =	sor.u32 s20, s1;
	[tilespmem:s15+$0x0] =	vst v3;
	v3 =	vsel vm1, v0, v5;
	vm1 =	vgt.f32 v6, $5.000000000e-01  }
0x16f: {  	s5 =	sor.u32 s31, s1;
	v5 =	vld [tilespmem:s4+$0x0];
	[tilespmem:s13+$0x0] =	vst v3;
	v3 =	vsel vm1, v0, v6;
	vm1 =	vgt.f32 v4, $5.000000000e-01  }
0x170: {  	s8 =	sor.u32 s7, s1;
	[tilespmem:s14+$0x0] =	vst v3;
	v3 =	vsel vm1, v0, v4;
	v4 =	vld [tilespmem:s5+$0x0]  }
0x171: {  	s1 =	sor.u32 s3, s1;
	[tilespmem:s12+$0x0] =	vst v3;
	v3 =	vld [tilespmem:s8+$0x0]  }
0x172: {  	v6 =	vld [tilespmem:s1+$0x0];
	_ =	sdelay $0x1  }
0x173: {  	v8 =	vld [tilespmem:s0+$0x0];
	[tilespmem:s22+$0x0] =	vst v7;
	v2 =	vsel vm0, v0, v2;
	vm0 =	vgt.f32 v5, $5.000000000e-01  }
0x174: {  	s9 =	sor.u32 $0x6180, s17;
	v7 =	vld [tilespmem:s18+$0x0];
	[tilespmem:s19+$0x0] =	vst v2;
	v2 =	vsel vm0, v0, v5;
	vm0 =	vgt.f32 v4, $5.000000000e-01  }
0x175: {  	s13 =	sor.u32 s20, s9;
	v5 =	vld [tilespmem:s6+$0x0];
	[tilespmem:s4+$0x0] =	vst v2;
	v2 =	vsel vm0, v0, v4;
	vm0 =	vgt.f32 v3, $5.000000000e-01  }
0x176: {  	s10 =	sor.u32 s31, s9;
	v4 =	vld [tilespmem:s13+$0x0];
	[tilespmem:s5+$0x0] =	vst v2;
	v2 =	vsel vm0, v0, v3;
	vm0 =	vgt.f32 v6, $5.000000000e-01  }
0x177: {  	vm1 =	vgt.f32 v1, $5.000000000e-01;
	s14 =	sor.u32 s7, s9;
	v3 =	vld [tilespmem:s10+$0x0];
	[tilespmem:s8+$0x0] =	vst v2;
	v2 =	vsel vm0, v0, v6  }
0x178: {  	s15 =	sor.u32 s3, s9;
	v1 =	vsel vm1, v0, v1;
	vm0 =	vgt.f32 v8, $5.000000000e-01;
	v6 =	vld [tilespmem:s14+$0x0];
	[tilespmem:s1+$0x0] =	vst v2  }
0x179: {  	[tilespmem:s2+$0x0] =	vst v1;
	v1 =	vsel vm0, v0, v8;
	vm0 =	vgt.f32 v7, $5.000000000e-01;
	v2 =	vld [tilespmem:s15+$0x0]  }
0x17a: {  	[tilespmem:s0+$0x0] =	vst v1;
	v1 =	vsel vm0, v0, v7;
	vm0 =	vgt.f32 v5, $5.000000000e-01  }
0x17b: {  	[tilespmem:s18+$0x0] =	vst v1;
	v1 =	vsel vm0, v0, v5;
	vm0 =	vgt.f32 v4, $5.000000000e-01  }
0x17c: {  	[tilespmem:s6+$0x0] =	vst v1;
	v1 =	vsel vm0, v0, v4;
	vm0 =	vgt.f32 v3, $5.000000000e-01  }
0x17d: {  	[tilespmem:s13+$0x0] =	vst v1;
	v1 =	vsel vm0, v0, v3;
	vm0 =	vgt.f32 v6, $5.000000000e-01  }
0x17e: {  	[tilespmem:s10+$0x0] =	vst v1;
	v1 =	vsel vm0, v0, v6;
	vm0 =	vgt.f32 v2, $5.000000000e-01  }
0x17f: {  	[tilespmem:s14+$0x0] =	vst v1;
	v1 =	vsel vm0, v0, v2  }
0x180: {  	[tilespmem:s15+$0x0] =	vst v1  }
0x181: {  	s16 =	simm.s32 $0x200;
	s0 =	rddreg [dreg:$0xf]  }
0x182: {  	s17 =	simm.s32 $0x400;
	s18 =	simm.s32 $0x6000;
	s0 =	sadd.s32 s30, s0  }
0x183: {  	[hbm4b:s0+s16] =	stream.strided.scatter [tilespmem:s18], [sflag:$0xC], $0x2000, s17, s16, $0x38;
	[tilespmem:$0x10080] =	vst v63  }
0x184: {  	s0 =	simm.s32 @!p0 $0xB  }
0x185: {  	_ =	swait.ge @!p0 [sflag:s0], $0x2000  }
0x186: {  	s1 =	rddreg [dreg:$0x11]  }
0x187: {  	s19 =	simm.s32 $0x0;
	s2 =	rddreg [dreg:$0x17];
	[sflag:s0] =	ssyncset.done @!p0 $0x0  }
0x188: {  	s3 =	simm.s32 @!p0 $0x4000;
	s1 =	sadd.s32 @!p0 s2, s1;
	[sflag:s0] =	ssyncadd.s32 @!p0 $0xFFFFE000  }
0x189: {  	s20 =	simm.s32 $0x5;
	s30 =	sshll.u32 @!p0 s1, $0x8;
	s0 =	rddreg [dreg:$0x0]  }
0x18a: {  	s2 =	simm.s32 @!p0 $0x400;
	s1 =	simm.s32 @!p0 $0x200;
	s0 =	sadd.s32 @!p0 s0, s30  }
0x18b: {  	[tilespmem:s3], [sflag:$0x3] =	stream.strided.gather @!p0 [hbm4b:s0+s1], $0x2000, s2, s1, $0x38;
	[tilespmem:$0x10080] =	vst v63  }
0x18c: {  	s4 =	sand.u32 $0x1E00, s19;
	s0 =	sand.u32 $0x40, s19;
	_ =	swait.ge [sflag:s20], $0x2000  }
0x18d: {  	s21 =	sor.u32 $0x8000, s4;
	s2 =	sor.u32 $0x30, s0;
	[sflag:s20] =	ssyncset.done $0x0  }
0x18e: {  	s22 =	sor.u32 s2, s21;
	[sflag:s20] =	ssyncadd.s32 $0xFFFFE000  }
0x18f: {  	v1 =	vld [tilespmem:s22+$0x0];
	_ =	sdelay $0x2  }
0x190: {  	s6 =	sor.u32 $0x10, s0;
	s23 =	sor.u32 s0, s21  }
0x191: {  	s1 =	sor.u32 $0x20, s0;
	s24 =	sor.u32 s6, s21;
	v2 =	vld [tilespmem:s23+$0x0]  }
0x192: {  	s3 =	sor.u32 s1, s21;
	v3 =	vld [tilespmem:s24+$0x0];
	vm0 =	vgt.f32 v1, $5.000000000e-01  }
0x193: {  	s25 =	sor.u32 $0x8080, s4;
	v4 =	vld [tilespmem:s3+$0x0];
	v1 =	vsel vm0, v0, v1  }
0x194: {  	s26 =	sor.u32 s2, s25;
	[tilespmem:s22+$0x0] =	vst v1  }
0x195: {  	v1 =	vld [tilespmem:s26+$0x0]  }
0x196: {  	vm0 =	vgt.f32 v2, $5.000000000e-01  }
0x197: {  	v2 =	vsel vm0, v0, v2;
	vm0 =	vgt.f32 v3, $5.000000000e-01  }
0x198: {  	s11 =	simm.s32 $0x40;
	s12 =	simm.s32 $0x100;
	s28 =	sor.u32 s0, s25;
	[tilespmem:s23+$0x0] =	vst v2;
	v2 =	vsel vm0, v0, v3;
	vm0 =	vgt.f32 v4, $5.000000000e-01  }
0x199: {  	s31 =	sand.u32 $0x40, s11;
	s17 =	sand.u32 $0x1E00, s12;
	s13 =	sor.u32 s6, s25;
	v3 =	vld [tilespmem:s28+$0x0];
	[tilespmem:s24+$0x0] =	vst v2;
	v2 =	vsel vm0, v0, v4  }
0x19a: {  	s15 =	sor.u32 $0x8000, s17;
	s14 =	sor.u32 s1, s25;
	s20 =	sor.u32 $0x30, s31;
	v4 =	vld [tilespmem:s13+$0x0];
	[tilespmem:s3+$0x0] =	vst v2;
	vm0 =	vgt.f32 v1, $5.000000000e-01  }
0x19b: {  	s18 =	sor.u32 s20, s15;
	s23 =	sor.u32 $0x8100, s4;
	v2 =	vld [tilespmem:s14+$0x0];
	v1 =	vsel vm0, v0, v1  }
0x19c: {  	s24 =	sor.u32 s2, s23;
	[tilespmem:s26+$0x0] =	vst v1;
	v1 =	vld [tilespmem:s18+$0x0]  }
0x19d: {  	s7 =	sor.u32 $0x10, s31;
	s25 =	sor.u32 s31, s15;
	v5 =	vld [tilespmem:s24+$0x0]  }
0x19e: {  	s16 =	sor.u32 s7, s15;
	v6 =	vld [tilespmem:s25+$0x0];
	s3 =	sor.u32 $0x20, s31;
	vm0 =	vgt.f32 v3, $5.000000000e-01  }
0x19f: {  	v7 =	vld [tilespmem:s16+$0x0];
	s9 =	sor.u32 s3, s15;
	v3 =	vsel vm0, v0, v3;
	vm0 =	vgt.f32 v4, $5.000000000e-01  }
0x1a0: {  	s21 =	sor.u32 s0, s23;
	[tilespmem:s28+$0x0] =	vst v3;
	v3 =	vsel vm0, v0, v4;
	vm0 =	vgt.f32 v2, $5.000000000e-01;
	v4 =	vld [tilespmem:s9+$0x0]  }
0x1a1: {  	s22 =	sor.u32 s6, s23;
	[tilespmem:s13+$0x0] =	vst v3;
	v2 =	vsel vm0, v0, v2;
	v8 =	vld [tilespmem:s21+$0x0];
	vm0 =	vgt.f32 v1, $5.000000000e-01  }
0x1a2: {  	s19 =	sor.u32 s1, s23;
	s26 =	sor.u32 $0x8080, s17;
	[tilespmem:s14+$0x0] =	vst v2;
	v9 =	vld [tilespmem:s22+$0x0];
	v1 =	vsel vm0, v0, v1;
	vm0 =	vgt.f32 v5, $5.000000000e-01  }
0x1a3: {  	vm1 =	vgt.f32 v6, $5.000000000e-01;
	s15 =	sor.u32 s20, s26;
	s28 =	sor.u32 $0x8180, s4;
	v2 =	vld [tilespmem:s19+$0x0];
	[tilespmem:s18+$0x0] =	vst v1;
	v1 =	vsel vm0, v0, v5  }
0x1a4: {  	s2 =	sor.u32 s2, s28;
	v5 =	vsel vm1, v0, v6;
	vm0 =	vgt.f32 v7, $5.000000000e-01;
	v3 =	vld [tilespmem:s15+$0x0];
	[tilespmem:s24+$0x0] =	vst v1  }
0x1a5: {  	s13 =	sor.u32 s31, s26;
	[tilespmem:s25+$0x0] =	vst v5;
	v5 =	vsel vm0, v0, v7;
	vm0 =	vgt.f32 v4, $5.000000000e-01;
	v1 =	vld [tilespmem:s2+$0x0]  }
0x1a6: {  	s11 =	simm.s32 $0x80;
	s14 =	sor.u32 s7, s26;
	[tilespmem:s16+$0x0] =	vst v5;
	v5 =	vld [tilespmem:s13+$0x0];
	v4 =	vsel vm0, v0, v4;
	vm0 =	vgt.f32 v8, $5.000000000e-01  }
0x1a7: {  	s10 =	simm.s32 $0x200;
	s4 =	simm.s32 $0x4;
	s12 =	sor.u32 s3, s26;
	[tilespmem:s9+$0x0] =	vst v4;
	v6 =	vld [tilespmem:s14+$0x0];
	v7 =	vsel vm0, v0, v8;
	vm0 =	vgt.f32 v9, $5.000000000e-01  }
0x1a8: {  	s0 =	sor.u32 s0, s28;
	s18 =	sor.u32 s6, s28;
	s6 =	sor.u32 s1, s28;
	v4 =	vld [tilespmem:s12+$0x0];
	[tilespmem:s21+$0x0] =	vst v7;
	v7 =	vsel vm0, v0, v9;
	vm0 =	vgt.f32 v2, $5.000000000e-01  }
.LBB2_11:
0x1a9: {  	s1 =	sand.u32 $0x40, s11;
	s21 =	sand.u32 $0x1E00, s10;
	vm1 =	vgt.f32 v3, $5.000000000e-01;
	v8 =	vld [tilespmem:s0+$0x0];
	[tilespmem:s22+$0x0] =	vst v7;
	v2 =	vsel vm0, v0, v2  }
0x1aa: {  	s4 =	sadd.s32 $0x4, s4;
	s5 =	sor.u32 $0x8000, s21;
	s8 =	sor.u32 $0x30, s1;
	v3 =	vsel vm1, v0, v3;
	v7 =	vld [tilespmem:s18+$0x0];
	[tilespmem:s19+$0x0] =	vst v2;
	vm0 =	vgt.f32 v1, $5.000000000e-01  }
0x1ab: {  	p1 =	slt.u32 s4, $0x7C;
	s19 =	sor.u32 $0x8100, s17;
	s9 =	sor.u32 s8, s5;
	vm1 =	vgt.f32 v5, $5.000000000e-01;
	[tilespmem:s15+$0x0] =	vst v3;
	v2 =	vld [tilespmem:s6+$0x0];
	v1 =	vsel vm0, v0, v1  }
0x1ac: {  	s16 =	sor.u32 $0x10, s1;
	s28 =	sor.u32 $0x20, s1;
	s23 =	sor.u32 s20, s19;
	v3 =	vld [tilespmem:s9+$0x0];
	v5 =	vsel vm1, v0, v5;
	vm0 =	vgt.f32 v6, $5.000000000e-01;
	[tilespmem:s2+$0x0] =	vst v1  }
0x1ad: {  	s24 =	sor.u32 s1, s5;
	s25 =	sor.u32 s16, s5;
	s5 =	sor.u32 s28, s5;
	[tilespmem:s13+$0x0] =	vst v5;
	v1 =	vsel vm0, v0, v6;
	vm0 =	vgt.f32 v4, $5.000000000e-01;
	v5 =	vld [tilespmem:s23+$0x0]  }
0x1ae: {  	s26 =	sor.u32 s31, s19;
	s22 =	sor.u32 s7, s19;
	s19 =	sor.u32 s3, s19;
	v6 =	vld [tilespmem:s24+$0x0];
	[tilespmem:s14+$0x0] =	vst v1;
	v1 =	vsel vm0, v0, v4;
	vm0 =	vgt.f32 v8, $5.000000000e-01  }
0x1af: {  	v4 =	vld [tilespmem:s25+$0x0];
	[tilespmem:s12+$0x0] =	vst v1;
	v1 =	vsel vm0, v0, v8;
	vm0 =	vgt.f32 v7, $5.000000000e-01  }
0x1b0: {  	v8 =	vld [tilespmem:s5+$0x0];
	[tilespmem:s0+$0x0] =	vst v1;
	v1 =	vsel vm0, v0, v7;
	vm0 =	vgt.f32 v2, $5.000000000e-01  }
0x1b1: {  	s0 =	sor.u32 $0x8080, s21;
	vm1 =	vgt.f32 v3, $5.000000000e-01;
	v7 =	vld [tilespmem:s26+$0x0];
	[tilespmem:s18+$0x0] =	vst v1;
	v1 =	vsel vm0, v0, v2  }
0x1b2: {  	s13 =	sor.u32 s1, s0;
	v2 =	vsel vm1, v0, v3;
	v9 =	vld [tilespmem:s22+$0x0];
	vm0 =	vgt.f32 v5, $5.000000000e-01;
	[tilespmem:s6+$0x0] =	vst v1  }
0x1b3: {  	s15 =	sor.u32 s8, s0;
	s14 =	sor.u32 s16, s0;
	s6 =	sor.u32 $0x8180, s17;
	vm1 =	vgt.f32 v6, $5.000000000e-01;
	[tilespmem:s9+$0x0] =	vst v2;
	v2 =	vld [tilespmem:s19+$0x0];
	v1 =	vsel vm0, v0, v5  }
.Ltmp6:
0x1b4: {  	s12 =	sor.u32 s28, s0;
	s2 =	sor.u32 s20, s6;
	v5 =	vsel vm1, v0, v6;
	vm0 =	vgt.f32 v4, $5.000000000e-01;
	v3 =	vld [tilespmem:s15+$0x0];
	[tilespmem:s23+$0x0] =	vst v1;
	(pc) =	sbr.rel @p1 .LBB2_11-.Ltmp6, $4  }
0x1b5: {  	s0 =	sor.u32 s31, s6;
	s18 =	sor.u32 s7, s6;
	s6 =	sor.u32 s3, s6;
	[tilespmem:s24+$0x0] =	vst v5;
	v4 =	vsel vm0, v0, v4;
	vm0 =	vgt.f32 v8, $5.000000000e-01;
	v1 =	vld [tilespmem:s2+$0x0]  }
0x1b6: {  	s17 =	smov.u32 s21;
	s31 =	smov.u32 s1;
	s20 =	smov.u32 s8;
	v5 =	vld [tilespmem:s13+$0x0];
	[tilespmem:s25+$0x0] =	vst v4;
	v4 =	vsel vm0, v0, v8;
	vm0 =	vgt.f32 v7, $5.000000000e-01  }
0x1b7: {  	s7 =	smov.u32 s16;
	s3 =	smov.u32 s28;
	v6 =	vld [tilespmem:s14+$0x0];
	[tilespmem:s5+$0x0] =	vst v4;
	v7 =	vsel vm0, v0, v7;
	vm0 =	vgt.f32 v9, $5.000000000e-01  }
0x1b8: {  	s10 =	sadd.s32 $0x100, s10;
	s11 =	sadd.s32 $0x40, s11;
	v4 =	vld [tilespmem:s12+$0x0];
	[tilespmem:s26+$0x0] =	vst v7;
	v7 =	vsel vm0, v0, v9;
	vm0 =	vgt.f32 v2, $5.000000000e-01  }
0x1b9: {  	_ = 	snop  }
0x1ba: {  	vm1 =	vgt.f32 v3, $5.000000000e-01  }
0x1bb: {  	s1 =	sor.u32 $0x8100, s17;
	v3 =	vsel vm1, v0, v3;
	vm1 =	vgt.f32 v5, $5.000000000e-01  }
0x1bc: {  	s4 =	sor.u32 s20, s1;
	[tilespmem:s15+$0x0] =	vst v3;
	v3 =	vsel vm1, v0, v5;
	vm1 =	vgt.f32 v6, $5.000000000e-01  }
0x1bd: {  	s5 =	sor.u32 s31, s1;
	v5 =	vld [tilespmem:s4+$0x0];
	[tilespmem:s13+$0x0] =	vst v3;
	v3 =	vsel vm1, v0, v6;
	vm1 =	vgt.f32 v4, $5.000000000e-01  }
0x1be: {  	s8 =	sor.u32 s7, s1;
	[tilespmem:s14+$0x0] =	vst v3;
	v3 =	vsel vm1, v0, v4;
	v4 =	vld [tilespmem:s5+$0x0]  }
0x1bf: {  	s1 =	sor.u32 s3, s1;
	[tilespmem:s12+$0x0] =	vst v3;
	v3 =	vld [tilespmem:s8+$0x0]  }
0x1c0: {  	v6 =	vld [tilespmem:s1+$0x0];
	_ =	sdelay $0x1  }
0x1c1: {  	v8 =	vld [tilespmem:s0+$0x0];
	[tilespmem:s22+$0x0] =	vst v7;
	v2 =	vsel vm0, v0, v2;
	vm0 =	vgt.f32 v5, $5.000000000e-01  }
0x1c2: {  	s9 =	sor.u32 $0x8180, s17;
	v7 =	vld [tilespmem:s18+$0x0];
	[tilespmem:s19+$0x0] =	vst v2;
	v2 =	vsel vm0, v0, v5;
	vm0 =	vgt.f32 v4, $5.000000000e-01  }
0x1c3: {  	s12 =	sor.u32 s20, s9;
	v5 =	vld [tilespmem:s6+$0x0];
	[tilespmem:s4+$0x0] =	vst v2;
	v2 =	vsel vm0, v0, v4;
	vm0 =	vgt.f32 v3, $5.000000000e-01  }
0x1c4: {  	s10 =	sor.u32 s31, s9;
	v4 =	vld [tilespmem:s12+$0x0];
	[tilespmem:s5+$0x0] =	vst v2;
	v2 =	vsel vm0, v0, v3;
	vm0 =	vgt.f32 v6, $5.000000000e-01  }
0x1c5: {  	s13 =	sor.u32 s7, s9;
	vm1 =	vgt.f32 v1, $5.000000000e-01;
	v3 =	vld [tilespmem:s10+$0x0];
	[tilespmem:s8+$0x0] =	vst v2;
	v2 =	vsel vm0, v0, v6  }
0x1c6: {  	s14 =	sor.u32 s3, s9;
	v1 =	vsel vm1, v0, v1;
	vm0 =	vgt.f32 v8, $5.000000000e-01;
	v6 =	vld [tilespmem:s13+$0x0];
	[tilespmem:s1+$0x0] =	vst v2  }
0x1c7: {  	[tilespmem:s2+$0x0] =	vst v1;
	v1 =	vsel vm0, v0, v8;
	vm0 =	vgt.f32 v7, $5.000000000e-01;
	v2 =	vld [tilespmem:s14+$0x0]  }
0x1c8: {  	[tilespmem:s0+$0x0] =	vst v1;
	v1 =	vsel vm0, v0, v7;
	vm0 =	vgt.f32 v5, $5.000000000e-01  }
0x1c9: {  	[tilespmem:s18+$0x0] =	vst v1;
	v1 =	vsel vm0, v0, v5;
	vm0 =	vgt.f32 v4, $5.000000000e-01  }
0x1ca: {  	[tilespmem:s6+$0x0] =	vst v1;
	v1 =	vsel vm0, v0, v4;
	vm0 =	vgt.f32 v3, $5.000000000e-01  }
0x1cb: {  	[tilespmem:s12+$0x0] =	vst v1;
	v1 =	vsel vm0, v0, v3;
	vm0 =	vgt.f32 v6, $5.000000000e-01  }
0x1cc: {  	[tilespmem:s10+$0x0] =	vst v1;
	v1 =	vsel vm0, v0, v6;
	vm0 =	vgt.f32 v2, $5.000000000e-01  }
0x1cd: {  	[tilespmem:s13+$0x0] =	vst v1;
	v1 =	vsel vm0, v0, v2  }
0x1ce: {  	s29 =	sor.u32 $0x1000, s29;
	[tilespmem:s14+$0x0] =	vst v1  }
0x1cf: {  	s16 =	simm.s32 $0x200;
	s17 =	simm.s32 $0x400;
	s31 =	rddreg [dreg:$0x4]  }
0x1d0: {  	s0 =	simm.s32 @!p0 $0xC;
	s18 =	simm.s32 $0x8000;
	s15 =	sadd.s32 s31, s29  }
0x1d1: {  	[hbm4b:s15+s16] =	stream.strided.scatter [tilespmem:s18], [sflag:$0xD], $0x2000, s17, s16, $0x38;
	[tilespmem:$0x10080] =	vst v63  }
0x1d2: {  	s19 =	simm.s32 $0x0;
	_ =	swait.ge @!p0 [sflag:s0], $0x2000  }
0x1d3: {  	s3 =	simm.s32 @!p0 $0x6000;
	s20 =	simm.s32 $0x6;
	[sflag:s0] =	ssyncset.done @!p0 $0x0  }
0x1d4: {  	s1 =	sand.u32 @!p0 $0x1FE800, s30;
	[sflag:s0] =	ssyncadd.s32 @!p0 $0xFFFFE000;
	s0 =	rddreg [dreg:$0x7]  }
0x1d5: {  	s2 =	simm.s32 @!p0 $0x400;
	s0 =	sadd.s32 @!p0 s1, s0;
	s1 =	simm.s32 @!p0 $0x200  }
0x1d6: {  	[tilespmem:s3], [sflag:$0x4] =	stream.strided.gather @!p0 [hbm4b:s0+s1], $0x2000, s2, s1, $0x38;
	[tilespmem:$0x10080] =	vst v63  }
0x1d7: {  	s4 =	sand.u32 $0x1E00, s19;
	s0 =	sand.u32 $0x40, s19;
	_ =	swait.ge [sflag:s20], $0x2000  }
0x1d8: {  	s21 =	sor.u32 $0xA000, s4;
	s2 =	sor.u32 $0x30, s0;
	[sflag:s20] =	ssyncset.done $0x0  }
0x1d9: {  	s22 =	sor.u32 s2, s21;
	[sflag:s20] =	ssyncadd.s32 $0xFFFFE000  }
0x1da: {  	v1 =	vld [tilespmem:s22+$0x0];
	_ =	sdelay $0x2  }
0x1db: {  	s6 =	sor.u32 $0x10, s0;
	s23 =	sor.u32 s0, s21  }
0x1dc: {  	s1 =	sor.u32 $0x20, s0;
	s24 =	sor.u32 s6, s21;
	v2 =	vld [tilespmem:s23+$0x0]  }
0x1dd: {  	s3 =	sor.u32 s1, s21;
	v3 =	vld [tilespmem:s24+$0x0];
	vm0 =	vgt.f32 v1, $5.000000000e-01  }
0x1de: {  	s25 =	sor.u32 $0xA080, s4;
	v4 =	vld [tilespmem:s3+$0x0];
	v1 =	vsel vm0, v0, v1  }
0x1df: {  	s26 =	sor.u32 s2, s25;
	[tilespmem:s22+$0x0] =	vst v1  }
0x1e0: {  	v1 =	vld [tilespmem:s26+$0x0]  }
0x1e1: {  	vm0 =	vgt.f32 v2, $5.000000000e-01  }
0x1e2: {  	v2 =	vsel vm0, v0, v2;
	vm0 =	vgt.f32 v3, $5.000000000e-01  }
0x1e3: {  	s11 =	simm.s32 $0x40;
	s12 =	simm.s32 $0x100;
	s28 =	sor.u32 s0, s25;
	[tilespmem:s23+$0x0] =	vst v2;
	v2 =	vsel vm0, v0, v3;
	vm0 =	vgt.f32 v4, $5.000000000e-01  }
0x1e4: {  	s30 =	sand.u32 $0x40, s11;
	s17 =	sand.u32 $0x1E00, s12;
	s13 =	sor.u32 s6, s25;
	v3 =	vld [tilespmem:s28+$0x0];
	[tilespmem:s24+$0x0] =	vst v2;
	v2 =	vsel vm0, v0, v4  }
0x1e5: {  	s15 =	sor.u32 $0xA000, s17;
	s14 =	sor.u32 s1, s25;
	s20 =	sor.u32 $0x30, s30;
	v4 =	vld [tilespmem:s13+$0x0];
	[tilespmem:s3+$0x0] =	vst v2;
	vm0 =	vgt.f32 v1, $5.000000000e-01  }
0x1e6: {  	s18 =	sor.u32 s20, s15;
	s23 =	sor.u32 $0xA100, s4;
	v2 =	vld [tilespmem:s14+$0x0];
	v1 =	vsel vm0, v0, v1  }
0x1e7: {  	s24 =	sor.u32 s2, s23;
	[tilespmem:s26+$0x0] =	vst v1;
	v1 =	vld [tilespmem:s18+$0x0]  }
0x1e8: {  	s7 =	sor.u32 $0x10, s30;
	s25 =	sor.u32 s30, s15;
	v5 =	vld [tilespmem:s24+$0x0]  }
0x1e9: {  	s16 =	sor.u32 s7, s15;
	v6 =	vld [tilespmem:s25+$0x0];
	s3 =	sor.u32 $0x20, s30;
	vm0 =	vgt.f32 v3, $5.000000000e-01  }
0x1ea: {  	v7 =	vld [tilespmem:s16+$0x0];
	s9 =	sor.u32 s3, s15;
	v3 =	vsel vm0, v0, v3;
	vm0 =	vgt.f32 v4, $5.000000000e-01  }
0x1eb: {  	s21 =	sor.u32 s0, s23;
	[tilespmem:s28+$0x0] =	vst v3;
	v3 =	vsel vm0, v0, v4;
	vm0 =	vgt.f32 v2, $5.000000000e-01;
	v4 =	vld [tilespmem:s9+$0x0]  }
0x1ec: {  	s22 =	sor.u32 s6, s23;
	[tilespmem:s13+$0x0] =	vst v3;
	v2 =	vsel vm0, v0, v2;
	v8 =	vld [tilespmem:s21+$0x0];
	vm0 =	vgt.f32 v1, $5.000000000e-01  }
0x1ed: {  	s19 =	sor.u32 s1, s23;
	s26 =	sor.u32 $0xA080, s17;
	[tilespmem:s14+$0x0] =	vst v2;
	v9 =	vld [tilespmem:s22+$0x0];
	v1 =	vsel vm0, v0, v1;
	vm0 =	vgt.f32 v5, $5.000000000e-01  }
0x1ee: {  	vm1 =	vgt.f32 v6, $5.000000000e-01;
	s15 =	sor.u32 s20, s26;
	s28 =	sor.u32 $0xA180, s4;
	v2 =	vld [tilespmem:s19+$0x0];
	[tilespmem:s18+$0x0] =	vst v1;
	v1 =	vsel vm0, v0, v5  }
0x1ef: {  	s2 =	sor.u32 s2, s28;
	v5 =	vsel vm1, v0, v6;
	vm0 =	vgt.f32 v7, $5.000000000e-01;
	v3 =	vld [tilespmem:s15+$0x0];
	[tilespmem:s24+$0x0] =	vst v1  }
0x1f0: {  	s13 =	sor.u32 s30, s26;
	[tilespmem:s25+$0x0] =	vst v5;
	v5 =	vsel vm0, v0, v7;
	vm0 =	vgt.f32 v4, $5.000000000e-01;
	v1 =	vld [tilespmem:s2+$0x0]  }
0x1f1: {  	s11 =	simm.s32 $0x80;
	s14 =	sor.u32 s7, s26;
	[tilespmem:s16+$0x0] =	vst v5;
	v5 =	vld [tilespmem:s13+$0x0];
	v4 =	vsel vm0, v0, v4;
	vm0 =	vgt.f32 v8, $5.000000000e-01  }
0x1f2: {  	s10 =	simm.s32 $0x200;
	s4 =	simm.s32 $0x4;
	s12 =	sor.u32 s3, s26;
	[tilespmem:s9+$0x0] =	vst v4;
	v6 =	vld [tilespmem:s14+$0x0];
	v7 =	vsel vm0, v0, v8;
	vm0 =	vgt.f32 v9, $5.000000000e-01  }
0x1f3: {  	s0 =	sor.u32 s0, s28;
	s18 =	sor.u32 s6, s28;
	s6 =	sor.u32 s1, s28;
	v4 =	vld [tilespmem:s12+$0x0];
	[tilespmem:s21+$0x0] =	vst v7;
	v7 =	vsel vm0, v0, v9;
	vm0 =	vgt.f32 v2, $5.000000000e-01  }
.LBB2_13:
0x1f4: {  	s1 =	sand.u32 $0x40, s11;
	s21 =	sand.u32 $0x1E00, s10;
	vm1 =	vgt.f32 v3, $5.000000000e-01;
	v8 =	vld [tilespmem:s0+$0x0];
	[tilespmem:s22+$0x0] =	vst v7;
	v2 =	vsel vm0, v0, v2  }
0x1f5: {  	s4 =	sadd.s32 $0x4, s4;
	s5 =	sor.u32 $0xA000, s21;
	s8 =	sor.u32 $0x30, s1;
	v3 =	vsel vm1, v0, v3;
	v7 =	vld [tilespmem:s18+$0x0];
	[tilespmem:s19+$0x0] =	vst v2;
	vm0 =	vgt.f32 v1, $5.000000000e-01  }
0x1f6: {  	p1 =	slt.u32 s4, $0x7C;
	s19 =	sor.u32 $0xA100, s17;
	s9 =	sor.u32 s8, s5;
	vm1 =	vgt.f32 v5, $5.000000000e-01;
	[tilespmem:s15+$0x0] =	vst v3;
	v2 =	vld [tilespmem:s6+$0x0];
	v1 =	vsel vm0, v0, v1  }
0x1f7: {  	s16 =	sor.u32 $0x10, s1;
	s28 =	sor.u32 $0x20, s1;
	s23 =	sor.u32 s20, s19;
	v3 =	vld [tilespmem:s9+$0x0];
	v5 =	vsel vm1, v0, v5;
	vm0 =	vgt.f32 v6, $5.000000000e-01;
	[tilespmem:s2+$0x0] =	vst v1  }
0x1f8: {  	s24 =	sor.u32 s1, s5;
	s25 =	sor.u32 s16, s5;
	s5 =	sor.u32 s28, s5;
	[tilespmem:s13+$0x0] =	vst v5;
	v1 =	vsel vm0, v0, v6;
	vm0 =	vgt.f32 v4, $5.000000000e-01;
	v5 =	vld [tilespmem:s23+$0x0]  }
0x1f9: {  	s26 =	sor.u32 s30, s19;
	s22 =	sor.u32 s7, s19;
	s19 =	sor.u32 s3, s19;
	v6 =	vld [tilespmem:s24+$0x0];
	[tilespmem:s14+$0x0] =	vst v1;
	v1 =	vsel vm0, v0, v4;
	vm0 =	vgt.f32 v8, $5.000000000e-01  }
0x1fa: {  	v4 =	vld [tilespmem:s25+$0x0];
	[tilespmem:s12+$0x0] =	vst v1;
	v1 =	vsel vm0, v0, v8;
	vm0 =	vgt.f32 v7, $5.000000000e-01  }
0x1fb: {  	v8 =	vld [tilespmem:s5+$0x0];
	[tilespmem:s0+$0x0] =	vst v1;
	v1 =	vsel vm0, v0, v7;
	vm0 =	vgt.f32 v2, $5.000000000e-01  }
0x1fc: {  	s0 =	sor.u32 $0xA080, s21;
	vm1 =	vgt.f32 v3, $5.000000000e-01;
	v7 =	vld [tilespmem:s26+$0x0];
	[tilespmem:s18+$0x0] =	vst v1;
	v1 =	vsel vm0, v0, v2  }
0x1fd: {  	s13 =	sor.u32 s1, s0;
	v2 =	vsel vm1, v0, v3;
	v9 =	vld [tilespmem:s22+$0x0];
	vm0 =	vgt.f32 v5, $5.000000000e-01;
	[tilespmem:s6+$0x0] =	vst v1  }
0x1fe: {  	s15 =	sor.u32 s8, s0;
	s14 =	sor.u32 s16, s0;
	s6 =	sor.u32 $0xA180, s17;
	vm1 =	vgt.f32 v6, $5.000000000e-01;
	[tilespmem:s9+$0x0] =	vst v2;
	v2 =	vld [tilespmem:s19+$0x0];
	v1 =	vsel vm0, v0, v5  }
.Ltmp7:
0x1ff: {  	s12 =	sor.u32 s28, s0;
	s2 =	sor.u32 s20, s6;
	v5 =	vsel vm1, v0, v6;
	vm0 =	vgt.f32 v4, $5.000000000e-01;
	v3 =	vld [tilespmem:s15+$0x0];
	[tilespmem:s23+$0x0] =	vst v1;
	(pc) =	sbr.rel @p1 .LBB2_13-.Ltmp7, $4  }
0x200: {  	s0 =	sor.u32 s30, s6;
	s18 =	sor.u32 s7, s6;
	s6 =	sor.u32 s3, s6;
	[tilespmem:s24+$0x0] =	vst v5;
	v4 =	vsel vm0, v0, v4;
	vm0 =	vgt.f32 v8, $5.000000000e-01;
	v1 =	vld [tilespmem:s2+$0x0]  }
0x201: {  	s17 =	smov.u32 s21;
	s30 =	smov.u32 s1;
	s20 =	smov.u32 s8;
	v5 =	vld [tilespmem:s13+$0x0];
	[tilespmem:s25+$0x0] =	vst v4;
	v4 =	vsel vm0, v0, v8;
	vm0 =	vgt.f32 v7, $5.000000000e-01  }
0x202: {  	s7 =	smov.u32 s16;
	s3 =	smov.u32 s28;
	v6 =	vld [tilespmem:s14+$0x0];
	[tilespmem:s5+$0x0] =	vst v4;
	v7 =	vsel vm0, v0, v7;
	vm0 =	vgt.f32 v9, $5.000000000e-01  }
0x203: {  	s10 =	sadd.s32 $0x100, s10;
	s11 =	sadd.s32 $0x40, s11;
	v4 =	vld [tilespmem:s12+$0x0];
	[tilespmem:s26+$0x0] =	vst v7;
	v7 =	vsel vm0, v0, v9;
	vm0 =	vgt.f32 v2, $5.000000000e-01  }
0x204: {  	_ = 	snop  }
0x205: {  	vm1 =	vgt.f32 v3, $5.000000000e-01  }
0x206: {  	s1 =	sor.u32 $0xA100, s17;
	v3 =	vsel vm1, v0, v3;
	vm1 =	vgt.f32 v5, $5.000000000e-01  }
0x207: {  	s4 =	sor.u32 s20, s1;
	[tilespmem:s15+$0x0] =	vst v3;
	v3 =	vsel vm1, v0, v5;
	vm1 =	vgt.f32 v6, $5.000000000e-01  }
0x208: {  	s5 =	sor.u32 s30, s1;
	v5 =	vld [tilespmem:s4+$0x0];
	[tilespmem:s13+$0x0] =	vst v3;
	v3 =	vsel vm1, v0, v6;
	vm1 =	vgt.f32 v4, $5.000000000e-01  }
0x209: {  	s8 =	sor.u32 s7, s1;
	[tilespmem:s14+$0x0] =	vst v3;
	v3 =	vsel vm1, v0, v4;
	v4 =	vld [tilespmem:s5+$0x0]  }
0x20a: {  	s1 =	sor.u32 s3, s1;
	[tilespmem:s12+$0x0] =	vst v3;
	v3 =	vld [tilespmem:s8+$0x0]  }
0x20b: {  	v6 =	vld [tilespmem:s1+$0x0];
	_ =	sdelay $0x1  }
0x20c: {  	v8 =	vld [tilespmem:s0+$0x0];
	[tilespmem:s22+$0x0] =	vst v7;
	v2 =	vsel vm0, v0, v2;
	vm0 =	vgt.f32 v5, $5.000000000e-01  }
0x20d: {  	s9 =	sor.u32 $0xA180, s17;
	v7 =	vld [tilespmem:s18+$0x0];
	[tilespmem:s19+$0x0] =	vst v2;
	v2 =	vsel vm0, v0, v5;
	vm0 =	vgt.f32 v4, $5.000000000e-01  }
0x20e: {  	s13 =	sor.u32 s20, s9;
	v5 =	vld [tilespmem:s6+$0x0];
	[tilespmem:s4+$0x0] =	vst v2;
	v2 =	vsel vm0, v0, v4;
	vm0 =	vgt.f32 v3, $5.000000000e-01  }
0x20f: {  	s10 =	sor.u32 s30, s9;
	v4 =	vld [tilespmem:s13+$0x0];
	[tilespmem:s5+$0x0] =	vst v2;
	v2 =	vsel vm0, v0, v3;
	vm0 =	vgt.f32 v6, $5.000000000e-01  }
0x210: {  	vm1 =	vgt.f32 v1, $5.000000000e-01;
	s14 =	sor.u32 s7, s9;
	v3 =	vld [tilespmem:s10+$0x0];
	[tilespmem:s8+$0x0] =	vst v2;
	v2 =	vsel vm0, v0, v6  }
0x211: {  	s15 =	sor.u32 s3, s9;
	v1 =	vsel vm1, v0, v1;
	vm0 =	vgt.f32 v8, $5.000000000e-01;
	v6 =	vld [tilespmem:s14+$0x0];
	[tilespmem:s1+$0x0] =	vst v2  }
0x212: {  	[tilespmem:s2+$0x0] =	vst v1;
	v1 =	vsel vm0, v0, v8;
	vm0 =	vgt.f32 v7, $5.000000000e-01;
	v2 =	vld [tilespmem:s15+$0x0]  }
0x213: {  	[tilespmem:s0+$0x0] =	vst v1;
	v1 =	vsel vm0, v0, v7;
	vm0 =	vgt.f32 v5, $5.000000000e-01  }
0x214: {  	[tilespmem:s18+$0x0] =	vst v1;
	v1 =	vsel vm0, v0, v5;
	vm0 =	vgt.f32 v4, $5.000000000e-01  }
0x215: {  	[tilespmem:s6+$0x0] =	vst v1;
	v1 =	vsel vm0, v0, v4;
	vm0 =	vgt.f32 v3, $5.000000000e-01  }
0x216: {  	[tilespmem:s13+$0x0] =	vst v1;
	v1 =	vsel vm0, v0, v3;
	vm0 =	vgt.f32 v6, $5.000000000e-01  }
0x217: {  	[tilespmem:s10+$0x0] =	vst v1;
	v1 =	vsel vm0, v0, v6;
	vm0 =	vgt.f32 v2, $5.000000000e-01  }
0x218: {  	[tilespmem:s14+$0x0] =	vst v1;
	v1 =	vsel vm0, v0, v2  }
0x219: {  	[tilespmem:s15+$0x0] =	vst v1  }
0x21a: {  	s16 =	simm.s32 $0x200;
	s0 =	rddreg [dreg:$0xf]  }
0x21b: {  	s17 =	simm.s32 $0x400;
	s18 =	simm.s32 $0xA000;
	s0 =	sadd.s32 s29, s0  }
0x21c: {  	[hbm4b:s0+s16] =	stream.strided.scatter [tilespmem:s18], [sflag:$0xE], $0x2000, s17, s16, $0x38;
	[tilespmem:$0x10080] =	vst v63  }
0x21d: {  	s0 =	simm.s32 @!p0 $0xD  }
0x21e: {  	_ =	swait.ge @!p0 [sflag:s0], $0x2000  }
0x21f: {  	s1 =	rddreg [dreg:$0x12]  }
0x220: {  	s19 =	simm.s32 $0x0;
	s2 =	rddreg [dreg:$0x17];
	[sflag:s0] =	ssyncset.done @!p0 $0x0  }
0x221: {  	s3 =	simm.s32 @!p0 $0x8000;
	s1 =	sadd.s32 @!p0 s2, s1;
	[sflag:s0] =	ssyncadd.s32 @!p0 $0xFFFFE000  }
0x222: {  	s20 =	simm.s32 $0x7;
	s29 =	sshll.u32 @!p0 s1, $0x8;
	s0 =	rddreg [dreg:$0x0]  }
0x223: {  	s2 =	simm.s32 @!p0 $0x400;
	s1 =	simm.s32 @!p0 $0x200;
	s0 =	sadd.s32 @!p0 s0, s29  }
0x224: {  	[tilespmem:s3], [sflag:$0x5] =	stream.strided.gather @!p0 [hbm4b:s0+s1], $0x2000, s2, s1, $0x38;
	[tilespmem:$0x10080] =	vst v63  }
0x225: {  	s4 =	sand.u32 $0x1E00, s19;
	s0 =	sand.u32 $0x40, s19;
	_ =	swait.ge [sflag:s20], $0x2000  }
0x226: {  	s21 =	sor.u32 $0xC000, s4;
	s2 =	sor.u32 $0x30, s0;
	[sflag:s20] =	ssyncset.done $0x0  }
0x227: {  	s22 =	sor.u32 s2, s21;
	[sflag:s20] =	ssyncadd.s32 $0xFFFFE000  }
0x228: {  	v1 =	vld [tilespmem:s22+$0x0];
	_ =	sdelay $0x2  }
0x229: {  	s6 =	sor.u32 $0x10, s0;
	s23 =	sor.u32 s0, s21  }
0x22a: {  	s1 =	sor.u32 $0x20, s0;
	s24 =	sor.u32 s6, s21;
	v2 =	vld [tilespmem:s23+$0x0]  }
0x22b: {  	s3 =	sor.u32 s1, s21;
	v3 =	vld [tilespmem:s24+$0x0];
	vm0 =	vgt.f32 v1, $5.000000000e-01  }
0x22c: {  	s25 =	sor.u32 $0xC080, s4;
	v4 =	vld [tilespmem:s3+$0x0];
	v1 =	vsel vm0, v0, v1  }
0x22d: {  	s26 =	sor.u32 s2, s25;
	[tilespmem:s22+$0x0] =	vst v1  }
0x22e: {  	v1 =	vld [tilespmem:s26+$0x0]  }
0x22f: {  	vm0 =	vgt.f32 v2, $5.000000000e-01  }
0x230: {  	v2 =	vsel vm0, v0, v2;
	vm0 =	vgt.f32 v3, $5.000000000e-01  }
0x231: {  	s11 =	simm.s32 $0x40;
	s12 =	simm.s32 $0x100;
	s28 =	sor.u32 s0, s25;
	[tilespmem:s23+$0x0] =	vst v2;
	v2 =	vsel vm0, v0, v3;
	vm0 =	vgt.f32 v4, $5.000000000e-01  }
0x232: {  	s30 =	sand.u32 $0x40, s11;
	s17 =	sand.u32 $0x1E00, s12;
	s13 =	sor.u32 s6, s25;
	v3 =	vld [tilespmem:s28+$0x0];
	[tilespmem:s24+$0x0] =	vst v2;
	v2 =	vsel vm0, v0, v4  }
0x233: {  	s15 =	sor.u32 $0xC000, s17;
	s14 =	sor.u32 s1, s25;
	s20 =	sor.u32 $0x30, s30;
	v4 =	vld [tilespmem:s13+$0x0];
	[tilespmem:s3+$0x0] =	vst v2;
	vm0 =	vgt.f32 v1, $5.000000000e-01  }
0x234: {  	s18 =	sor.u32 s20, s15;
	s23 =	sor.u32 $0xC100, s4;
	v2 =	vld [tilespmem:s14+$0x0];
	v1 =	vsel vm0, v0, v1  }
0x235: {  	s24 =	sor.u32 s2, s23;
	[tilespmem:s26+$0x0] =	vst v1;
	v1 =	vld [tilespmem:s18+$0x0]  }
0x236: {  	s7 =	sor.u32 $0x10, s30;
	s25 =	sor.u32 s30, s15;
	v5 =	vld [tilespmem:s24+$0x0]  }
0x237: {  	s16 =	sor.u32 s7, s15;
	v6 =	vld [tilespmem:s25+$0x0];
	s3 =	sor.u32 $0x20, s30;
	vm0 =	vgt.f32 v3, $5.000000000e-01  }
0x238: {  	v7 =	vld [tilespmem:s16+$0x0];
	s9 =	sor.u32 s3, s15;
	v3 =	vsel vm0, v0, v3;
	vm0 =	vgt.f32 v4, $5.000000000e-01  }
0x239: {  	s21 =	sor.u32 s0, s23;
	[tilespmem:s28+$0x0] =	vst v3;
	v3 =	vsel vm0, v0, v4;
	vm0 =	vgt.f32 v2, $5.000000000e-01;
	v4 =	vld [tilespmem:s9+$0x0]  }
0x23a: {  	s22 =	sor.u32 s6, s23;
	[tilespmem:s13+$0x0] =	vst v3;
	v2 =	vsel vm0, v0, v2;
	v8 =	vld [tilespmem:s21+$0x0];
	vm0 =	vgt.f32 v1, $5.000000000e-01  }
0x23b: {  	s19 =	sor.u32 s1, s23;
	s26 =	sor.u32 $0xC080, s17;
	[tilespmem:s14+$0x0] =	vst v2;
	v9 =	vld [tilespmem:s22+$0x0];
	v1 =	vsel vm0, v0, v1;
	vm0 =	vgt.f32 v5, $5.000000000e-01  }
0x23c: {  	vm1 =	vgt.f32 v6, $5.000000000e-01;
	s15 =	sor.u32 s20, s26;
	s28 =	sor.u32 $0xC180, s4;
	v2 =	vld [tilespmem:s19+$0x0];
	[tilespmem:s18+$0x0] =	vst v1;
	v1 =	vsel vm0, v0, v5  }
0x23d: {  	s2 =	sor.u32 s2, s28;
	v5 =	vsel vm1, v0, v6;
	vm0 =	vgt.f32 v7, $5.000000000e-01;
	v3 =	vld [tilespmem:s15+$0x0];
	[tilespmem:s24+$0x0] =	vst v1  }
0x23e: {  	s13 =	sor.u32 s30, s26;
	[tilespmem:s25+$0x0] =	vst v5;
	v5 =	vsel vm0, v0, v7;
	vm0 =	vgt.f32 v4, $5.000000000e-01;
	v1 =	vld [tilespmem:s2+$0x0]  }
0x23f: {  	s11 =	simm.s32 $0x80;
	s14 =	sor.u32 s7, s26;
	[tilespmem:s16+$0x0] =	vst v5;
	v5 =	vld [tilespmem:s13+$0x0];
	v4 =	vsel vm0, v0, v4;
	vm0 =	vgt.f32 v8, $5.000000000e-01  }
0x240: {  	s10 =	simm.s32 $0x200;
	s4 =	simm.s32 $0x4;
	s12 =	sor.u32 s3, s26;
	[tilespmem:s9+$0x0] =	vst v4;
	v6 =	vld [tilespmem:s14+$0x0];
	v7 =	vsel vm0, v0, v8;
	vm0 =	vgt.f32 v9, $5.000000000e-01  }
0x241: {  	s0 =	sor.u32 s0, s28;
	s18 =	sor.u32 s6, s28;
	s6 =	sor.u32 s1, s28;
	v4 =	vld [tilespmem:s12+$0x0];
	[tilespmem:s21+$0x0] =	vst v7;
	v7 =	vsel vm0, v0, v9;
	vm0 =	vgt.f32 v2, $5.000000000e-01  }
.LBB2_15:
0x242: {  	s1 =	sand.u32 $0x40, s11;
	s21 =	sand.u32 $0x1E00, s10;
	vm1 =	vgt.f32 v3, $5.000000000e-01;
	v8 =	vld [tilespmem:s0+$0x0];
	[tilespmem:s22+$0x0] =	vst v7;
	v2 =	vsel vm0, v0, v2  }
0x243: {  	s4 =	sadd.s32 $0x4, s4;
	s5 =	sor.u32 $0xC000, s21;
	s8 =	sor.u32 $0x30, s1;
	v3 =	vsel vm1, v0, v3;
	v7 =	vld [tilespmem:s18+$0x0];
	[tilespmem:s19+$0x0] =	vst v2;
	vm0 =	vgt.f32 v1, $5.000000000e-01  }
0x244: {  	p1 =	slt.u32 s4, $0x7C;
	s19 =	sor.u32 $0xC100, s17;
	s9 =	sor.u32 s8, s5;
	vm1 =	vgt.f32 v5, $5.000000000e-01;
	[tilespmem:s15+$0x0] =	vst v3;
	v2 =	vld [tilespmem:s6+$0x0];
	v1 =	vsel vm0, v0, v1  }
0x245: {  	s16 =	sor.u32 $0x10, s1;
	s28 =	sor.u32 $0x20, s1;
	s23 =	sor.u32 s20, s19;
	v3 =	vld [tilespmem:s9+$0x0];
	v5 =	vsel vm1, v0, v5;
	vm0 =	vgt.f32 v6, $5.000000000e-01;
	[tilespmem:s2+$0x0] =	vst v1  }
0x246: {  	s24 =	sor.u32 s1, s5;
	s25 =	sor.u32 s16, s5;
	s5 =	sor.u32 s28, s5;
	[tilespmem:s13+$0x0] =	vst v5;
	v1 =	vsel vm0, v0, v6;
	vm0 =	vgt.f32 v4, $5.000000000e-01;
	v5 =	vld [tilespmem:s23+$0x0]  }
0x247: {  	s26 =	sor.u32 s30, s19;
	s22 =	sor.u32 s7, s19;
	s19 =	sor.u32 s3, s19;
	v6 =	vld [tilespmem:s24+$0x0];
	[tilespmem:s14+$0x0] =	vst v1;
	v1 =	vsel vm0, v0, v4;
	vm0 =	vgt.f32 v8, $5.000000000e-01  }
0x248: {  	v4 =	vld [tilespmem:s25+$0x0];
	[tilespmem:s12+$0x0] =	vst v1;
	v1 =	vsel vm0, v0, v8;
	vm0 =	vgt.f32 v7, $5.000000000e-01  }
0x249: {  	v8 =	vld [tilespmem:s5+$0x0];
	[tilespmem:s0+$0x0] =	vst v1;
	v1 =	vsel vm0, v0, v7;
	vm0 =	vgt.f32 v2, $5.000000000e-01  }
0x24a: {  	s0 =	sor.u32 $0xC080, s21;
	vm1 =	vgt.f32 v3, $5.000000000e-01;
	v7 =	vld [tilespmem:s26+$0x0];
	[tilespmem:s18+$0x0] =	vst v1;
	v1 =	vsel vm0, v0, v2  }
0x24b: {  	s13 =	sor.u32 s1, s0;
	v2 =	vsel vm1, v0, v3;
	v9 =	vld [tilespmem:s22+$0x0];
	vm0 =	vgt.f32 v5, $5.000000000e-01;
	[tilespmem:s6+$0x0] =	vst v1  }
0x24c: {  	s15 =	sor.u32 s8, s0;
	s14 =	sor.u32 s16, s0;
	s6 =	sor.u32 $0xC180, s17;
	vm1 =	vgt.f32 v6, $5.000000000e-01;
	[tilespmem:s9+$0x0] =	vst v2;
	v2 =	vld [tilespmem:s19+$0x0];
	v1 =	vsel vm0, v0, v5  }
.Ltmp8:
0x24d: {  	s12 =	sor.u32 s28, s0;
	s2 =	sor.u32 s20, s6;
	v5 =	vsel vm1, v0, v6;
	vm0 =	vgt.f32 v4, $5.000000000e-01;
	v3 =	vld [tilespmem:s15+$0x0];
	[tilespmem:s23+$0x0] =	vst v1;
	(pc) =	sbr.rel @p1 .LBB2_15-.Ltmp8, $4  }
0x24e: {  	s0 =	sor.u32 s30, s6;
	s18 =	sor.u32 s7, s6;
	s6 =	sor.u32 s3, s6;
	[tilespmem:s24+$0x0] =	vst v5;
	v4 =	vsel vm0, v0, v4;
	vm0 =	vgt.f32 v8, $5.000000000e-01;
	v1 =	vld [tilespmem:s2+$0x0]  }
0x24f: {  	s17 =	smov.u32 s21;
	s30 =	smov.u32 s1;
	s20 =	smov.u32 s8;
	v5 =	vld [tilespmem:s13+$0x0];
	[tilespmem:s25+$0x0] =	vst v4;
	v4 =	vsel vm0, v0, v8;
	vm0 =	vgt.f32 v7, $5.000000000e-01  }
0x250: {  	s7 =	smov.u32 s16;
	s3 =	smov.u32 s28;
	v6 =	vld [tilespmem:s14+$0x0];
	[tilespmem:s5+$0x0] =	vst v4;
	v7 =	vsel vm0, v0, v7;
	vm0 =	vgt.f32 v9, $5.000000000e-01  }
0x251: {  	s10 =	sadd.s32 $0x100, s10;
	s11 =	sadd.s32 $0x40, s11;
	v4 =	vld [tilespmem:s12+$0x0];
	[tilespmem:s26+$0x0] =	vst v7;
	v7 =	vsel vm0, v0, v9;
	vm0 =	vgt.f32 v2, $5.000000000e-01  }
0x252: {  	_ = 	snop  }
0x253: {  	vm1 =	vgt.f32 v3, $5.000000000e-01  }
0x254: {  	s1 =	sor.u32 $0xC100, s17;
	v3 =	vsel vm1, v0, v3;
	vm1 =	vgt.f32 v5, $5.000000000e-01  }
0x255: {  	s4 =	sor.u32 s20, s1;
	[tilespmem:s15+$0x0] =	vst v3;
	v3 =	vsel vm1, v0, v5;
	vm1 =	vgt.f32 v6, $5.000000000e-01  }
0x256: {  	s5 =	sor.u32 s30, s1;
	v5 =	vld [tilespmem:s4+$0x0];
	[tilespmem:s13+$0x0] =	vst v3;
	v3 =	vsel vm1, v0, v6;
	vm1 =	vgt.f32 v4, $5.000000000e-01  }
0x257: {  	s8 =	sor.u32 s7, s1;
	[tilespmem:s14+$0x0] =	vst v3;
	v3 =	vsel vm1, v0, v4;
	v4 =	vld [tilespmem:s5+$0x0]  }
0x258: {  	s1 =	sor.u32 s3, s1;
	[tilespmem:s12+$0x0] =	vst v3;
	v3 =	vld [tilespmem:s8+$0x0]  }
0x259: {  	v6 =	vld [tilespmem:s1+$0x0];
	_ =	sdelay $0x1  }
0x25a: {  	v8 =	vld [tilespmem:s0+$0x0];
	[tilespmem:s22+$0x0] =	vst v7;
	v2 =	vsel vm0, v0, v2;
	vm0 =	vgt.f32 v5, $5.000000000e-01  }
0x25b: {  	s9 =	sor.u32 $0xC180, s17;
	v7 =	vld [tilespmem:s18+$0x0];
	[tilespmem:s19+$0x0] =	vst v2;
	v2 =	vsel vm0, v0, v5;
	vm0 =	vgt.f32 v4, $5.000000000e-01  }
0x25c: {  	s14 =	sor.u32 s20, s9;
	v5 =	vld [tilespmem:s6+$0x0];
	[tilespmem:s4+$0x0] =	vst v2;
	v2 =	vsel vm0, v0, v4;
	vm0 =	vgt.f32 v3, $5.000000000e-01  }
0x25d: {  	s10 =	sor.u32 s30, s9;
	v4 =	vld [tilespmem:s14+$0x0];
	[tilespmem:s5+$0x0] =	vst v2;
	v2 =	vsel vm0, v0, v3;
	vm0 =	vgt.f32 v6, $5.000000000e-01  }
0x25e: {  	s15 =	sor.u32 s7, s9;
	vm1 =	vgt.f32 v1, $5.000000000e-01;
	v3 =	vld [tilespmem:s10+$0x0];
	[tilespmem:s8+$0x0] =	vst v2;
	v2 =	vsel vm0, v0, v6  }
0x25f: {  	s16 =	sor.u32 s3, s9;
	v1 =	vsel vm1, v0, v1;
	vm0 =	vgt.f32 v8, $5.000000000e-01;
	v6 =	vld [tilespmem:s15+$0x0];
	[tilespmem:s1+$0x0] =	vst v2  }
0x260: {  	[tilespmem:s2+$0x0] =	vst v1;
	v1 =	vsel vm0, v0, v8;
	vm0 =	vgt.f32 v7, $5.000000000e-01;
	v2 =	vld [tilespmem:s16+$0x0]  }
0x261: {  	[tilespmem:s0+$0x0] =	vst v1;
	v1 =	vsel vm0, v0, v7;
	vm0 =	vgt.f32 v5, $5.000000000e-01  }
0x262: {  	[tilespmem:s18+$0x0] =	vst v1;
	v1 =	vsel vm0, v0, v5;
	vm0 =	vgt.f32 v4, $5.000000000e-01  }
0x263: {  	[tilespmem:s6+$0x0] =	vst v1;
	v1 =	vsel vm0, v0, v4;
	vm0 =	vgt.f32 v3, $5.000000000e-01  }
0x264: {  	[tilespmem:s14+$0x0] =	vst v1;
	v1 =	vsel vm0, v0, v3;
	vm0 =	vgt.f32 v6, $5.000000000e-01  }
0x265: {  	[tilespmem:s10+$0x0] =	vst v1;
	v1 =	vsel vm0, v0, v6;
	vm0 =	vgt.f32 v2, $5.000000000e-01  }
0x266: {  	[tilespmem:s15+$0x0] =	vst v1;
	v1 =	vsel vm0, v0, v2  }
0x267: {  	[tilespmem:s16+$0x0] =	vst v1  }
0x268: {  	s17 =	simm.s32 $0x400;
	s0 =	rddreg [dreg:$0x19]  }
0x269: {  	s30 =	simm.s32 $0x200;
	s18 =	simm.s32 $0xC000;
	s0 =	sadd.s32 s31, s0  }
0x26a: {  	[hbm4b:s0+s30] =	stream.strided.scatter [tilespmem:s18], [sflag:$0xF], $0x2000, s17, s30, $0x38;
	[tilespmem:$0x10080] =	vst v63  }
0x26b: {  	s0 =	simm.s32 @!p0 $0xE  }
0x26c: {  	s3 =	simm.s32 @!p0 $0xA000;
	_ =	swait.ge @!p0 [sflag:s0], $0x2000  }
0x26d: {  	s19 =	simm.s32 $0x0;
	s20 =	simm.s32 $0x8;
	[sflag:s0] =	ssyncset.done @!p0 $0x0  }
0x26e: {  	s1 =	sand.u32 @!p0 $0x1FF000, s29;
	[sflag:s0] =	ssyncadd.s32 @!p0 $0xFFFFE000;
	s0 =	rddreg [dreg:$0x7]  }
0x26f: {  	s2 =	simm.s32 @!p0 $0x400;
	s0 =	sadd.s32 @!p0 s1, s0;
	s1 =	simm.s32 @!p0 $0x200  }
0x270: {  	[tilespmem:s3], [sflag:$0x6] =	stream.strided.gather @!p0 [hbm4b:s0+s1], $0x2000, s2, s1, $0x38;
	[tilespmem:$0x10080] =	vst v63  }
0x271: {  	s4 =	sand.u32 $0x1E00, s19;
	s0 =	sand.u32 $0x40, s19;
	_ =	swait.ge [sflag:s20], $0x2000  }
0x272: {  	s21 =	sor.u32 $0xE000, s4;
	s2 =	sor.u32 $0x30, s0;
	[sflag:s20] =	ssyncset.done $0x0  }
0x273: {  	s22 =	sor.u32 s2, s21;
	[sflag:s20] =	ssyncadd.s32 $0xFFFFE000  }
0x274: {  	v1 =	vld [tilespmem:s22+$0x0];
	_ =	sdelay $0x2  }
0x275: {  	s6 =	sor.u32 $0x10, s0;
	s23 =	sor.u32 s0, s21  }
0x276: {  	s1 =	sor.u32 $0x20, s0;
	s24 =	sor.u32 s6, s21;
	v2 =	vld [tilespmem:s23+$0x0]  }
0x277: {  	s3 =	sor.u32 s1, s21;
	v3 =	vld [tilespmem:s24+$0x0];
	vm0 =	vgt.f32 v1, $5.000000000e-01  }
0x278: {  	s25 =	sor.u32 $0xE080, s4;
	v4 =	vld [tilespmem:s3+$0x0];
	v1 =	vsel vm0, v0, v1  }
0x279: {  	s26 =	sor.u32 s2, s25;
	[tilespmem:s22+$0x0] =	vst v1  }
0x27a: {  	v1 =	vld [tilespmem:s26+$0x0]  }
0x27b: {  	vm0 =	vgt.f32 v2, $5.000000000e-01  }
0x27c: {  	v2 =	vsel vm0, v0, v2;
	vm0 =	vgt.f32 v3, $5.000000000e-01  }
0x27d: {  	s11 =	simm.s32 $0x40;
	s12 =	simm.s32 $0x100;
	s29 =	sor.u32 s0, s25;
	[tilespmem:s23+$0x0] =	vst v2;
	v2 =	vsel vm0, v0, v3;
	vm0 =	vgt.f32 v4, $5.000000000e-01  }
0x27e: {  	s28 =	sand.u32 $0x40, s11;
	s17 =	sand.u32 $0x1E00, s12;
	s13 =	sor.u32 s6, s25;
	v3 =	vld [tilespmem:s29+$0x0];
	[tilespmem:s24+$0x0] =	vst v2;
	v2 =	vsel vm0, v0, v4  }
0x27f: {  	s15 =	sor.u32 $0xE000, s17;
	s14 =	sor.u32 s1, s25;
	s20 =	sor.u32 $0x30, s28;
	v4 =	vld [tilespmem:s13+$0x0];
	[tilespmem:s3+$0x0] =	vst v2;
	vm0 =	vgt.f32 v1, $5.000000000e-01  }
0x280: {  	s18 =	sor.u32 s20, s15;
	s23 =	sor.u32 $0xE100, s4;
	v2 =	vld [tilespmem:s14+$0x0];
	v1 =	vsel vm0, v0, v1  }
0x281: {  	s24 =	sor.u32 s2, s23;
	[tilespmem:s26+$0x0] =	vst v1;
	v1 =	vld [tilespmem:s18+$0x0]  }
0x282: {  	s7 =	sor.u32 $0x10, s28;
	s25 =	sor.u32 s28, s15;
	v5 =	vld [tilespmem:s24+$0x0]  }
0x283: {  	s16 =	sor.u32 s7, s15;
	v6 =	vld [tilespmem:s25+$0x0];
	s3 =	sor.u32 $0x20, s28;
	vm0 =	vgt.f32 v3, $5.000000000e-01  }
0x284: {  	v7 =	vld [tilespmem:s16+$0x0];
	s9 =	sor.u32 s3, s15;
	v3 =	vsel vm0, v0, v3;
	vm0 =	vgt.f32 v4, $5.000000000e-01  }
0x285: {  	s21 =	sor.u32 s0, s23;
	[tilespmem:s29+$0x0] =	vst v3;
	v3 =	vsel vm0, v0, v4;
	vm0 =	vgt.f32 v2, $5.000000000e-01;
	v4 =	vld [tilespmem:s9+$0x0]  }
0x286: {  	s22 =	sor.u32 s6, s23;
	[tilespmem:s13+$0x0] =	vst v3;
	v2 =	vsel vm0, v0, v2;
	v8 =	vld [tilespmem:s21+$0x0];
	vm0 =	vgt.f32 v1, $5.000000000e-01  }
0x287: {  	s19 =	sor.u32 s1, s23;
	s26 =	sor.u32 $0xE080, s17;
	[tilespmem:s14+$0x0] =	vst v2;
	v9 =	vld [tilespmem:s22+$0x0];
	v1 =	vsel vm0, v0, v1;
	vm0 =	vgt.f32 v5, $5.000000000e-01  }
0x288: {  	vm1 =	vgt.f32 v6, $5.000000000e-01;
	s15 =	sor.u32 s20, s26;
	s29 =	sor.u32 $0xE180, s4;
	v2 =	vld [tilespmem:s19+$0x0];
	[tilespmem:s18+$0x0] =	vst v1;
	v1 =	vsel vm0, v0, v5  }
0x289: {  	s2 =	sor.u32 s2, s29;
	v5 =	vsel vm1, v0, v6;
	vm0 =	vgt.f32 v7, $5.000000000e-01;
	v3 =	vld [tilespmem:s15+$0x0];
	[tilespmem:s24+$0x0] =	vst v1  }
0x28a: {  	s13 =	sor.u32 s28, s26;
	[tilespmem:s25+$0x0] =	vst v5;
	v5 =	vsel vm0, v0, v7;
	vm0 =	vgt.f32 v4, $5.000000000e-01;
	v1 =	vld [tilespmem:s2+$0x0]  }
0x28b: {  	s11 =	simm.s32 $0x80;
	s14 =	sor.u32 s7, s26;
	[tilespmem:s16+$0x0] =	vst v5;
	v5 =	vld [tilespmem:s13+$0x0];
	v4 =	vsel vm0, v0, v4;
	vm0 =	vgt.f32 v8, $5.000000000e-01  }
0x28c: {  	s10 =	simm.s32 $0x200;
	s4 =	simm.s32 $0x4;
	s12 =	sor.u32 s3, s26;
	[tilespmem:s9+$0x0] =	vst v4;
	v6 =	vld [tilespmem:s14+$0x0];
	v7 =	vsel vm0, v0, v8;
	vm0 =	vgt.f32 v9, $5.000000000e-01  }
0x28d: {  	s0 =	sor.u32 s0, s29;
	s18 =	sor.u32 s6, s29;
	s6 =	sor.u32 s1, s29;
	v4 =	vld [tilespmem:s12+$0x0];
	[tilespmem:s21+$0x0] =	vst v7;
	v7 =	vsel vm0, v0, v9;
	vm0 =	vgt.f32 v2, $5.000000000e-01  }
.LBB2_17:
0x28e: {  	s1 =	sand.u32 $0x40, s11;
	s21 =	sand.u32 $0x1E00, s10;
	vm1 =	vgt.f32 v3, $5.000000000e-01;
	v8 =	vld [tilespmem:s0+$0x0];
	[tilespmem:s22+$0x0] =	vst v7;
	v2 =	vsel vm0, v0, v2  }
0x28f: {  	s4 =	sadd.s32 $0x4, s4;
	s5 =	sor.u32 $0xE000, s21;
	s8 =	sor.u32 $0x30, s1;
	v3 =	vsel vm1, v0, v3;
	v7 =	vld [tilespmem:s18+$0x0];
	[tilespmem:s19+$0x0] =	vst v2;
	vm0 =	vgt.f32 v1, $5.000000000e-01  }
0x290: {  	p1 =	slt.u32 s4, $0x7C;
	s19 =	sor.u32 $0xE100, s17;
	s9 =	sor.u32 s8, s5;
	vm1 =	vgt.f32 v5, $5.000000000e-01;
	[tilespmem:s15+$0x0] =	vst v3;
	v2 =	vld [tilespmem:s6+$0x0];
	v1 =	vsel vm0, v0, v1  }
0x291: {  	s16 =	sor.u32 $0x10, s1;
	s29 =	sor.u32 $0x20, s1;
	s23 =	sor.u32 s20, s19;
	v3 =	vld [tilespmem:s9+$0x0];
	v5 =	vsel vm1, v0, v5;
	vm0 =	vgt.f32 v6, $5.000000000e-01;
	[tilespmem:s2+$0x0] =	vst v1  }
0x292: {  	s24 =	sor.u32 s1, s5;
	s25 =	sor.u32 s16, s5;
	s5 =	sor.u32 s29, s5;
	[tilespmem:s13+$0x0] =	vst v5;
	v1 =	vsel vm0, v0, v6;
	vm0 =	vgt.f32 v4, $5.000000000e-01;
	v5 =	vld [tilespmem:s23+$0x0]  }
0x293: {  	s26 =	sor.u32 s28, s19;
	s22 =	sor.u32 s7, s19;
	s19 =	sor.u32 s3, s19;
	v6 =	vld [tilespmem:s24+$0x0];
	[tilespmem:s14+$0x0] =	vst v1;
	v1 =	vsel vm0, v0, v4;
	vm0 =	vgt.f32 v8, $5.000000000e-01  }
0x294: {  	v4 =	vld [tilespmem:s25+$0x0];
	[tilespmem:s12+$0x0] =	vst v1;
	v1 =	vsel vm0, v0, v8;
	vm0 =	vgt.f32 v7, $5.000000000e-01  }
0x295: {  	v8 =	vld [tilespmem:s5+$0x0];
	[tilespmem:s0+$0x0] =	vst v1;
	v1 =	vsel vm0, v0, v7;
	vm0 =	vgt.f32 v2, $5.000000000e-01  }
0x296: {  	s0 =	sor.u32 $0xE080, s21;
	vm1 =	vgt.f32 v3, $5.000000000e-01;
	v7 =	vld [tilespmem:s26+$0x0];
	[tilespmem:s18+$0x0] =	vst v1;
	v1 =	vsel vm0, v0, v2  }
0x297: {  	s13 =	sor.u32 s1, s0;
	v2 =	vsel vm1, v0, v3;
	v9 =	vld [tilespmem:s22+$0x0];
	vm0 =	vgt.f32 v5, $5.000000000e-01;
	[tilespmem:s6+$0x0] =	vst v1  }
0x298: {  	s15 =	sor.u32 s8, s0;
	s14 =	sor.u32 s16, s0;
	s6 =	sor.u32 $0xE180, s17;
	vm1 =	vgt.f32 v6, $5.000000000e-01;
	[tilespmem:s9+$0x0] =	vst v2;
	v2 =	vld [tilespmem:s19+$0x0];
	v1 =	vsel vm0, v0, v5  }
.Ltmp9:
0x299: {  	s12 =	sor.u32 s29, s0;
	s2 =	sor.u32 s20, s6;
	v5 =	vsel vm1, v0, v6;
	vm0 =	vgt.f32 v4, $5.000000000e-01;
	v3 =	vld [tilespmem:s15+$0x0];
	[tilespmem:s23+$0x0] =	vst v1;
	(pc) =	sbr.rel @p1 .LBB2_17-.Ltmp9, $4  }
0x29a: {  	s0 =	sor.u32 s28, s6;
	s18 =	sor.u32 s7, s6;
	s6 =	sor.u32 s3, s6;
	[tilespmem:s24+$0x0] =	vst v5;
	v4 =	vsel vm0, v0, v4;
	vm0 =	vgt.f32 v8, $5.000000000e-01;
	v1 =	vld [tilespmem:s2+$0x0]  }
0x29b: {  	s17 =	smov.u32 s21;
	s28 =	smov.u32 s1;
	s20 =	smov.u32 s8;
	v5 =	vld [tilespmem:s13+$0x0];
	[tilespmem:s25+$0x0] =	vst v4;
	v4 =	vsel vm0, v0, v8;
	vm0 =	vgt.f32 v7, $5.000000000e-01  }
0x29c: {  	s7 =	smov.u32 s16;
	s3 =	smov.u32 s29;
	v6 =	vld [tilespmem:s14+$0x0];
	[tilespmem:s5+$0x0] =	vst v4;
	v7 =	vsel vm0, v0, v7;
	vm0 =	vgt.f32 v9, $5.000000000e-01  }
0x29d: {  	s10 =	sadd.s32 $0x100, s10;
	s11 =	sadd.s32 $0x40, s11;
	v4 =	vld [tilespmem:s12+$0x0];
	[tilespmem:s26+$0x0] =	vst v7;
	v7 =	vsel vm0, v0, v9;
	vm0 =	vgt.f32 v2, $5.000000000e-01  }
0x29e: {  	_ = 	snop  }
0x29f: {  	vm1 =	vgt.f32 v3, $5.000000000e-01  }
0x2a0: {  	s1 =	sor.u32 $0xE100, s17;
	v3 =	vsel vm1, v0, v3;
	vm13 =	vgt.f32 v5, $5.000000000e-01  }
0x2a1: {  	s4 =	sor.u32 s20, s1;
	[tilespmem:s15+$0x0] =	vst v3;
	v3 =	vsel vm13, v0, v5;
	vm14 =	vgt.f32 v6, $5.000000000e-01  }
0x2a2: {  	s5 =	sor.u32 s28, s1;
	v58 =	vld [tilespmem:s4+$0x0];
	[tilespmem:s13+$0x0] =	vst v3;
	v3 =	vsel vm14, v0, v6;
	vm15 =	vgt.f32 v4, $5.000000000e-01  }
0x2a3: {  	s8 =	sor.u32 s7, s1;
	[tilespmem:s14+$0x0] =	vst v3;
	v3 =	vsel vm15, v0, v4;
	v59 =	vld [tilespmem:s5+$0x0]  }
0x2a4: {  	s1 =	sor.u32 s3, s1;
	[tilespmem:s12+$0x0] =	vst v3;
	v3 =	vld [tilespmem:s8+$0x0]  }
0x2a5: {  	v60 =	vld [tilespmem:s1+$0x0];
	_ =	sdelay $0x1  }
0x2a6: {  	v8 =	vld [tilespmem:s0+$0x0];
	[tilespmem:s22+$0x0] =	vst v7;
	v2 =	vsel vm0, v0, v2;
	vm4 =	vgt.f32 v58, $5.000000000e-01  }
0x2a7: {  	s9 =	sor.u32 $0xE180, s17;
	v7 =	vld [tilespmem:s18+$0x0];
	[tilespmem:s19+$0x0] =	vst v2;
	v2 =	vsel vm4, v0, v58;
	vm5 =	vgt.f32 v59, $5.000000000e-01  }
0x2a8: {  	s26 =	sor.u32 s20, s9;
	v61 =	vld [tilespmem:s6+$0x0];
	[tilespmem:s4+$0x0] =	vst v2;
	v2 =	vsel vm5, v0, v59;
	vm6 =	vgt.f32 v3, $5.000000000e-01  }
0x2a9: {  	s10 =	sor.u32 s28, s9;
	v62 =	vld [tilespmem:s26+$0x0];
	[tilespmem:s5+$0x0] =	vst v2;
	v2 =	vsel vm6, v0, v3;
	vm7 =	vgt.f32 v60, $5.000000000e-01  }
0x2aa: {  	vm8 =	vgt.f32 v1, $5.000000000e-01;
	s28 =	sor.u32 s7, s9;
	v3 =	vld [tilespmem:s10+$0x0];
	[tilespmem:s8+$0x0] =	vst v2;
	v2 =	vsel vm7, v0, v60  }
0x2ab: {  	s29 =	sor.u32 s3, s9;
	v1 =	vsel vm8, v0, v1;
	vm9 =	vgt.f32 v8, $5.000000000e-01;
	v63 =	vld [tilespmem:s28+$0x0];
	[tilespmem:s1+$0x0] =	vst v2  }
0x2ac: {  	[tilespmem:s2+$0x0] =	vst v1;
	v1 =	vsel vm9, v0, v8;
	vm10 =	vgt.f32 v7, $5.000000000e-01;
	v2 =	vld [tilespmem:s29+$0x0]  }
0x2ad: {  	[tilespmem:s0+$0x0] =	vst v1;
	v1 =	vsel vm10, v0, v7;
	vm11 =	vgt.f32 v61, $5.000000000e-01  }
0x2ae: {  	[tilespmem:s18+$0x0] =	vst v1;
	v1 =	vsel vm11, v0, v61;
	vm12 =	vgt.f32 v62, $5.000000000e-01  }
0x2af: {  	[tilespmem:s6+$0x0] =	vst v1;
	v1 =	vsel vm12, v0, v62;
	vm13 =	vgt.f32 v3, $5.000000000e-01  }
0x2b0: {  	[tilespmem:s26+$0x0] =	vst v1;
	v1 =	vsel vm13, v0, v3;
	vm14 =	vgt.f32 v63, $5.000000000e-01  }
0x2b1: {  	[tilespmem:s10+$0x0] =	vst v1;
	v1 =	vsel vm14, v0, v63;
	vm15 =	vgt.f32 v2, $5.000000000e-01  }
.Ltmp10:
0x2b2: {  	[tilespmem:s28+$0x0] =	vst v1;
	v1 =	vsel vm15, v0, v2;
	(pc) =	sbr.rel @p0 .LBB2_20-.Ltmp10, $4  }
0x2b3: {  	[tilespmem:s29+$0x0] =	vst v1  }
0x2b4: {  	s0 =	rddreg [dreg:$0x18]  }
0x2b5: {  	s16 =	simm.s32 $0xE000;
	s9 =	simm.s32 $0x400;
	s0 =	sadd.s32 s31, s0  }
0x2b6: {  	[hbm4b:s0+s30] =	stream.strided.scatter [tilespmem:s16], [sflag:$0x10], $0x2000, s9, s30, $0x38;
	[tilespmem:$0x10080] =	vst v63  }
0x2b7: {  	s1 =	simm.s32 $0xF  }
0x2b8: {  	_ =	swait.ge [sflag:s1], $0x2000  }
0x2b9: {  	s0 =	rddreg [dreg:$0x13]  }
0x2ba: {  	s2 =	rddreg [dreg:$0x17];
	[sflag:s1] =	ssyncset.done $0x0  }
0x2bb: {  	s0 =	sadd.s32 s2, s0;
	[sflag:s1] =	ssyncadd.s32 $0xFFFFE000  }
.Ltmp11:
0x2bc: {  	s0 =	sshll.u32 s0, $0x8;
	s1 =	rddreg [dreg:$0x0];
	(pc) =	sbr.rel .LBB2_2-.Ltmp11, $4  }
0x2bd: {  	s28 =	simm.s32 $0xC000;
	s29 =	rddreg [dreg:$0x16];
	s0 =	sadd.s32 s1, s0  }
0x2be: {  	[tilespmem:s28], [sflag:$0x7] =	stream.strided.gather [hbm4b:s0+s30], $0x2000, s9, s30, $0x38;
	[tilespmem:$0x10080] =	vst v63  }
0x2bf: {  	s0 =	sadd.s32 $0x1, s29  }
0x2c0: {  	[dreg:$0x16] =	wrdreg s0  }
.LBB2_21:
0x2c1: {  	_ =	sfence.sel $0x180000  }
0x2c2: {  	[bflag:$0x0] =	sbarrier.arrive $0xFFFF  }
0x2c3: {  	_ =	strace $0x90000047  }
0x2c4: {  	s0 =	stileid.u32;
	[bflag:$0x2] =	sbarrier.arrive $0xFFFF  }
0x2c5: {  	p0 =	sne.s32 s0, $0x0;
	s0 =	rddreg [dreg:$0x2]  }
0x2c6: {  	s0 =	sadd.s32 @!p0 $0x100000, s0  }
0x2c7: {  	[sflag:s0] =	ssyncadd.tile.s32 @!p0 $0x1;
	_ =	shalt  }
.Lfunc_end2:
_tile_overlayer_lowered:
.L_overlay_start_2:
0x2c8: {  	(tag) =	ssettag $0x2  }
0x2c9: {  	s0 =	rddreg [dreg:$0x0];
	s2 =	stileid.u32  }
0x2ca: {  	s1 =	rddreg [dreg:$0x1];
	p0 =	sne.s32 s2, $0x0  }
0x2cb: {  	s3 =	rddreg [dreg:$0x2];
	[bflag:$0x3] =	sbarrier.arrive $0xFFFF;
	s2 =	simm.s32 @!p0 $0x1C11  }
0x2cc: {  	[timem:s3], [sflag:s2] =	dma.local @!p0 [hbm:s0], s1  }
0x2cd: {  	s0 =	simm.s32 @!p0 $0x11  }
0x2ce: {  	_ =	swait.ge @!p0 [sflag:s0], s1  }
0x2cf: {  	s1 =	ssub.s32 @!p0 $0x0, s1;
	[sflag:s0] =	ssyncset.done @!p0 $0x0  }
0x2d0: {  	[sflag:s0] =	ssyncadd.s32 @!p0 s1  }
0x2d1: {  	[bflag:$0x3] =	sbarrier.arrive $0xFFFF  }
0x2d2: {  	_ =	shalt  }

</sc_bundles>
